<compile_context>
chip_gen: v7x
topology: tpu7x:2x2x1
jax: 0.10.2.dev20260603
libtpu: 0.0.44.dev20260713+nightly
codegen_flags: <defaults>
</compile_context>

<pallas_src>
import functools

import jax
import jax.numpy as jnp
from jax import lax
from jax.experimental import pallas as pl
from jax.experimental.pallas import tpu as pltpu
from jax.experimental.pallas import tpu_sc as plsc

N = 10000
NP = 10240
E = 320000
NC, NS = 2, 16
NW = NC * NS
EPW = 10240
EP = NW * EPW
KB = 128
NBLK = EPW // KB
RPT = NP // NS
G = 64
C = 10
BLK = 1024
GRID = NP // BLK
NEG = 0.01
SHIFT = 14
MASK = (1 << SHIFT) - 1

_mesh = plsc.VectorSubcoreMesh(core_axis_name="c", subcore_axis_name="s")


def _fill(ref, nrows, ncols, val):
    v = jnp.full((16,), val, jnp.float32)

    def body(i, _):
        for j in range(ncols // 16):
            ref[i, pl.ds(j * 16, 16)] = v
        return 0

    lax.fori_loop(0, nrows, body, 0)


def _unpack(packed, b, sidx, didx):
    for j in range(KB // 16):
        v = packed[b, pl.ds(j * 16, 16)]
        if sidx is not None:
            sidx[pl.ds(j * 16, 16)] = lax.shift_right_logical(v, SHIFT)
        didx[pl.ds(j * 16, 16)] = lax.bitwise_and(v, MASK)


@functools.partial(
    pl.kernel,
    out_type=jax.ShapeDtypeStruct((2 * NP, 16), jnp.float32),
    mesh=_mesh,
    scratch_types=[
        pltpu.VMEM((NBLK, KB), jnp.int32),
        pltpu.VMEM((KB,), jnp.int32),
        pltpu.VMEM((KB,), jnp.int32),
        pltpu.VMEM((KB, 16), jnp.float32),
        pltpu.VMEM_SHARED((NP, 16), jnp.float32),
        pltpu.SemaphoreType.DMA,
        pltpu.SemaphoreType.DMA,
    ],
)
def _sc_degree(edges_hbm, out_hbm, packed, didx0, didx1, buf, acc, s0, s1):
    c = lax.axis_index("c")
    s = lax.axis_index("s")
    wid = c * NS + s
    ssem = (s0, s1)
    didx = (didx0, didx1)

    pltpu.sync_copy(edges_hbm.at[wid], packed)
    _fill(buf, KB, 16, 0.0)
    for t in range(RPT // KB):
        pltpu.sync_copy(buf, acc.at[pl.ds(s * RPT + t * KB, KB)])
    _fill(buf, KB, 16, 1.0)
    plsc.subcore_barrier()

    def blk(b, _):
        _unpack(packed, b, None, didx[0])
        pltpu.async_copy(buf, acc.at[didx[0]], ssem[0], add=True)
        pltpu.make_async_copy(buf, acc.at[didx[0]], ssem[0]).wait()
        return 0

    lax.fori_loop(0, NBLK, blk, 0)
    plsc.subcore_barrier()
    pltpu.sync_copy(acc.at[pl.ds(s * RPT, RPT)],
                    out_hbm.at[pl.ds(c * NP + s * RPT, RPT)])


@functools.partial(
    pl.kernel,
    out_type=jax.ShapeDtypeStruct((2 * NP, 128), jnp.float32),
    mesh=_mesh,
    scratch_types=[
        pltpu.VMEM((NBLK, KB), jnp.int32),
        pltpu.VMEM((KB,), jnp.int32),
        pltpu.VMEM((KB,), jnp.int32),
        pltpu.VMEM((KB,), jnp.int32),
        pltpu.VMEM((KB,), jnp.int32),
        pltpu.VMEM((2, KB, 128), jnp.float32),
        pltpu.VMEM_SHARED((NP, 128), jnp.float32),
        pltpu.SemaphoreType.DMA,
        pltpu.SemaphoreType.DMA,
        pltpu.SemaphoreType.DMA,
        pltpu.SemaphoreType.DMA,
    ],
)
def _sc_edge_pass(m_hbm, edges_hbm, out_hbm, packed, sidx0, sidx1,
                  didx0, didx1, rows, acc, g0, g1, s0, s1):
    c = lax.axis_index("c")
    s = lax.axis_index("s")
    wid = c * NS + s
    gsem = (g0, g1)
    ssem = (s0, s1)
    sidx = (sidx0, sidx1)
    didx = (didx0, didx1)

    pltpu.sync_copy(edges_hbm.at[wid], packed)
    _fill(rows.at[0], KB, 128, 0.0)
    for t in range(RPT // KB):
        pltpu.sync_copy(rows.at[0], acc.at[pl.ds(s * RPT + t * KB, KB)])
    plsc.subcore_barrier()

    def gath(j):
        pltpu.async_copy(m_hbm.at[sidx[j]], rows.at[j], gsem[j])

    def gwait(j):
        pltpu.make_async_copy(m_hbm.at[sidx[j]], rows.at[j], gsem[j]).wait()

    def scat_sync(j):
        pltpu.async_copy(rows.at[j], acc.at[didx[j]], ssem[j], add=True)
        pltpu.make_async_copy(rows.at[j], acc.at[didx[j]], ssem[j]).wait()

    def blk(b, _):
        _unpack(packed, b, sidx[0], didx[0])
        gath(0)
        gwait(0)
        scat_sync(0)
        return 0

    lax.fori_loop(0, NBLK, blk, 0)

    plsc.subcore_barrier()
    pltpu.sync_copy(acc.at[pl.ds(s * RPT, RPT)],
                    out_hbm.at[pl.ds(c * NP + s * RPT, RPT)])


def _t1_body(x_ref, w_ref, d0_ref, d1_ref, m_ref, dv_ref):
    i = pl.program_id(0)
    deg = d0_ref[:, 0:1] + d1_ref[:, 0:1] + 1.0
    rows = i * BLK + lax.broadcasted_iota(jnp.int32, (BLK, 1), 0)
    dinv = jnp.where(rows < N, lax.rsqrt(deg), 0.0)
    dv = jnp.broadcast_to(dinv, (BLK, 128))
    dv_ref[...] = dv
    m_ref[...] = jnp.dot(x_ref[...], w_ref[...],
                         preferred_element_type=jnp.float32) * dv


def _t1(x, w1, degp0, degp1):
    return pl.pallas_call(
        _t1_body,
        grid=(GRID,),
        in_specs=[
            pl.BlockSpec((BLK, 128), lambda i: (i, 0)),
            pl.BlockSpec((128, 128), lambda i: (0, 0)),
            pl.BlockSpec((BLK, 16), lambda i: (i, 0)),
            pl.BlockSpec((BLK, 16), lambda i: (i, 0)),
        ],
        out_specs=[
            pl.BlockSpec((BLK, 128), lambda i: (i, 0)),
            pl.BlockSpec((BLK, 128), lambda i: (i, 0)),
        ],
        out_shape=[
            jax.ShapeDtypeStruct((NP, 128), jnp.float32),
            jax.ShapeDtypeStruct((NP, 128), jnp.float32),
        ],
    )(x, w1, degp0, degp1)


def _t2_body(p0_ref, p1_ref, m_ref, dv_ref, b_ref, w_ref, out_ref):
    h = (p0_ref[...] + p1_ref[...] + m_ref[...]) * dv_ref[...] + b_ref[...]
    h = jnp.where(h >= 0, h, NEG * h)
    out_ref[...] = jnp.dot(h, w_ref[...],
                           preferred_element_type=jnp.float32) * dv_ref[...]


def _t2(p0, p1, m, dv, b, w):
    return pl.pallas_call(
        _t2_body,
        grid=(GRID,),
        in_specs=[
            pl.BlockSpec((BLK, 128), lambda i: (i, 0)),
            pl.BlockSpec((BLK, 128), lambda i: (i, 0)),
            pl.BlockSpec((BLK, 128), lambda i: (i, 0)),
            pl.BlockSpec((BLK, 128), lambda i: (i, 0)),
            pl.BlockSpec((1, 128), lambda i: (0, 0)),
            pl.BlockSpec((128, 128), lambda i: (0, 0)),
        ],
        out_specs=pl.BlockSpec((BLK, 128), lambda i: (i, 0)),
        out_shape=jax.ShapeDtypeStruct((NP, 128), jnp.float32),
    )(p0, p1, m, dv, b, w)


def _t3_body(p0_ref, p1_ref, m_ref, dv_ref, b_ref, bid_ref, wl_ref, bl_ref,
             wo_ref, bo_ref, lg_ref, pr_ref, em_ref, sp_acc, ct_acc):
    i = pl.program_id(0)

    @pl.when(i == 0)
    def _():
        sp_acc[...] = jnp.zeros((G, 128), jnp.float32)
        ct_acc[...] = jnp.zeros((G, 128), jnp.float32)

    h3 = (p0_ref[...] + p1_ref[...] + m_ref[...]) * dv_ref[...] + b_ref[...]
    bid = bid_ref[0, 0, :]
    oh = (lax.broadcasted_iota(jnp.int32, (G, BLK), 0)
          == bid[None, :]).astype(jnp.float32)
    sp_acc[...] += jnp.dot(oh, h3, preferred_element_type=jnp.float32)
    ct_acc[...] += jnp.broadcast_to(
        jnp.sum(oh, axis=1, keepdims=True), (G, 128))

    @pl.when(i == GRID - 1)
    def _():
        sp = sp_acc[...]
        cnt = ct_acc[...][:, 0:1]
        mp = sp / jnp.maximum(cnt, 1.0)
        em = jnp.concatenate([sp, mp], axis=1)
        em_ref[...] = em
        h2 = jnp.dot(em, wl_ref[...],
                     preferred_element_type=jnp.float32) + bl_ref[...]
        h2 = jnp.maximum(h2, 0.0)
        lg = jnp.dot(h2, wo_ref[...],
                     preferred_element_type=jnp.float32) + bo_ref[...]
        lg_ref[...] = lg
        col = lax.broadcasted_iota(jnp.int32, (G, 128), 1)
        lgm = jnp.where(col < C, lg, -1e30)
        mx = jnp.max(lgm, axis=1, keepdims=True)
        ex = jnp.exp(lgm - mx)
        pr_ref[...] = ex / jnp.sum(ex, axis=1, keepdims=True)


def _t3(p0, p1, m, dv, b3, bid3, wl, bl, wo, bo):
    return pl.pallas_call(
        _t3_body,
        grid=(GRID,),
        in_specs=[
            pl.BlockSpec((BLK, 128), lambda i: (i, 0)),
            pl.BlockSpec((BLK, 128), lambda i: (i, 0)),
            pl.BlockSpec((BLK, 128), lambda i: (i, 0)),
            pl.BlockSpec((BLK, 128), lambda i: (i, 0)),
            pl.BlockSpec((1, 128), lambda i: (0, 0)),
            pl.BlockSpec((1, 1, BLK), lambda i: (i, 0, 0)),
            pl.BlockSpec((256, 128), lambda i: (0, 0)),
            pl.BlockSpec((1, 128), lambda i: (0, 0)),
            pl.BlockSpec((128, 128), lambda i: (0, 0)),
            pl.BlockSpec((1, 128), lambda i: (0, 0)),
        ],
        out_specs=[
            pl.BlockSpec((G, 128), lambda i: (0, 0)),
            pl.BlockSpec((G, 128), lambda i: (0, 0)),
            pl.BlockSpec((G, 256), lambda i: (0, 0)),
        ],
        out_shape=[
            jax.ShapeDtypeStruct((G, 128), jnp.float32),
            jax.ShapeDtypeStruct((G, 128), jnp.float32),
            jax.ShapeDtypeStruct((G, 256), jnp.float32),
        ],
        scratch_shapes=[
            pltpu.VMEM((G, 128), jnp.float32),
            pltpu.VMEM((G, 128), jnp.float32),
        ],
    )(p0, p1, m, dv, b3, bid3, wl, bl, wo, bo)


def kernel(x, edge_index, batch_ids, W1, b1, W2, b2, W3, b3,
           Wlin, blin, Wout, bout):
    f32 = jnp.float32
    src = edge_index[0].astype(jnp.int32)
    dst = edge_index[1].astype(jnp.int32)
    packed = src * (1 << SHIFT) + dst
    padrow = N + jnp.arange(EP - E, dtype=jnp.int32) % (NP - N)
    padv = padrow * (1 << SHIFT) + padrow
    edges = jnp.concatenate([packed, padv]).reshape(NW, NBLK, KB)

    x_p = jnp.zeros((NP, 128), f32).at[:N].set(x)
    bid_p = jnp.full((NP,), G, jnp.int32).at[:N].set(batch_ids.astype(jnp.int32))
    bid3 = bid_p.reshape(GRID, 1, BLK)

    b1r = b1.reshape(1, 128)
    b2r = b2.reshape(1, 128)
    b3r = b3.reshape(1, 128)
    blr = blin.reshape(1, 128)
    wo_p = jnp.zeros((128, 128), f32).at[:, :C].set(Wout)
    bo_p = jnp.zeros((1, 128), f32).at[0, :C].set(bout)

    degp = _sc_degree(edges)
    m1, dv = _t1(x_p, W1, degp[:NP], degp[NP:])
    p1_ = _sc_edge_pass(m1, edges)
    m2 = _t2(p1_[:NP], p1_[NP:], m1, dv, b1r, W2)
    p2_ = _sc_edge_pass(m2, edges)
    m3 = _t2(p2_[:NP], p2_[NP:], m2, dv, b2r, W3)
    p3_ = _sc_edge_pass(m3, edges)
    lg, pr, em = _t3(p3_[:NP], p3_[NP:], m3, dv, b3r, bid3, Wlin, blr,
                     wo_p, bo_p)
    return lg[:, :C], pr[:, :C], em

# --- scband reference (transcript-rebuilt; emitter-appended) ---
"""Pipeline reference for scband-gcnclassifier-29549374997129 (READ-ONLY COPY).

The authoritative reference and input builder live on the scoring server;
editing this copy changes nothing except your own understanding.
"""

import jax, jax.numpy as jnp
import numpy as np

N_NODES = 10000
N_EDGES = 320000
D_FEAT = 128
HIDDEN = 128
NUM_CLASSES = 10
NUM_GRAPHS = 64
NEG_SLOPE = 0.01


def setup_inputs(seed: int = 0) -> dict:
    key = jax.random.key(seed)
    ks = jax.random.split(key, 16)
    x = jax.random.normal(ks[0], (N_NODES, D_FEAT), dtype=jnp.float32)
    edge_index = jax.random.randint(ks[1], (2, N_EDGES), 0, N_NODES, dtype=jnp.int64)
    batch_ids = jnp.sort(jax.random.randint(ks[2], (N_NODES,), 0, NUM_GRAPHS, dtype=jnp.int64))
    def glorot(k, fan_in, fan_out):
        lim = jnp.sqrt(6.0 / (fan_in + fan_out))
        return jax.random.uniform(k, (fan_in, fan_out), minval=-lim, maxval=lim, dtype=jnp.float32)
    W1 = glorot(ks[3], D_FEAT, HIDDEN); b1 = jnp.zeros((HIDDEN,), jnp.float32)
    W2 = glorot(ks[4], HIDDEN, HIDDEN); b2 = jnp.zeros((HIDDEN,), jnp.float32)
    W3 = glorot(ks[5], HIDDEN, HIDDEN); b3 = jnp.zeros((HIDDEN,), jnp.float32)
    Wlin = glorot(ks[6], HIDDEN * 2, HIDDEN); blin = jnp.zeros((HIDDEN,), jnp.float32)
    Wout = glorot(ks[7], HIDDEN, NUM_CLASSES); bout = jnp.zeros((NUM_CLASSES,), jnp.float32)
    return {"x": x, "edge_index": edge_index, "batch_ids": batch_ids,
            "W1": W1, "b1": b1, "W2": W2, "b2": b2, "W3": W3, "b3": b3,
            "Wlin": Wlin, "blin": blin, "Wout": Wout, "bout": bout}


def _gcn_norm(edge_index, num_nodes):
    # add self loops
    loop = jnp.arange(num_nodes, dtype=edge_index.dtype)
    src = jnp.concatenate([edge_index[0], loop])
    dst = jnp.concatenate([edge_index[1], loop])
    ones = jnp.ones_like(src, dtype=jnp.float32)
    deg = jax.ops.segment_sum(ones, dst, num_segments=num_nodes)
    dinv = jnp.where(deg > 0, jax.lax.rsqrt(deg), 0.0)
    norm = dinv[src] * dinv[dst]
    return src, dst, norm


def _gcn_conv(x, W, b, src, dst, norm, num_nodes):
    m = x @ W
    gathered = jnp.take(m, src, axis=0) * norm[:, None]
    out = jax.ops.segment_sum(gathered, dst, num_segments=num_nodes)
    return out + b


def _leaky_relu(x):
    return jnp.where(x >= 0, x, NEG_SLOPE * x)


def reference(x, edge_index, batch_ids, W1, b1, W2, b2, W3, b3, Wlin, blin, Wout, bout):
    n = x.shape[0]
    src, dst, norm = _gcn_norm(edge_index, n)
    h = _gcn_conv(x, W1, b1, src, dst, norm, n)
    h = _leaky_relu(h)
    h = _gcn_conv(h, W2, b2, src, dst, norm, n)
    h = _leaky_relu(h)
    h = _gcn_conv(h, W3, b3, src, dst, norm, n)
    # global sum pool and mean pool over graphs (node_weight=None path)
    sum_pool = jax.ops.segment_sum(h, batch_ids, num_segments=NUM_GRAPHS)
    counts = jax.ops.segment_sum(jnp.ones((n,), jnp.float32), batch_ids, num_segments=NUM_GRAPHS)
    mean_pool = sum_pool / jnp.clip(counts, 1.0)[:, None]
    embeds = jnp.concatenate([sum_pool, mean_pool], axis=1)
    h2 = embeds @ Wlin + blin
    h2 = jax.nn.relu(h2)
    logits = h2 @ Wout + bout
    probs = jax.nn.softmax(logits, axis=-1)
    return (logits, probs, embeds)

if __name__ == "__main__":
    import jax
    _d = setup_inputs()
    print(jax.jit(kernel)(*tuple(_d.values())))

</pallas_src>

<mosaic_0001>
#map = affine_map<(d0, d1) -> (0, 0)>
#map1 = affine_map<(d0, d1) -> (0, 0, 0)>
module attributes {stable_mosaic.version = 14 : i64} {
  func.func @_sc_edge_pass(%arg0: i32, %arg1: i32, %arg2: memref<10240x128xf32, #tpu.memory_space<hbm>>, %arg3: memref<32x80x128xi32, #tpu.memory_space<hbm>>, %arg4: memref<20480x128xf32, #tpu.memory_space<hbm>>, %arg5: memref<80x128xi32, #tpu.memory_space<vmem>>, %arg6: memref<128xi32, #tpu.memory_space<vmem>>, %arg7: memref<128xi32, #tpu.memory_space<vmem>>, %arg8: memref<128xi32, #tpu.memory_space<vmem>>, %arg9: memref<128xi32, #tpu.memory_space<vmem>>, %arg10: memref<2x128x128xf32, #tpu.memory_space<vmem>>, %arg11: memref<10240x128xf32, #tpu.memory_space<vmem_shared>>, %arg12: memref<!tpu.dma_semaphore, #tpu.memory_space<semaphore_mem>>, %arg13: memref<!tpu.dma_semaphore, #tpu.memory_space<semaphore_mem>>, %arg14: memref<!tpu.dma_semaphore, #tpu.memory_space<semaphore_mem>>, %arg15: memref<!tpu.dma_semaphore, #tpu.memory_space<semaphore_mem>>) attributes {dimension_semantics = [#tpu.dimension_semantics<core_parallel>, #tpu.dimension_semantics<subcore_parallel>], iteration_bounds = array<i64: 2, 16>, scalar_prefetch = 0 : i64, scratch_operands = 11 : i64, tpu.core_type = #tpu.core_type<sc_vector_subcore>, window_params = [{transform_indices = #map}, {transform_indices = #map1}, {transform_indices = #map}]} {
    %mul3A = arith.constant 16 : i32
    %mul3A_0 = arith.muli %arg0, %mul3A : i32
    %add3A = arith.addi %mul3A_0, %arg1 : i32
    "tpu.region"() ({
      %run_scoped3A_48 = tpu.sem_alloc : memref<!tpu.dma_semaphore, #tpu.memory_space<semaphore_mem>>
      %dma_start3A = arith.constant 0 : i32
      %dma_start3A_49 = arith.constant 0 : i32
      %dma_start3A_50 = tpu.memref_slice %arg3[%add3A, %dma_start3A, %dma_start3A_49] : memref<32x80x128xi32, #tpu.memory_space<hbm>> -> memref<1x80x128xi32, #tpu.memory_space<hbm>>
      %dma_start3A_51 = tpu.memref_squeeze %dma_start3A_50 : memref<1x80x128xi32, #tpu.memory_space<hbm>> -> memref<80x128xi32, #tpu.memory_space<hbm>>
      %dma_start3A_52 = arith.constant 0 : i32
      %dma_start3A_53 = arith.constant 0 : i32
      %dma_start3A_54 = tpu.memref_slice %arg3[%add3A, %dma_start3A_52, %dma_start3A_53] : memref<32x80x128xi32, #tpu.memory_space<hbm>> -> memref<1x80x128xi32, #tpu.memory_space<hbm>>
      %dma_start3A_55 = tpu.memref_squeeze %dma_start3A_54 : memref<1x80x128xi32, #tpu.memory_space<hbm>> -> memref<80x128xi32, #tpu.memory_space<hbm>>
      tpu.enqueue_dma source(%dma_start3A_55 : memref<80x128xi32, #tpu.memory_space<hbm>>) target(%arg5 : memref<80x128xi32, #tpu.memory_space<vmem>>) target_semaphore(%run_scoped3A_48 : memref<!tpu.dma_semaphore, #tpu.memory_space<semaphore_mem>>)
      %dma_wait3A = arith.constant 0 : i32
      %dma_wait3A_56 = arith.constant 0 : i32
      %dma_wait3A_57 = tpu.memref_slice %arg3[%add3A, %dma_wait3A, %dma_wait3A_56] : memref<32x80x128xi32, #tpu.memory_space<hbm>> -> memref<1x80x128xi32, #tpu.memory_space<hbm>>
      %dma_wait3A_58 = tpu.memref_squeeze %dma_wait3A_57 : memref<1x80x128xi32, #tpu.memory_space<hbm>> -> memref<80x128xi32, #tpu.memory_space<hbm>>
      %dma_wait3A_59 = arith.constant 0 : i32
      %dma_wait3A_60 = arith.constant 0 : i32
      %dma_wait3A_61 = tpu.memref_slice %arg3[%add3A, %dma_wait3A_59, %dma_wait3A_60] : memref<32x80x128xi32, #tpu.memory_space<hbm>> -> memref<1x80x128xi32, #tpu.memory_space<hbm>>
      %dma_wait3A_62 = tpu.memref_squeeze %dma_wait3A_61 : memref<1x80x128xi32, #tpu.memory_space<hbm>> -> memref<80x128xi32, #tpu.memory_space<hbm>>
      tpu.wait_dma2 semaphore(%run_scoped3A_48 : memref<!tpu.dma_semaphore, #tpu.memory_space<semaphore_mem>>) src(%dma_wait3A_62 : memref<80x128xi32, #tpu.memory_space<hbm>>) dst(%arg5 : memref<80x128xi32, #tpu.memory_space<vmem>>)
      tpu.yield
    }) : () -> ()
    %broadcast_in_dim3A = arith.constant 0.000000e+00 : f32
    %broadcast_in_dim3A_1 = vector.broadcast %broadcast_in_dim3A : f32 to vector<16xf32>
    %scan3A = arith.constant 0 : i32
    %scan3A_2 = arith.constant 0 : i32
    %scan3A_3 = arith.constant 0 : i32
    %scan3A_4 = arith.constant 128 : i32
    %scan3A_5 = arith.addi %scan3A_3, %scan3A_4 : i32
    %scan3A_6 = arith.constant 1 : i32
    %scan3A_7 = scf.for %scan3A_48 = %scan3A_3 to %scan3A_5 step %scan3A_6 iter_args(%scan3A_49 = %scan3A_2) -> (i32)  : i32 {
      %swap3A = arith.constant 0 : i32
      %swap3A_50 = arith.constant 0 : i32
      %swap3A_51 = tpu.memref_slice %arg10[%scan3A, %swap3A, %swap3A_50] : memref<2x128x128xf32, #tpu.memory_space<vmem>> -> memref<1x128x128xf32, #tpu.memory_space<vmem>>
      %swap3A_52 = tpu.memref_squeeze %swap3A_51 : memref<1x128x128xf32, #tpu.memory_space<vmem>> -> memref<128x128xf32, #tpu.memory_space<vmem>>
      %swap3A_53 = arith.index_cast %scan3A_48 : i32 to index
      %swap3A_54 = arith.constant 0 : index
      %swap3A_55 = tpu.vector_load %swap3A_52[%swap3A_53, %swap3A_54] {strides = array<i32>} : memref<128x128xf32, #tpu.memory_space<vmem>>, vector<1x16xf32>,
      %swap3A_56 = vector.shape_cast %swap3A_55 : vector<1x16xf32> to vector<16xf32>
      %swap3A_57 = vector.shape_cast %broadcast_in_dim3A_1 : vector<16xf32> to vector<1x16xf32>
      tpu.vector_store %swap3A_52[%swap3A_53, %swap3A_54], %swap3A_57 {strides = array<i32>} : memref<128x128xf32, #tpu.memory_space<vmem>>, vector<1x16xf32>,
      %swap3A_58 = arith.constant 0 : i32
      %swap3A_59 = arith.constant 0 : i32
      %swap3A_60 = tpu.memref_slice %arg10[%scan3A, %swap3A_58, %swap3A_59] : memref<2x128x128xf32, #tpu.memory_space<vmem>> -> memref<1x128x128xf32, #tpu.memory_space<vmem>>
      %swap3A_61 = tpu.memref_squeeze %swap3A_60 : memref<1x128x128xf32, #tpu.memory_space<vmem>> -> memref<128x128xf32, #tpu.memory_space<vmem>>
      %swap3A_62 = arith.index_cast %scan3A_48 : i32 to index
      %swap3A_63 = arith.constant 16 : index
      %swap3A_64 = tpu.vector_load %swap3A_61[%swap3A_62, %swap3A_63] {strides = array<i32>} : memref<128x128xf32, #tpu.memory_space<vmem>>, vector<1x16xf32>,
      %swap3A_65 = vector.shape_cast %swap3A_64 : vector<1x16xf32> to vector<16xf32>
      %swap3A_66 = vector.shape_cast %broadcast_in_dim3A_1 : vector<16xf32> to vector<1x16xf32>
      tpu.vector_store %swap3A_61[%swap3A_62, %swap3A_63], %swap3A_66 {strides = array<i32>} : memref<128x128xf32, #tpu.memory_space<vmem>>, vector<1x16xf32>,
      %swap3A_67 = arith.constant 0 : i32
      %swap3A_68 = arith.constant 0 : i32
      %swap3A_69 = tpu.memref_slice %arg10[%scan3A, %swap3A_67, %swap3A_68] : memref<2x128x128xf32, #tpu.memory_space<vmem>> -> memref<1x128x128xf32, #tpu.memory_space<vmem>>
      %swap3A_70 = tpu.memref_squeeze %swap3A_69 : memref<1x128x128xf32, #tpu.memory_space<vmem>> -> memref<128x128xf32, #tpu.memory_space<vmem>>
      %swap3A_71 = arith.index_cast %scan3A_48 : i32 to index
      %swap3A_72 = arith.constant 32 : index
      %swap3A_73 = tpu.vector_load %swap3A_70[%swap3A_71, %swap3A_72] {strides = array<i32>} : memref<128x128xf32, #tpu.memory_space<vmem>>, vector<1x16xf32>,
      %swap3A_74 = vector.shape_cast %swap3A_73 : vector<1x16xf32> to vector<16xf32>
      %swap3A_75 = vector.shape_cast %broadcast_in_dim3A_1 : vector<16xf32> to vector<1x16xf32>
      tpu.vector_store %swap3A_70[%swap3A_71, %swap3A_72], %swap3A_75 {strides = array<i32>} : memref<128x128xf32, #tpu.memory_space<vmem>>, vector<1x16xf32>,
      %swap3A_76 = arith.constant 0 : i32
      %swap3A_77 = arith.constant 0 : i32
      %swap3A_78 = tpu.memref_slice %arg10[%scan3A, %swap3A_76, %swap3A_77] : memref<2x128x128xf32, #tpu.memory_space<vmem>> -> memref<1x128x128xf32, #tpu.memory_space<vmem>>
      %swap3A_79 = tpu.memref_squeeze %swap3A_78 : memref<1x128x128xf32, #tpu.memory_space<vmem>> -> memref<128x128xf32, #tpu.memory_space<vmem>>
      %swap3A_80 = arith.index_cast %scan3A_48 : i32 to index
      %swap3A_81 = arith.constant 48 : index
      %swap3A_82 = tpu.vector_load %swap3A_79[%swap3A_80, %swap3A_81] {strides = array<i32>} : memref<128x128xf32, #tpu.memory_space<vmem>>, vector<1x16xf32>,
      %swap3A_83 = vector.shape_cast %swap3A_82 : vector<1x16xf32> to vector<16xf32>
      %swap3A_84 = vector.shape_cast %broadcast_in_dim3A_1 : vector<16xf32> to vector<1x16xf32>
      tpu.vector_store %swap3A_79[%swap3A_80, %swap3A_81], %swap3A_84 {strides = array<i32>} : memref<128x128xf32, #tpu.memory_space<vmem>>, vector<1x16xf32>,
      %swap3A_85 = arith.constant 0 : i32
      %swap3A_86 = arith.constant 0 : i32
      %swap3A_87 = tpu.memref_slice %arg10[%scan3A, %swap3A_85, %swap3A_86] : memref<2x128x128xf32, #tpu.memory_space<vmem>> -> memref<1x128x128xf32, #tpu.memory_space<vmem>>
      %swap3A_88 = tpu.memref_squeeze %swap3A_87 : memref<1x128x128xf32, #tpu.memory_space<vmem>> -> memref<128x128xf32, #tpu.memory_space<vmem>>
      %swap3A_89 = arith.index_cast %scan3A_48 : i32 to index
      %swap3A_90 = arith.constant 64 : index
      %swap3A_91 = tpu.vector_load %swap3A_88[%swap3A_89, %swap3A_90] {strides = array<i32>} : memref<128x128xf32, #tpu.memory_space<vmem>>, vector<1x16xf32>,
      %swap3A_92 = vector.shape_cast %swap3A_91 : vector<1x16xf32> to vector<16xf32>
      %swap3A_93 = vector.shape_cast %broadcast_in_dim3A_1 : vector<16xf32> to vector<1x16xf32>
      tpu.vector_store %swap3A_88[%swap3A_89, %swap3A_90], %swap3A_93 {strides = array<i32>} : memref<128x128xf32, #tpu.memory_space<vmem>>, vector<1x16xf32>,
      %swap3A_94 = arith.constant 0 : i32
      %swap3A_95 = arith.constant 0 : i32
      %swap3A_96 = tpu.memref_slice %arg10[%scan3A, %swap3A_94, %swap3A_95] : memref<2x128x128xf32, #tpu.memory_space<vmem>> -> memref<1x128x128xf32, #tpu.memory_space<vmem>>
      %swap3A_97 = tpu.memref_squeeze %swap3A_96 : memref<1x128x128xf32, #tpu.memory_space<vmem>> -> memref<128x128xf32, #tpu.memory_space<vmem>>
      %swap3A_98 = arith.index_cast %scan3A_48 : i32 to index
      %swap3A_99 = arith.constant 80 : index
      %swap3A_100 = tpu.vector_load %swap3A_97[%swap3A_98, %swap3A_99] {strides = array<i32>} : memref<128x128xf32, #tpu.memory_space<vmem>>, vector<1x16xf32>,
      %swap3A_101 = vector.shape_cast %swap3A_100 : vector<1x16xf32> to vector<16xf32>
      %swap3A_102 = vector.shape_cast %broadcast_in_dim3A_1 : vector<16xf32> to vector<1x16xf32>
      tpu.vector_store %swap3A_97[%swap3A_98, %swap3A_99], %swap3A_102 {strides = array<i32>} : memref<128x128xf32, #tpu.memory_space<vmem>>, vector<1x16xf32>,
      %swap3A_103 = arith.constant 0 : i32
      %swap3A_104 = arith.constant 0 : i32
      %swap3A_105 = tpu.memref_slice %arg10[%scan3A, %swap3A_103, %swap3A_104] : memref<2x128x128xf32, #tpu.memory_space<vmem>> -> memref<1x128x128xf32, #tpu.memory_space<vmem>>
      %swap3A_106 = tpu.memref_squeeze %swap3A_105 : memref<1x128x128xf32, #tpu.memory_space<vmem>> -> memref<128x128xf32, #tpu.memory_space<vmem>>
      %swap3A_107 = arith.index_cast %scan3A_48 : i32 to index
      %swap3A_108 = arith.constant 96 : index
      %swap3A_109 = tpu.vector_load %swap3A_106[%swap3A_107, %swap3A_108] {strides = array<i32>} : memref<128x128xf32, #tpu.memory_space<vmem>>, vector<1x16xf32>,
      %swap3A_110 = vector.shape_cast %swap3A_109 : vector<1x16xf32> to vector<16xf32>
      %swap3A_111 = vector.shape_cast %broadcast_in_dim3A_1 : vector<16xf32> to vector<1x16xf32>
      tpu.vector_store %swap3A_106[%swap3A_107, %swap3A_108], %swap3A_111 {strides = array<i32>} : memref<128x128xf32, #tpu.memory_space<vmem>>, vector<1x16xf32>,
      %swap3A_112 = arith.constant 0 : i32
      %swap3A_113 = arith.constant 0 : i32
      %swap3A_114 = tpu.memref_slice %arg10[%scan3A, %swap3A_112, %swap3A_113] : memref<2x128x128xf32, #tpu.memory_space<vmem>> -> memref<1x128x128xf32, #tpu.memory_space<vmem>>
      %swap3A_115 = tpu.memref_squeeze %swap3A_114 : memref<1x128x128xf32, #tpu.memory_space<vmem>> -> memref<128x128xf32, #tpu.memory_space<vmem>>
      %swap3A_116 = arith.index_cast %scan3A_48 : i32 to index
      %swap3A_117 = arith.constant 112 : index
      %swap3A_118 = tpu.vector_load %swap3A_115[%swap3A_116, %swap3A_117] {strides = array<i32>} : memref<128x128xf32, #tpu.memory_space<vmem>>, vector<1x16xf32>,
      %swap3A_119 = vector.shape_cast %swap3A_118 : vector<1x16xf32> to vector<16xf32>
      %swap3A_120 = vector.shape_cast %broadcast_in_dim3A_1 : vector<16xf32> to vector<1x16xf32>
      tpu.vector_store %swap3A_115[%swap3A_116, %swap3A_117], %swap3A_120 {strides = array<i32>} : memref<128x128xf32, #tpu.memory_space<vmem>>, vector<1x16xf32>,
      %scan3A_121 = arith.constant 0 : i32
      scf.yield %scan3A_121 : i32
    }
    %scan3A_8 = arith.constant 128 : i32
    %mul3A_9 = arith.constant 640 : i32
    %mul3A_10 = arith.muli %arg1, %mul3A_9 : i32
    %add3A_11 = arith.constant 0 : i32
    %add3A_12 = arith.addi %mul3A_10, %add3A_11 : i32
    %run_scoped3A = arith.constant 0 : i32
    "tpu.region"() ({
      %run_scoped3A_48 = tpu.sem_alloc : memref<!tpu.dma_semaphore, #tpu.memory_space<semaphore_mem>>
      %dma_start3A = arith.constant 0 : i32
      %dma_start3A_49 = arith.constant 0 : i32
      %dma_start3A_50 = tpu.memref_slice %arg10[%run_scoped3A, %dma_start3A, %dma_start3A_49] : memref<2x128x128xf32, #tpu.memory_space<vmem>> -> memref<1x128x128xf32, #tpu.memory_space<vmem>>
      %dma_start3A_51 = tpu.memref_squeeze %dma_start3A_50 : memref<1x128x128xf32, #tpu.memory_space<vmem>> -> memref<128x128xf32, #tpu.memory_space<vmem>>
      %dma_start3A_52 = arith.constant 0 : i32
      %dma_start3A_53 = tpu.memref_slice %arg11[%add3A_12, %dma_start3A_52] : memref<10240x128xf32, #tpu.memory_space<vmem_shared>> -> memref<128x128xf32, #tpu.memory_space<vmem_shared>>
      %dma_start3A_54 = arith.constant 0 : i32
      %dma_start3A_55 = tpu.memref_slice %arg11[%add3A_12, %dma_start3A_54] : memref<10240x128xf32, #tpu.memory_space<vmem_shared>> -> memref<128x128xf32, #tpu.memory_space<vmem_shared>>
      %dma_start3A_56 = arith.constant 0 : i32
      %dma_start3A_57 = arith.constant 0 : i32
      %dma_start3A_58 = tpu.memref_slice %arg10[%run_scoped3A, %dma_start3A_56, %dma_start3A_57] : memref<2x128x128xf32, #tpu.memory_space<vmem>> -> memref<1x128x128xf32, #tpu.memory_space<vmem>>
      %dma_start3A_59 = tpu.memref_squeeze %dma_start3A_58 : memref<1x128x128xf32, #tpu.memory_space<vmem>> -> memref<128x128xf32, #tpu.memory_space<vmem>>
      tpu.enqueue_dma source(%dma_start3A_59 : memref<128x128xf32, #tpu.memory_space<vmem>>) target(%dma_start3A_55 : memref<128x128xf32, #tpu.memory_space<vmem_shared>>) target_semaphore(%run_scoped3A_48 : memref<!tpu.dma_semaphore, #tpu.memory_space<semaphore_mem>>)
      %dma_wait3A = arith.constant 0 : i32
      %dma_wait3A_60 = arith.constant 0 : i32
      %dma_wait3A_61 = tpu.memref_slice %arg10[%run_scoped3A, %dma_wait3A, %dma_wait3A_60] : memref<2x128x128xf32, #tpu.memory_space<vmem>> -> memref<1x128x128xf32, #tpu.memory_space<vmem>>
      %dma_wait3A_62 = tpu.memref_squeeze %dma_wait3A_61 : memref<1x128x128xf32, #tpu.memory_space<vmem>> -> memref<128x128xf32, #tpu.memory_space<vmem>>
      %dma_wait3A_63 = arith.constant 0 : i32
      %dma_wait3A_64 = tpu.memref_slice %arg11[%add3A_12, %dma_wait3A_63] : memref<10240x128xf32, #tpu.memory_space<vmem_shared>> -> memref<128x128xf32, #tpu.memory_space<vmem_shared>>
      %dma_wait3A_65 = arith.constant 0 : i32
      %dma_wait3A_66 = tpu.memref_slice %arg11[%add3A_12, %dma_wait3A_65] : memref<10240x128xf32, #tpu.memory_space<vmem_shared>> -> memref<128x128xf32, #tpu.memory_space<vmem_shared>>
      %dma_wait3A_67 = arith.constant 0 : i32
      %dma_wait3A_68 = arith.constant 0 : i32
      %dma_wait3A_69 = tpu.memref_slice %arg10[%run_scoped3A, %dma_wait3A_67, %dma_wait3A_68] : memref<2x128x128xf32, #tpu.memory_space<vmem>> -> memref<1x128x128xf32, #tpu.memory_space<vmem>>
      %dma_wait3A_70 = tpu.memref_squeeze %dma_wait3A_69 : memref<1x128x128xf32, #tpu.memory_space<vmem>> -> memref<128x128xf32, #tpu.memory_space<vmem>>
      tpu.wait_dma2 semaphore(%run_scoped3A_48 : memref<!tpu.dma_semaphore, #tpu.memory_space<semaphore_mem>>) src(%dma_wait3A_70 : memref<128x128xf32, #tpu.memory_space<vmem>>) dst(%dma_wait3A_66 : memref<128x128xf32, #tpu.memory_space<vmem_shared>>)
      tpu.yield
    }) : () -> ()
    %mul3A_13 = arith.constant 640 : i32
    %mul3A_14 = arith.muli %arg1, %mul3A_13 : i32
    %add3A_15 = arith.constant 128 : i32
    %add3A_16 = arith.addi %mul3A_14, %add3A_15 : i32
    %run_scoped3A_17 = arith.constant 0 : i32
    "tpu.region"() ({
      %run_scoped3A_48 = tpu.sem_alloc : memref<!tpu.dma_semaphore, #tpu.memory_space<semaphore_mem>>
      %dma_start3A = arith.constant 0 : i32
      %dma_start3A_49 = arith.constant 0 : i32
      %dma_start3A_50 = tpu.memref_slice %arg10[%run_scoped3A_17, %dma_start3A, %dma_start3A_49] : memref<2x128x128xf32, #tpu.memory_space<vmem>> -> memref<1x128x128xf32, #tpu.memory_space<vmem>>
      %dma_start3A_51 = tpu.memref_squeeze %dma_start3A_50 : memref<1x128x128xf32, #tpu.memory_space<vmem>> -> memref<128x128xf32, #tpu.memory_space<vmem>>
      %dma_start3A_52 = arith.constant 0 : i32
      %dma_start3A_53 = tpu.memref_slice %arg11[%add3A_16, %dma_start3A_52] : memref<10240x128xf32, #tpu.memory_space<vmem_shared>> -> memref<128x128xf32, #tpu.memory_space<vmem_shared>>
      %dma_start3A_54 = arith.constant 0 : i32
      %dma_start3A_55 = tpu.memref_slice %arg11[%add3A_16, %dma_start3A_54] : memref<10240x128xf32, #tpu.memory_space<vmem_shared>> -> memref<128x128xf32, #tpu.memory_space<vmem_shared>>
      %dma_start3A_56 = arith.constant 0 : i32
      %dma_start3A_57 = arith.constant 0 : i32
      %dma_start3A_58 = tpu.memref_slice %arg10[%run_scoped3A_17, %dma_start3A_56, %dma_start3A_57] : memref<2x128x128xf32, #tpu.memory_space<vmem>> -> memref<1x128x128xf32, #tpu.memory_space<vmem>>
      %dma_start3A_59 = tpu.memref_squeeze %dma_start3A_58 : memref<1x128x128xf32, #tpu.memory_space<vmem>> -> memref<128x128xf32, #tpu.memory_space<vmem>>
      tpu.enqueue_dma source(%dma_start3A_59 : memref<128x128xf32, #tpu.memory_space<vmem>>) target(%dma_start3A_55 : memref<128x128xf32, #tpu.memory_space<vmem_shared>>) target_semaphore(%run_scoped3A_48 : memref<!tpu.dma_semaphore, #tpu.memory_space<semaphore_mem>>)
      %dma_wait3A = arith.constant 0 : i32
      %dma_wait3A_60 = arith.constant 0 : i32
      %dma_wait3A_61 = tpu.memref_slice %arg10[%run_scoped3A_17, %dma_wait3A, %dma_wait3A_60] : memref<2x128x128xf32, #tpu.memory_space<vmem>> -> memref<1x128x128xf32, #tpu.memory_space<vmem>>
      %dma_wait3A_62 = tpu.memref_squeeze %dma_wait3A_61 : memref<1x128x128xf32, #tpu.memory_space<vmem>> -> memref<128x128xf32, #tpu.memory_space<vmem>>
      %dma_wait3A_63 = arith.constant 0 : i32
      %dma_wait3A_64 = tpu.memref_slice %arg11[%add3A_16, %dma_wait3A_63] : memref<10240x128xf32, #tpu.memory_space<vmem_shared>> -> memref<128x128xf32, #tpu.memory_space<vmem_shared>>
      %dma_wait3A_65 = arith.constant 0 : i32
      %dma_wait3A_66 = tpu.memref_slice %arg11[%add3A_16, %dma_wait3A_65] : memref<10240x128xf32, #tpu.memory_space<vmem_shared>> -> memref<128x128xf32, #tpu.memory_space<vmem_shared>>
      %dma_wait3A_67 = arith.constant 0 : i32
      %dma_wait3A_68 = arith.constant 0 : i32
      %dma_wait3A_69 = tpu.memref_slice %arg10[%run_scoped3A_17, %dma_wait3A_67, %dma_wait3A_68] : memref<2x128x128xf32, #tpu.memory_space<vmem>> -> memref<1x128x128xf32, #tpu.memory_space<vmem>>
      %dma_wait3A_70 = tpu.memref_squeeze %dma_wait3A_69 : memref<1x128x128xf32, #tpu.memory_space<vmem>> -> memref<128x128xf32, #tpu.memory_space<vmem>>
      tpu.wait_dma2 semaphore(%run_scoped3A_48 : memref<!tpu.dma_semaphore, #tpu.memory_space<semaphore_mem>>) src(%dma_wait3A_70 : memref<128x128xf32, #tpu.memory_space<vmem>>) dst(%dma_wait3A_66 : memref<128x128xf32, #tpu.memory_space<vmem_shared>>)
      tpu.yield
    }) : () -> ()
    %mul3A_18 = arith.constant 640 : i32
    %mul3A_19 = arith.muli %arg1, %mul3A_18 : i32
    %add3A_20 = arith.constant 256 : i32
    %add3A_21 = arith.addi %mul3A_19, %add3A_20 : i32
    %run_scoped3A_22 = arith.constant 0 : i32
    "tpu.region"() ({
      %run_scoped3A_48 = tpu.sem_alloc : memref<!tpu.dma_semaphore, #tpu.memory_space<semaphore_mem>>
      %dma_start3A = arith.constant 0 : i32
      %dma_start3A_49 = arith.constant 0 : i32
      %dma_start3A_50 = tpu.memref_slice %arg10[%run_scoped3A_22, %dma_start3A, %dma_start3A_49] : memref<2x128x128xf32, #tpu.memory_space<vmem>> -> memref<1x128x128xf32, #tpu.memory_space<vmem>>
      %dma_start3A_51 = tpu.memref_squeeze %dma_start3A_50 : memref<1x128x128xf32, #tpu.memory_space<vmem>> -> memref<128x128xf32, #tpu.memory_space<vmem>>
      %dma_start3A_52 = arith.constant 0 : i32
      %dma_start3A_53 = tpu.memref_slice %arg11[%add3A_21, %dma_start3A_52] : memref<10240x128xf32, #tpu.memory_space<vmem_shared>> -> memref<128x128xf32, #tpu.memory_space<vmem_shared>>
      %dma_start3A_54 = arith.constant 0 : i32
      %dma_start3A_55 = tpu.memref_slice %arg11[%add3A_21, %dma_start3A_54] : memref<10240x128xf32, #tpu.memory_space<vmem_shared>> -> memref<128x128xf32, #tpu.memory_space<vmem_shared>>
      %dma_start3A_56 = arith.constant 0 : i32
      %dma_start3A_57 = arith.constant 0 : i32
      %dma_start3A_58 = tpu.memref_slice %arg10[%run_scoped3A_22, %dma_start3A_56, %dma_start3A_57] : memref<2x128x128xf32, #tpu.memory_space<vmem>> -> memref<1x128x128xf32, #tpu.memory_space<vmem>>
      %dma_start3A_59 = tpu.memref_squeeze %dma_start3A_58 : memref<1x128x128xf32, #tpu.memory_space<vmem>> -> memref<128x128xf32, #tpu.memory_space<vmem>>
      tpu.enqueue_dma source(%dma_start3A_59 : memref<128x128xf32, #tpu.memory_space<vmem>>) target(%dma_start3A_55 : memref<128x128xf32, #tpu.memory_space<vmem_shared>>) target_semaphore(%run_scoped3A_48 : memref<!tpu.dma_semaphore, #tpu.memory_space<semaphore_mem>>)
      %dma_wait3A = arith.constant 0 : i32
      %dma_wait3A_60 = arith.constant 0 : i32
      %dma_wait3A_61 = tpu.memref_slice %arg10[%run_scoped3A_22, %dma_wait3A, %dma_wait3A_60] : memref<2x128x128xf32, #tpu.memory_space<vmem>> -> memref<1x128x128xf32, #tpu.memory_space<vmem>>
      %dma_wait3A_62 = tpu.memref_squeeze %dma_wait3A_61 : memref<1x128x128xf32, #tpu.memory_space<vmem>> -> memref<128x128xf32, #tpu.memory_space<vmem>>
      %dma_wait3A_63 = arith.constant 0 : i32
      %dma_wait3A_64 = tpu.memref_slice %arg11[%add3A_21, %dma_wait3A_63] : memref<10240x128xf32, #tpu.memory_space<vmem_shared>> -> memref<128x128xf32, #tpu.memory_space<vmem_shared>>
      %dma_wait3A_65 = arith.constant 0 : i32
      %dma_wait3A_66 = tpu.memref_slice %arg11[%add3A_21, %dma_wait3A_65] : memref<10240x128xf32, #tpu.memory_space<vmem_shared>> -> memref<128x128xf32, #tpu.memory_space<vmem_shared>>
      %dma_wait3A_67 = arith.constant 0 : i32
      %dma_wait3A_68 = arith.constant 0 : i32
      %dma_wait3A_69 = tpu.memref_slice %arg10[%run_scoped3A_22, %dma_wait3A_67, %dma_wait3A_68] : memref<2x128x128xf32, #tpu.memory_space<vmem>> -> memref<1x128x128xf32, #tpu.memory_space<vmem>>
      %dma_wait3A_70 = tpu.memref_squeeze %dma_wait3A_69 : memref<1x128x128xf32, #tpu.memory_space<vmem>> -> memref<128x128xf32, #tpu.memory_space<vmem>>
      tpu.wait_dma2 semaphore(%run_scoped3A_48 : memref<!tpu.dma_semaphore, #tpu.memory_space<semaphore_mem>>) src(%dma_wait3A_70 : memref<128x128xf32, #tpu.memory_space<vmem>>) dst(%dma_wait3A_66 : memref<128x128xf32, #tpu.memory_space<vmem_shared>>)
      tpu.yield
    }) : () -> ()
    %mul3A_23 = arith.constant 640 : i32
    %mul3A_24 = arith.muli %arg1, %mul3A_23 : i32
    %add3A_25 = arith.constant 384 : i32
    %add3A_26 = arith.addi %mul3A_24, %add3A_25 : i32
    %run_scoped3A_27 = arith.constant 0 : i32
    "tpu.region"() ({
      %run_scoped3A_48 = tpu.sem_alloc : memref<!tpu.dma_semaphore, #tpu.memory_space<semaphore_mem>>
      %dma_start3A = arith.constant 0 : i32
      %dma_start3A_49 = arith.constant 0 : i32
      %dma_start3A_50 = tpu.memref_slice %arg10[%run_scoped3A_27, %dma_start3A, %dma_start3A_49] : memref<2x128x128xf32, #tpu.memory_space<vmem>> -> memref<1x128x128xf32, #tpu.memory_space<vmem>>
      %dma_start3A_51 = tpu.memref_squeeze %dma_start3A_50 : memref<1x128x128xf32, #tpu.memory_space<vmem>> -> memref<128x128xf32, #tpu.memory_space<vmem>>
      %dma_start3A_52 = arith.constant 0 : i32
      %dma_start3A_53 = tpu.memref_slice %arg11[%add3A_26, %dma_start3A_52] : memref<10240x128xf32, #tpu.memory_space<vmem_shared>> -> memref<128x128xf32, #tpu.memory_space<vmem_shared>>
      %dma_start3A_54 = arith.constant 0 : i32
      %dma_start3A_55 = tpu.memref_slice %arg11[%add3A_26, %dma_start3A_54] : memref<10240x128xf32, #tpu.memory_space<vmem_shared>> -> memref<128x128xf32, #tpu.memory_space<vmem_shared>>
      %dma_start3A_56 = arith.constant 0 : i32
      %dma_start3A_57 = arith.constant 0 : i32
      %dma_start3A_58 = tpu.memref_slice %arg10[%run_scoped3A_27, %dma_start3A_56, %dma_start3A_57] : memref<2x128x128xf32, #tpu.memory_space<vmem>> -> memref<1x128x128xf32, #tpu.memory_space<vmem>>
      %dma_start3A_59 = tpu.memref_squeeze %dma_start3A_58 : memref<1x128x128xf32, #tpu.memory_space<vmem>> -> memref<128x128xf32, #tpu.memory_space<vmem>>
      tpu.enqueue_dma source(%dma_start3A_59 : memref<128x128xf32, #tpu.memory_space<vmem>>) target(%dma_start3A_55 : memref<128x128xf32, #tpu.memory_space<vmem_shared>>) target_semaphore(%run_scoped3A_48 : memref<!tpu.dma_semaphore, #tpu.memory_space<semaphore_mem>>)
      %dma_wait3A = arith.constant 0 : i32
      %dma_wait3A_60 = arith.constant 0 : i32
      %dma_wait3A_61 = tpu.memref_slice %arg10[%run_scoped3A_27, %dma_wait3A, %dma_wait3A_60] : memref<2x128x128xf32, #tpu.memory_space<vmem>> -> memref<1x128x128xf32, #tpu.memory_space<vmem>>
      %dma_wait3A_62 = tpu.memref_squeeze %dma_wait3A_61 : memref<1x128x128xf32, #tpu.memory_space<vmem>> -> memref<128x128xf32, #tpu.memory_space<vmem>>
      %dma_wait3A_63 = arith.constant 0 : i32
      %dma_wait3A_64 = tpu.memref_slice %arg11[%add3A_26, %dma_wait3A_63] : memref<10240x128xf32, #tpu.memory_space<vmem_shared>> -> memref<128x128xf32, #tpu.memory_space<vmem_shared>>
      %dma_wait3A_65 = arith.constant 0 : i32
      %dma_wait3A_66 = tpu.memref_slice %arg11[%add3A_26, %dma_wait3A_65] : memref<10240x128xf32, #tpu.memory_space<vmem_shared>> -> memref<128x128xf32, #tpu.memory_space<vmem_shared>>
      %dma_wait3A_67 = arith.constant 0 : i32
      %dma_wait3A_68 = arith.constant 0 : i32
      %dma_wait3A_69 = tpu.memref_slice %arg10[%run_scoped3A_27, %dma_wait3A_67, %dma_wait3A_68] : memref<2x128x128xf32, #tpu.memory_space<vmem>> -> memref<1x128x128xf32, #tpu.memory_space<vmem>>
      %dma_wait3A_70 = tpu.memref_squeeze %dma_wait3A_69 : memref<1x128x128xf32, #tpu.memory_space<vmem>> -> memref<128x128xf32, #tpu.memory_space<vmem>>
      tpu.wait_dma2 semaphore(%run_scoped3A_48 : memref<!tpu.dma_semaphore, #tpu.memory_space<semaphore_mem>>) src(%dma_wait3A_70 : memref<128x128xf32, #tpu.memory_space<vmem>>) dst(%dma_wait3A_66 : memref<128x128xf32, #tpu.memory_space<vmem_shared>>)
      tpu.yield
    }) : () -> ()
    %mul3A_28 = arith.constant 640 : i32
    %mul3A_29 = arith.muli %arg1, %mul3A_28 : i32
    %add3A_30 = arith.constant 512 : i32
    %add3A_31 = arith.addi %mul3A_29, %add3A_30 : i32
    %run_scoped3A_32 = arith.constant 0 : i32
    "tpu.region"() ({
      %run_scoped3A_48 = tpu.sem_alloc : memref<!tpu.dma_semaphore, #tpu.memory_space<semaphore_mem>>
      %dma_start3A = arith.constant 0 : i32
      %dma_start3A_49 = arith.constant 0 : i32
      %dma_start3A_50 = tpu.memref_slice %arg10[%run_scoped3A_32, %dma_start3A, %dma_start3A_49] : memref<2x128x128xf32, #tpu.memory_space<vmem>> -> memref<1x128x128xf32, #tpu.memory_space<vmem>>
      %dma_start3A_51 = tpu.memref_squeeze %dma_start3A_50 : memref<1x128x128xf32, #tpu.memory_space<vmem>> -> memref<128x128xf32, #tpu.memory_space<vmem>>
      %dma_start3A_52 = arith.constant 0 : i32
      %dma_start3A_53 = tpu.memref_slice %arg11[%add3A_31, %dma_start3A_52] : memref<10240x128xf32, #tpu.memory_space<vmem_shared>> -> memref<128x128xf32, #tpu.memory_space<vmem_shared>>
      %dma_start3A_54 = arith.constant 0 : i32
      %dma_start3A_55 = tpu.memref_slice %arg11[%add3A_31, %dma_start3A_54] : memref<10240x128xf32, #tpu.memory_space<vmem_shared>> -> memref<128x128xf32, #tpu.memory_space<vmem_shared>>
      %dma_start3A_56 = arith.constant 0 : i32
      %dma_start3A_57 = arith.constant 0 : i32
      %dma_start3A_58 = tpu.memref_slice %arg10[%run_scoped3A_32, %dma_start3A_56, %dma_start3A_57] : memref<2x128x128xf32, #tpu.memory_space<vmem>> -> memref<1x128x128xf32, #tpu.memory_space<vmem>>
      %dma_start3A_59 = tpu.memref_squeeze %dma_start3A_58 : memref<1x128x128xf32, #tpu.memory_space<vmem>> -> memref<128x128xf32, #tpu.memory_space<vmem>>
      tpu.enqueue_dma source(%dma_start3A_59 : memref<128x128xf32, #tpu.memory_space<vmem>>) target(%dma_start3A_55 : memref<128x128xf32, #tpu.memory_space<vmem_shared>>) target_semaphore(%run_scoped3A_48 : memref<!tpu.dma_semaphore, #tpu.memory_space<semaphore_mem>>)
      %dma_wait3A = arith.constant 0 : i32
      %dma_wait3A_60 = arith.constant 0 : i32
      %dma_wait3A_61 = tpu.memref_slice %arg10[%run_scoped3A_32, %dma_wait3A, %dma_wait3A_60] : memref<2x128x128xf32, #tpu.memory_space<vmem>> -> memref<1x128x128xf32, #tpu.memory_space<vmem>>
      %dma_wait3A_62 = tpu.memref_squeeze %dma_wait3A_61 : memref<1x128x128xf32, #tpu.memory_space<vmem>> -> memref<128x128xf32, #tpu.memory_space<vmem>>
      %dma_wait3A_63 = arith.constant 0 : i32
      %dma_wait3A_64 = tpu.memref_slice %arg11[%add3A_31, %dma_wait3A_63] : memref<10240x128xf32, #tpu.memory_space<vmem_shared>> -> memref<128x128xf32, #tpu.memory_space<vmem_shared>>
      %dma_wait3A_65 = arith.constant 0 : i32
      %dma_wait3A_66 = tpu.memref_slice %arg11[%add3A_31, %dma_wait3A_65] : memref<10240x128xf32, #tpu.memory_space<vmem_shared>> -> memref<128x128xf32, #tpu.memory_space<vmem_shared>>
      %dma_wait3A_67 = arith.constant 0 : i32
      %dma_wait3A_68 = arith.constant 0 : i32
      %dma_wait3A_69 = tpu.memref_slice %arg10[%run_scoped3A_32, %dma_wait3A_67, %dma_wait3A_68] : memref<2x128x128xf32, #tpu.memory_space<vmem>> -> memref<1x128x128xf32, #tpu.memory_space<vmem>>
      %dma_wait3A_70 = tpu.memref_squeeze %dma_wait3A_69 : memref<1x128x128xf32, #tpu.memory_space<vmem>> -> memref<128x128xf32, #tpu.memory_space<vmem>>
      tpu.wait_dma2 semaphore(%run_scoped3A_48 : memref<!tpu.dma_semaphore, #tpu.memory_space<semaphore_mem>>) src(%dma_wait3A_70 : memref<128x128xf32, #tpu.memory_space<vmem>>) dst(%dma_wait3A_66 : memref<128x128xf32, #tpu.memory_space<vmem_shared>>)
      tpu.yield
    }) : () -> ()
    %barrier3A = arith.constant 0 : index
    tpu.barrier barrier_id(%barrier3A)
    %scan3A_33 = arith.constant 0 : i32
    %scan3A_34 = arith.constant 0 : i32
    %scan3A_35 = arith.constant 80 : i32
    %scan3A_36 = arith.addi %scan3A_34, %scan3A_35 : i32
    %scan3A_37 = arith.constant 1 : i32
    %scan3A_38 = scf.for %scan3A_48 = %scan3A_34 to %scan3A_36 step %scan3A_37 iter_args(%scan3A_49 = %scan3A_33) -> (i32)  : i32 {
      %get3A = arith.index_cast %scan3A_48 : i32 to index
      %get3A_50 = arith.constant 0 : index
      %get3A_51 = tpu.vector_load %arg5[%get3A, %get3A_50] {strides = array<i32>} : memref<80x128xi32, #tpu.memory_space<vmem>>, vector<1x16xi32>,
      %get3A_52 = vector.shape_cast %get3A_51 : vector<1x16xi32> to vector<16xi32>
      %shift_right_logical3A = arith.constant 14 : i32
      %shift_right_logical3A_53 = vector.broadcast %shift_right_logical3A : i32 to vector<16xi32>
      %shift_right_logical3A_54 = arith.shrui %get3A_52, %shift_right_logical3A_53 : vector<16xi32>
      %swap3A = arith.constant 0 : index
      %swap3A_55 = tpu.vector_load %arg6[%swap3A] {strides = array<i32>} : memref<128xi32, #tpu.memory_space<vmem>>, vector<16xi32>,
      %swap3A_56 = vector.shape_cast %swap3A_55 : vector<16xi32> to vector<16xi32>
      %swap3A_57 = vector.shape_cast %shift_right_logical3A_54 : vector<16xi32> to vector<16xi32>
      tpu.vector_store %arg6[%swap3A], %swap3A_57 {strides = array<i32>} : memref<128xi32, #tpu.memory_space<vmem>>, vector<16xi32>,
      %and3A = arith.constant 16383 : i32
      %and3A_58 = vector.broadcast %and3A : i32 to vector<16xi32>
      %and3A_59 = arith.andi %get3A_52, %and3A_58 : vector<16xi32>
      %swap3A_60 = arith.constant 0 : index
      %swap3A_61 = tpu.vector_load %arg8[%swap3A_60] {strides = array<i32>} : memref<128xi32, #tpu.memory_space<vmem>>, vector<16xi32>,
      %swap3A_62 = vector.shape_cast %swap3A_61 : vector<16xi32> to vector<16xi32>
      %swap3A_63 = vector.shape_cast %and3A_59 : vector<16xi32> to vector<16xi32>
      tpu.vector_store %arg8[%swap3A_60], %swap3A_63 {strides = array<i32>} : memref<128xi32, #tpu.memory_space<vmem>>, vector<16xi32>,
      %get3A_64 = arith.index_cast %scan3A_48 : i32 to index
      %get3A_65 = arith.constant 16 : index
      %get3A_66 = tpu.vector_load %arg5[%get3A_64, %get3A_65] {strides = array<i32>} : memref<80x128xi32, #tpu.memory_space<vmem>>, vector<1x16xi32>,
      %get3A_67 = vector.shape_cast %get3A_66 : vector<1x16xi32> to vector<16xi32>
      %shift_right_logical3A_68 = arith.constant 14 : i32
      %shift_right_logical3A_69 = vector.broadcast %shift_right_logical3A_68 : i32 to vector<16xi32>
      %shift_right_logical3A_70 = arith.shrui %get3A_67, %shift_right_logical3A_69 : vector<16xi32>
      %swap3A_71 = arith.constant 16 : index
      %swap3A_72 = tpu.vector_load %arg6[%swap3A_71] {strides = array<i32>} : memref<128xi32, #tpu.memory_space<vmem>>, vector<16xi32>,
      %swap3A_73 = vector.shape_cast %swap3A_72 : vector<16xi32> to vector<16xi32>
      %swap3A_74 = vector.shape_cast %shift_right_logical3A_70 : vector<16xi32> to vector<16xi32>
      tpu.vector_store %arg6[%swap3A_71], %swap3A_74 {strides = array<i32>} : memref<128xi32, #tpu.memory_space<vmem>>, vector<16xi32>,
      %and3A_75 = arith.constant 16383 : i32
      %and3A_76 = vector.broadcast %and3A_75 : i32 to vector<16xi32>
      %and3A_77 = arith.andi %get3A_67, %and3A_76 : vector<16xi32>
      %swap3A_78 = arith.constant 16 : index
      %swap3A_79 = tpu.vector_load %arg8[%swap3A_78] {strides = array<i32>} : memref<128xi32, #tpu.memory_space<vmem>>, vector<16xi32>,
      %swap3A_80 = vector.shape_cast %swap3A_79 : vector<16xi32> to vector<16xi32>
      %swap3A_81 = vector.shape_cast %and3A_77 : vector<16xi32> to vector<16xi32>
      tpu.vector_store %arg8[%swap3A_78], %swap3A_81 {strides = array<i32>} : memref<128xi32, #tpu.memory_space<vmem>>, vector<16xi32>,
      %get3A_82 = arith.index_cast %scan3A_48 : i32 to index
      %get3A_83 = arith.constant 32 : index
      %get3A_84 = tpu.vector_load %arg5[%get3A_82, %get3A_83] {strides = array<i32>} : memref<80x128xi32, #tpu.memory_space<vmem>>, vector<1x16xi32>,
      %get3A_85 = vector.shape_cast %get3A_84 : vector<1x16xi32> to vector<16xi32>
      %shift_right_logical3A_86 = arith.constant 14 : i32
      %shift_right_logical3A_87 = vector.broadcast %shift_right_logical3A_86 : i32 to vector<16xi32>
      %shift_right_logical3A_88 = arith.shrui %get3A_85, %shift_right_logical3A_87 : vector<16xi32>
      %swap3A_89 = arith.constant 32 : index
      %swap3A_90 = tpu.vector_load %arg6[%swap3A_89] {strides = array<i32>} : memref<128xi32, #tpu.memory_space<vmem>>, vector<16xi32>,
      %swap3A_91 = vector.shape_cast %swap3A_90 : vector<16xi32> to vector<16xi32>
      %swap3A_92 = vector.shape_cast %shift_right_logical3A_88 : vector<16xi32> to vector<16xi32>
      tpu.vector_store %arg6[%swap3A_89], %swap3A_92 {strides = array<i32>} : memref<128xi32, #tpu.memory_space<vmem>>, vector<16xi32>,
      %and3A_93 = arith.constant 16383 : i32
      %and3A_94 = vector.broadcast %and3A_93 : i32 to vector<16xi32>
      %and3A_95 = arith.andi %get3A_85, %and3A_94 : vector<16xi32>
      %swap3A_96 = arith.constant 32 : index
      %swap3A_97 = tpu.vector_load %arg8[%swap3A_96] {strides = array<i32>} : memref<128xi32, #tpu.memory_space<vmem>>, vector<16xi32>,
      %swap3A_98 = vector.shape_cast %swap3A_97 : vector<16xi32> to vector<16xi32>
      %swap3A_99 = vector.shape_cast %and3A_95 : vector<16xi32> to vector<16xi32>
      tpu.vector_store %arg8[%swap3A_96], %swap3A_99 {strides = array<i32>} : memref<128xi32, #tpu.memory_space<vmem>>, vector<16xi32>,
      %get3A_100 = arith.index_cast %scan3A_48 : i32 to index
      %get3A_101 = arith.constant 48 : index
      %get3A_102 = tpu.vector_load %arg5[%get3A_100, %get3A_101] {strides = array<i32>} : memref<80x128xi32, #tpu.memory_space<vmem>>, vector<1x16xi32>,
      %get3A_103 = vector.shape_cast %get3A_102 : vector<1x16xi32> to vector<16xi32>
      %shift_right_logical3A_104 = arith.constant 14 : i32
      %shift_right_logical3A_105 = vector.broadcast %shift_right_logical3A_104 : i32 to vector<16xi32>
      %shift_right_logical3A_106 = arith.shrui %get3A_103, %shift_right_logical3A_105 : vector<16xi32>
      %swap3A_107 = arith.constant 48 : index
      %swap3A_108 = tpu.vector_load %arg6[%swap3A_107] {strides = array<i32>} : memref<128xi32, #tpu.memory_space<vmem>>, vector<16xi32>,
      %swap3A_109 = vector.shape_cast %swap3A_108 : vector<16xi32> to vector<16xi32>
      %swap3A_110 = vector.shape_cast %shift_right_logical3A_106 : vector<16xi32> to vector<16xi32>
      tpu.vector_store %arg6[%swap3A_107], %swap3A_110 {strides = array<i32>} : memref<128xi32, #tpu.memory_space<vmem>>, vector<16xi32>,
      %and3A_111 = arith.constant 16383 : i32
      %and3A_112 = vector.broadcast %and3A_111 : i32 to vector<16xi32>
      %and3A_113 = arith.andi %get3A_103, %and3A_112 : vector<16xi32>
      %swap3A_114 = arith.constant 48 : index
      %swap3A_115 = tpu.vector_load %arg8[%swap3A_114] {strides = array<i32>} : memref<128xi32, #tpu.memory_space<vmem>>, vector<16xi32>,
      %swap3A_116 = vector.shape_cast %swap3A_115 : vector<16xi32> to vector<16xi32>
      %swap3A_117 = vector.shape_cast %and3A_113 : vector<16xi32> to vector<16xi32>
      tpu.vector_store %arg8[%swap3A_114], %swap3A_117 {strides = array<i32>} : memref<128xi32, #tpu.memory_space<vmem>>, vector<16xi32>,
      %get3A_118 = arith.index_cast %scan3A_48 : i32 to index
      %get3A_119 = arith.constant 64 : index
      %get3A_120 = tpu.vector_load %arg5[%get3A_118, %get3A_119] {strides = array<i32>} : memref<80x128xi32, #tpu.memory_space<vmem>>, vector<1x16xi32>,
      %get3A_121 = vector.shape_cast %get3A_120 : vector<1x16xi32> to vector<16xi32>
      %shift_right_logical3A_122 = arith.constant 14 : i32
      %shift_right_logical3A_123 = vector.broadcast %shift_right_logical3A_122 : i32 to vector<16xi32>
      %shift_right_logical3A_124 = arith.shrui %get3A_121, %shift_right_logical3A_123 : vector<16xi32>
      %swap3A_125 = arith.constant 64 : index
      %swap3A_126 = tpu.vector_load %arg6[%swap3A_125] {strides = array<i32>} : memref<128xi32, #tpu.memory_space<vmem>>, vector<16xi32>,
      %swap3A_127 = vector.shape_cast %swap3A_126 : vector<16xi32> to vector<16xi32>
      %swap3A_128 = vector.shape_cast %shift_right_logical3A_124 : vector<16xi32> to vector<16xi32>
      tpu.vector_store %arg6[%swap3A_125], %swap3A_128 {strides = array<i32>} : memref<128xi32, #tpu.memory_space<vmem>>, vector<16xi32>,
      %and3A_129 = arith.constant 16383 : i32
      %and3A_130 = vector.broadcast %and3A_129 : i32 to vector<16xi32>
      %and3A_131 = arith.andi %get3A_121, %and3A_130 : vector<16xi32>
      %swap3A_132 = arith.constant 64 : index
      %swap3A_133 = tpu.vector_load %arg8[%swap3A_132] {strides = array<i32>} : memref<128xi32, #tpu.memory_space<vmem>>, vector<16xi32>,
      %swap3A_134 = vector.shape_cast %swap3A_133 : vector<16xi32> to vector<16xi32>
      %swap3A_135 = vector.shape_cast %and3A_131 : vector<16xi32> to vector<16xi32>
      tpu.vector_store %arg8[%swap3A_132], %swap3A_135 {strides = array<i32>} : memref<128xi32, #tpu.memory_space<vmem>>, vector<16xi32>,
      %get3A_136 = arith.index_cast %scan3A_48 : i32 to index
      %get3A_137 = arith.constant 80 : index
      %get3A_138 = tpu.vector_load %arg5[%get3A_136, %get3A_137] {strides = array<i32>} : memref<80x128xi32, #tpu.memory_space<vmem>>, vector<1x16xi32>,
      %get3A_139 = vector.shape_cast %get3A_138 : vector<1x16xi32> to vector<16xi32>
      %shift_right_logical3A_140 = arith.constant 14 : i32
      %shift_right_logical3A_141 = vector.broadcast %shift_right_logical3A_140 : i32 to vector<16xi32>
      %shift_right_logical3A_142 = arith.shrui %get3A_139, %shift_right_logical3A_141 : vector<16xi32>
      %swap3A_143 = arith.constant 80 : index
      %swap3A_144 = tpu.vector_load %arg6[%swap3A_143] {strides = array<i32>} : memref<128xi32, #tpu.memory_space<vmem>>, vector<16xi32>,
      %swap3A_145 = vector.shape_cast %swap3A_144 : vector<16xi32> to vector<16xi32>
      %swap3A_146 = vector.shape_cast %shift_right_logical3A_142 : vector<16xi32> to vector<16xi32>
      tpu.vector_store %arg6[%swap3A_143], %swap3A_146 {strides = array<i32>} : memref<128xi32, #tpu.memory_space<vmem>>, vector<16xi32>,
      %and3A_147 = arith.constant 16383 : i32
      %and3A_148 = vector.broadcast %and3A_147 : i32 to vector<16xi32>
      %and3A_149 = arith.andi %get3A_139, %and3A_148 : vector<16xi32>
      %swap3A_150 = arith.constant 80 : index
      %swap3A_151 = tpu.vector_load %arg8[%swap3A_150] {strides = array<i32>} : memref<128xi32, #tpu.memory_space<vmem>>, vector<16xi32>,
      %swap3A_152 = vector.shape_cast %swap3A_151 : vector<16xi32> to vector<16xi32>
      %swap3A_153 = vector.shape_cast %and3A_149 : vector<16xi32> to vector<16xi32>
      tpu.vector_store %arg8[%swap3A_150], %swap3A_153 {strides = array<i32>} : memref<128xi32, #tpu.memory_space<vmem>>, vector<16xi32>,
      %get3A_154 = arith.index_cast %scan3A_48 : i32 to index
      %get3A_155 = arith.constant 96 : index
      %get3A_156 = tpu.vector_load %arg5[%get3A_154, %get3A_155] {strides = array<i32>} : memref<80x128xi32, #tpu.memory_space<vmem>>, vector<1x16xi32>,
      %get3A_157 = vector.shape_cast %get3A_156 : vector<1x16xi32> to vector<16xi32>
      %shift_right_logical3A_158 = arith.constant 14 : i32
      %shift_right_logical3A_159 = vector.broadcast %shift_right_logical3A_158 : i32 to vector<16xi32>
      %shift_right_logical3A_160 = arith.shrui %get3A_157, %shift_right_logical3A_159 : vector<16xi32>
      %swap3A_161 = arith.constant 96 : index
      %swap3A_162 = tpu.vector_load %arg6[%swap3A_161] {strides = array<i32>} : memref<128xi32, #tpu.memory_space<vmem>>, vector<16xi32>,
      %swap3A_163 = vector.shape_cast %swap3A_162 : vector<16xi32> to vector<16xi32>
      %swap3A_164 = vector.shape_cast %shift_right_logical3A_160 : vector<16xi32> to vector<16xi32>
      tpu.vector_store %arg6[%swap3A_161], %swap3A_164 {strides = array<i32>} : memref<128xi32, #tpu.memory_space<vmem>>, vector<16xi32>,
      %and3A_165 = arith.constant 16383 : i32
      %and3A_166 = vector.broadcast %and3A_165 : i32 to vector<16xi32>
      %and3A_167 = arith.andi %get3A_157, %and3A_166 : vector<16xi32>
      %swap3A_168 = arith.constant 96 : index
      %swap3A_169 = tpu.vector_load %arg8[%swap3A_168] {strides = array<i32>} : memref<128xi32, #tpu.memory_space<vmem>>, vector<16xi32>,
      %swap3A_170 = vector.shape_cast %swap3A_169 : vector<16xi32> to vector<16xi32>
      %swap3A_171 = vector.shape_cast %and3A_167 : vector<16xi32> to vector<16xi32>
      tpu.vector_store %arg8[%swap3A_168], %swap3A_171 {strides = array<i32>} : memref<128xi32, #tpu.memory_space<vmem>>, vector<16xi32>,
      %get3A_172 = arith.index_cast %scan3A_48 : i32 to index
      %get3A_173 = arith.constant 112 : index
      %get3A_174 = tpu.vector_load %arg5[%get3A_172, %get3A_173] {strides = array<i32>} : memref<80x128xi32, #tpu.memory_space<vmem>>, vector<1x16xi32>,
      %get3A_175 = vector.shape_cast %get3A_174 : vector<1x16xi32> to vector<16xi32>
      %shift_right_logical3A_176 = arith.constant 14 : i32
      %shift_right_logical3A_177 = vector.broadcast %shift_right_logical3A_176 : i32 to vector<16xi32>
      %shift_right_logical3A_178 = arith.shrui %get3A_175, %shift_right_logical3A_177 : vector<16xi32>
      %swap3A_179 = arith.constant 112 : index
      %swap3A_180 = tpu.vector_load %arg6[%swap3A_179] {strides = array<i32>} : memref<128xi32, #tpu.memory_space<vmem>>, vector<16xi32>,
      %swap3A_181 = vector.shape_cast %swap3A_180 : vector<16xi32> to vector<16xi32>
      %swap3A_182 = vector.shape_cast %shift_right_logical3A_178 : vector<16xi32> to vector<16xi32>
      tpu.vector_store %arg6[%swap3A_179], %swap3A_182 {strides = array<i32>} : memref<128xi32, #tpu.memory_space<vmem>>, vector<16xi32>,
      %and3A_183 = arith.constant 16383 : i32
      %and3A_184 = vector.broadcast %and3A_183 : i32 to vector<16xi32>
      %and3A_185 = arith.andi %get3A_175, %and3A_184 : vector<16xi32>
      %swap3A_186 = arith.constant 112 : index
      %swap3A_187 = tpu.vector_load %arg8[%swap3A_186] {strides = array<i32>} : memref<128xi32, #tpu.memory_space<vmem>>, vector<16xi32>,
      %swap3A_188 = vector.shape_cast %swap3A_187 : vector<16xi32> to vector<16xi32>
      %swap3A_189 = vector.shape_cast %and3A_185 : vector<16xi32> to vector<16xi32>
      tpu.vector_store %arg8[%swap3A_186], %swap3A_189 {strides = array<i32>} : memref<128xi32, #tpu.memory_space<vmem>>, vector<16xi32>,
      %dma_start3A = arith.constant 0 : i32
      %dma_start3A_190 = arith.constant 0 : i32
      %dma_start3A_191 = arith.constant 0 : i32
      %dma_start3A_192 = tpu.memref_slice %arg10[%dma_start3A, %dma_start3A_190, %dma_start3A_191] : memref<2x128x128xf32, #tpu.memory_space<vmem>> -> memref<1x128x128xf32, #tpu.memory_space<vmem>>
      %dma_start3A_193 = tpu.memref_squeeze %dma_start3A_192 : memref<1x128x128xf32, #tpu.memory_space<vmem>> -> memref<128x128xf32, #tpu.memory_space<vmem>>
      %dma_start3A_194 = arith.constant 0 : i32
      %dma_start3A_195 = arith.constant 0 : i32
      %dma_start3A_196 = tpu.memref_slice %arg2[%dma_start3A_194, %dma_start3A_195] : memref<10240x128xf32, #tpu.memory_space<hbm>> -> memref<10240x128xf32, #tpu.memory_space<hbm>>
      tpu.enqueue_indirect_dma source(%dma_start3A_196 : memref<10240x128xf32, #tpu.memory_space<hbm>>) target(%dma_start3A_193 : memref<128x128xf32, #tpu.memory_space<vmem>>) offsets(%arg6 : memref<128xi32, #tpu.memory_space<vmem>>) semaphore(%arg12 : memref<!tpu.dma_semaphore, #tpu.memory_space<semaphore_mem>>)
      %dma_wait3A = arith.constant 0 : i32
      %dma_wait3A_197 = arith.constant 0 : i32
      %dma_wait3A_198 = arith.constant 0 : i32
      %dma_wait3A_199 = tpu.memref_slice %arg10[%dma_wait3A, %dma_wait3A_197, %dma_wait3A_198] : memref<2x128x128xf32, #tpu.memory_space<vmem>> -> memref<1x128x128xf32, #tpu.memory_space<vmem>>
      %dma_wait3A_200 = tpu.memref_squeeze %dma_wait3A_199 : memref<1x128x128xf32, #tpu.memory_space<vmem>> -> memref<128x128xf32, #tpu.memory_space<vmem>>
      %dma_wait3A_201 = arith.constant 0 : i32
      %dma_wait3A_202 = arith.constant 0 : i32
      %dma_wait3A_203 = tpu.memref_slice %arg2[%dma_wait3A_201, %dma_wait3A_202] : memref<10240x128xf32, #tpu.memory_space<hbm>> -> memref<10240x128xf32, #tpu.memory_space<hbm>>
      tpu.wait_indirect_dma semaphore(%arg12 : memref<!tpu.dma_semaphore, #tpu.memory_space<semaphore_mem>>) src(%dma_wait3A_203 : memref<10240x128xf32, #tpu.memory_space<hbm>>) dst(%dma_wait3A_200 : memref<128x128xf32, #tpu.memory_space<vmem>>)
      %dma_start3A_204 = arith.constant 0 : i32
      %dma_start3A_205 = arith.constant 0 : i32
      %dma_start3A_206 = arith.constant 0 : i32
      %dma_start3A_207 = tpu.memref_slice %arg10[%dma_start3A_204, %dma_start3A_205, %dma_start3A_206] : memref<2x128x128xf32, #tpu.memory_space<vmem>> -> memref<1x128x128xf32, #tpu.memory_space<vmem>>
      %dma_start3A_208 = tpu.memref_squeeze %dma_start3A_207 : memref<1x128x128xf32, #tpu.memory_space<vmem>> -> memref<128x128xf32, #tpu.memory_space<vmem>>
      %dma_start3A_209 = arith.constant 0 : i32
      %dma_start3A_210 = arith.constant 0 : i32
      %dma_start3A_211 = tpu.memref_slice %arg11[%dma_start3A_209, %dma_start3A_210] : memref<10240x128xf32, #tpu.memory_space<vmem_shared>> -> memref<10240x128xf32, #tpu.memory_space<vmem_shared>>
      tpu.enqueue_indirect_dma source(%dma_start3A_208 : memref<128x128xf32, #tpu.memory_space<vmem>>) target(%dma_start3A_211 : memref<10240x128xf32, #tpu.memory_space<vmem_shared>>) offsets(%arg8 : memref<128xi32, #tpu.memory_space<vmem>>) semaphore(%arg14 : memref<!tpu.dma_semaphore, #tpu.memory_space<semaphore_mem>>) {add = true}
      %dma_wait3A_212 = arith.constant 0 : i32
      %dma_wait3A_213 = arith.constant 0 : i32
      %dma_wait3A_214 = arith.constant 0 : i32
      %dma_wait3A_215 = tpu.memref_slice %arg10[%dma_wait3A_212, %dma_wait3A_213, %dma_wait3A_214] : memref<2x128x128xf32, #tpu.memory_space<vmem>> -> memref<1x128x128xf32, #tpu.memory_space<vmem>>
      %dma_wait3A_216 = tpu.memref_squeeze %dma_wait3A_215 : memref<1x128x128xf32, #tpu.memory_space<vmem>> -> memref<128x128xf32, #tpu.memory_space<vmem>>
      %dma_wait3A_217 = arith.constant 0 : i32
      %dma_wait3A_218 = arith.constant 0 : i32
      %dma_wait3A_219 = tpu.memref_slice %arg11[%dma_wait3A_217, %dma_wait3A_218] : memref<10240x128xf32, #tpu.memory_space<vmem_shared>> -> memref<10240x128xf32, #tpu.memory_space<vmem_shared>>
      tpu.wait_indirect_dma semaphore(%arg14 : memref<!tpu.dma_semaphore, #tpu.memory_space<semaphore_mem>>) src(%dma_wait3A_216 : memref<128x128xf32, #tpu.memory_space<vmem>>) dst(%dma_wait3A_219 : memref<10240x128xf32, #tpu.memory_space<vmem_shared>>)
      %scan3A_220 = arith.constant 0 : i32
      scf.yield %scan3A_220 : i32
    }
    %scan3A_39 = arith.constant 80 : i32
    %barrier3A_40 = arith.constant 0 : index
    tpu.barrier barrier_id(%barrier3A_40)
    %mul3A_41 = arith.constant 640 : i32
    %mul3A_42 = arith.muli %arg1, %mul3A_41 : i32
    %mul3A_43 = arith.constant 10240 : i32
    %mul3A_44 = arith.muli %arg0, %mul3A_43 : i32
    %mul3A_45 = arith.constant 640 : i32
    %mul3A_46 = arith.muli %arg1, %mul3A_45 : i32
    %add3A_47 = arith.addi %mul3A_44, %mul3A_46 : i32
    "tpu.region"() ({
      %run_scoped3A_48 = tpu.sem_alloc : memref<!tpu.dma_semaphore, #tpu.memory_space<semaphore_mem>>
      %dma_start3A = arith.constant 0 : i32
      %dma_start3A_49 = tpu.memref_slice %arg4[%add3A_47, %dma_start3A] : memref<20480x128xf32, #tpu.memory_space<hbm>> -> memref<640x128xf32, #tpu.memory_space<hbm>>
      %dma_start3A_50 = arith.constant 0 : i32
      %dma_start3A_51 = tpu.memref_slice %arg11[%mul3A_42, %dma_start3A_50] : memref<10240x128xf32, #tpu.memory_space<vmem_shared>> -> memref<640x128xf32, #tpu.memory_space<vmem_shared>>
      tpu.enqueue_dma source(%dma_start3A_51 : memref<640x128xf32, #tpu.memory_space<vmem_shared>>) target(%dma_start3A_49 : memref<640x128xf32, #tpu.memory_space<hbm>>) target_semaphore(%run_scoped3A_48 : memref<!tpu.dma_semaphore, #tpu.memory_space<semaphore_mem>>)
      %dma_wait3A = arith.constant 0 : i32
      %dma_wait3A_52 = tpu.memref_slice %arg4[%add3A_47, %dma_wait3A] : memref<20480x128xf32, #tpu.memory_space<hbm>> -> memref<640x128xf32, #tpu.memory_space<hbm>>
      %dma_wait3A_53 = arith.constant 0 : i32
      %dma_wait3A_54 = tpu.memref_slice %arg11[%mul3A_42, %dma_wait3A_53] : memref<10240x128xf32, #tpu.memory_space<vmem_shared>> -> memref<640x128xf32, #tpu.memory_space<vmem_shared>>
      tpu.wait_dma2 semaphore(%run_scoped3A_48 : memref<!tpu.dma_semaphore, #tpu.memory_space<semaphore_mem>>) src(%dma_wait3A_54 : memref<640x128xf32, #tpu.memory_space<vmem_shared>>) dst(%dma_wait3A_52 : memref<640x128xf32, #tpu.memory_space<hbm>>)
      tpu.yield
    }) : () -> ()
    return
  }
}

#map = affine_map<(d0, d1) -> (0, 0)>
#map1 = affine_map<(d0, d1) -> (0, 0, 0)>
module attributes {stable_mosaic.version = 14 : i64} {
  func.func @_sc_edge_pass(%arg0: i32, %arg1: i32, %arg2: memref<10240x128xf32, #tpu.memory_space<hbm>>, %arg3: memref<32x80x128xi32, #tpu.memory_space<hbm>>, %arg4: memref<20480x128xf32, #tpu.memory_space<hbm>>, %arg5: memref<80x128xi32, #tpu.memory_space<vmem>>, %arg6: memref<128xi32, #tpu.memory_space<vmem>>, %arg7: memref<128xi32, #tpu.memory_space<vmem>>, %arg8: memref<128xi32, #tpu.memory_space<vmem>>, %arg9: memref<128xi32, #tpu.memory_space<vmem>>, %arg10: memref<2x128x128xf32, #tpu.memory_space<vmem>>, %arg11: memref<10240x128xf32, #tpu.memory_space<vmem_shared>>, %arg12: memref<!tpu.dma_semaphore, #tpu.memory_space<semaphore_mem>>, %arg13: memref<!tpu.dma_semaphore, #tpu.memory_space<semaphore_mem>>, %arg14: memref<!tpu.dma_semaphore, #tpu.memory_space<semaphore_mem>>, %arg15: memref<!tpu.dma_semaphore, #tpu.memory_space<semaphore_mem>>) attributes {dimension_semantics = [#tpu.dimension_semantics<core_parallel>, #tpu.dimension_semantics<subcore_parallel>], iteration_bounds = array<i64: 2, 16>, scalar_prefetch = 0 : i64, scratch_operands = 11 : i64, tpu.core_type = #tpu.core_type<sc_vector_subcore>, window_params = [{transform_indices = #map}, {transform_indices = #map1}, {transform_indices = #map}]} {
    %mul3A = arith.constant 16 : i32
    %mul3A_0 = arith.muli %arg0, %mul3A : i32
    %add3A = arith.addi %mul3A_0, %arg1 : i32
    "tpu.region"() ({
      %run_scoped3A_48 = tpu.sem_alloc : memref<!tpu.dma_semaphore, #tpu.memory_space<semaphore_mem>>
      %dma_start3A = arith.constant 0 : i32
      %dma_start3A_49 = arith.constant 0 : i32
      %dma_start3A_50 = tpu.memref_slice %arg3[%add3A, %dma_start3A, %dma_start3A_49] : memref<32x80x128xi32, #tpu.memory_space<hbm>> -> memref<1x80x128xi32, #tpu.memory_space<hbm>>
      %dma_start3A_51 = tpu.memref_squeeze %dma_start3A_50 : memref<1x80x128xi32, #tpu.memory_space<hbm>> -> memref<80x128xi32, #tpu.memory_space<hbm>>
      %dma_start3A_52 = arith.constant 0 : i32
      %dma_start3A_53 = arith.constant 0 : i32
      %dma_start3A_54 = tpu.memref_slice %arg3[%add3A, %dma_start3A_52, %dma_start3A_53] : memref<32x80x128xi32, #tpu.memory_space<hbm>> -> memref<1x80x128xi32, #tpu.memory_space<hbm>>
      %dma_start3A_55 = tpu.memref_squeeze %dma_start3A_54 : memref<1x80x128xi32, #tpu.memory_space<hbm>> -> memref<80x128xi32, #tpu.memory_space<hbm>>
      tpu.enqueue_dma source(%dma_start3A_55 : memref<80x128xi32, #tpu.memory_space<hbm>>) target(%arg5 : memref<80x128xi32, #tpu.memory_space<vmem>>) target_semaphore(%run_scoped3A_48 : memref<!tpu.dma_semaphore, #tpu.memory_space<semaphore_mem>>)
      %dma_wait3A = arith.constant 0 : i32
      %dma_wait3A_56 = arith.constant 0 : i32
      %dma_wait3A_57 = tpu.memref_slice %arg3[%add3A, %dma_wait3A, %dma_wait3A_56] : memref<32x80x128xi32, #tpu.memory_space<hbm>> -> memref<1x80x128xi32, #tpu.memory_space<hbm>>
      %dma_wait3A_58 = tpu.memref_squeeze %dma_wait3A_57 : memref<1x80x128xi32, #tpu.memory_space<hbm>> -> memref<80x128xi32, #tpu.memory_space<hbm>>
      %dma_wait3A_59 = arith.constant 0 : i32
      %dma_wait3A_60 = arith.constant 0 : i32
      %dma_wait3A_61 = tpu.memref_slice %arg3[%add3A, %dma_wait3A_59, %dma_wait3A_60] : memref<32x80x128xi32, #tpu.memory_space<hbm>> -> memref<1x80x128xi32, #tpu.memory_space<hbm>>
      %dma_wait3A_62 = tpu.memref_squeeze %dma_wait3A_61 : memref<1x80x128xi32, #tpu.memory_space<hbm>> -> memref<80x128xi32, #tpu.memory_space<hbm>>
      tpu.wait_dma2 semaphore(%run_scoped3A_48 : memref<!tpu.dma_semaphore, #tpu.memory_space<semaphore_mem>>) src(%dma_wait3A_62 : memref<80x128xi32, #tpu.memory_space<hbm>>) dst(%arg5 : memref<80x128xi32, #tpu.memory_space<vmem>>)
      tpu.yield
    }) : () -> ()
    %broadcast_in_dim3A = arith.constant 0.000000e+00 : f32
    %broadcast_in_dim3A_1 = vector.broadcast %broadcast_in_dim3A : f32 to vector<16xf32>
    %scan3A = arith.constant 0 : i32
    %scan3A_2 = arith.constant 0 : i32
    %scan3A_3 = arith.constant 0 : i32
    %scan3A_4 = arith.constant 128 : i32
    %scan3A_5 = arith.addi %scan3A_3, %scan3A_4 : i32
    %scan3A_6 = arith.constant 1 : i32
    %scan3A_7 = scf.for %scan3A_48 = %scan3A_3 to %scan3A_5 step %scan3A_6 iter_args(%scan3A_49 = %scan3A_2) -> (i32)  : i32 {
      %swap3A = arith.constant 0 : i32
      %swap3A_50 = arith.constant 0 : i32
      %swap3A_51 = tpu.memref_slice %arg10[%scan3A, %swap3A, %swap3A_50] : memref<2x128x128xf32, #tpu.memory_space<vmem>> -> memref<1x128x128xf32, #tpu.memory_space<vmem>>
      %swap3A_52 = tpu.memref_squeeze %swap3A_51 : memref<1x128x128xf32, #tpu.memory_space<vmem>> -> memref<128x128xf32, #tpu.memory_space<vmem>>
      %swap3A_53 = arith.index_cast %scan3A_48 : i32 to index
      %swap3A_54 = arith.constant 0 : index
      %swap3A_55 = tpu.vector_load %swap3A_52[%swap3A_53, %swap3A_54] {strides = array<i32>} : memref<128x128xf32, #tpu.memory_space<vmem>>, vector<1x16xf32>,
      %swap3A_56 = vector.shape_cast %swap3A_55 : vector<1x16xf32> to vector<16xf32>
      %swap3A_57 = vector.shape_cast %broadcast_in_dim3A_1 : vector<16xf32> to vector<1x16xf32>
      tpu.vector_store %swap3A_52[%swap3A_53, %swap3A_54], %swap3A_57 {strides = array<i32>} : memref<128x128xf32, #tpu.memory_space<vmem>>, vector<1x16xf32>,
      %swap3A_58 = arith.constant 0 : i32
      %swap3A_59 = arith.constant 0 : i32
      %swap3A_60 = tpu.memref_slice %arg10[%scan3A, %swap3A_58, %swap3A_59] : memref<2x128x128xf32, #tpu.memory_space<vmem>> -> memref<1x128x128xf32, #tpu.memory_space<vmem>>
      %swap3A_61 = tpu.memref_squeeze %swap3A_60 : memref<1x128x128xf32, #tpu.memory_space<vmem>> -> memref<128x128xf32, #tpu.memory_space<vmem>>
      %swap3A_62 = arith.index_cast %scan3A_48 : i32 to index
      %swap3A_63 = arith.constant 16 : index
      %swap3A_64 = tpu.vector_load %swap3A_61[%swap3A_62, %swap3A_63] {strides = array<i32>} : memref<128x128xf32, #tpu.memory_space<vmem>>, vector<1x16xf32>,
      %swap3A_65 = vector.shape_cast %swap3A_64 : vector<1x16xf32> to vector<16xf32>
      %swap3A_66 = vector.shape_cast %broadcast_in_dim3A_1 : vector<16xf32> to vector<1x16xf32>
      tpu.vector_store %swap3A_61[%swap3A_62, %swap3A_63], %swap3A_66 {strides = array<i32>} : memref<128x128xf32, #tpu.memory_space<vmem>>, vector<1x16xf32>,
      %swap3A_67 = arith.constant 0 : i32
      %swap3A_68 = arith.constant 0 : i32
      %swap3A_69 = tpu.memref_slice %arg10[%scan3A, %swap3A_67, %swap3A_68] : memref<2x128x128xf32, #tpu.memory_space<vmem>> -> memref<1x128x128xf32, #tpu.memory_space<vmem>>
      %swap3A_70 = tpu.memref_squeeze %swap3A_69 : memref<1x128x128xf32, #tpu.memory_space<vmem>> -> memref<128x128xf32, #tpu.memory_space<vmem>>
      %swap3A_71 = arith.index_cast %scan3A_48 : i32 to index
      %swap3A_72 = arith.constant 32 : index
      %swap3A_73 = tpu.vector_load %swap3A_70[%swap3A_71, %swap3A_72] {strides = array<i32>} : memref<128x128xf32, #tpu.memory_space<vmem>>, vector<1x16xf32>,
      %swap3A_74 = vector.shape_cast %swap3A_73 : vector<1x16xf32> to vector<16xf32>
      %swap3A_75 = vector.shape_cast %broadcast_in_dim3A_1 : vector<16xf32> to vector<1x16xf32>
      tpu.vector_store %swap3A_70[%swap3A_71, %swap3A_72], %swap3A_75 {strides = array<i32>} : memref<128x128xf32, #tpu.memory_space<vmem>>, vector<1x16xf32>,
      %swap3A_76 = arith.constant 0 : i32
      %swap3A_77 = arith.constant 0 : i32
      %swap3A_78 = tpu.memref_slice %arg10[%scan3A, %swap3A_76, %swap3A_77] : memref<2x128x128xf32, #tpu.memory_space<vmem>> -> memref<1x128x128xf32, #tpu.memory_space<vmem>>
      %swap3A_79 = tpu.memref_squeeze %swap3A_78 : memref<1x128x128xf32, #tpu.memory_space<vmem>> -> memref<128x128xf32, #tpu.memory_space<vmem>>
      %swap3A_80 = arith.index_cast %scan3A_48 : i32 to index
      %swap3A_81 = arith.constant 48 : index
      %swap3A_82 = tpu.vector_load %swap3A_79[%swap3A_80, %swap3A_81] {strides = array<i32>} : memref<128x128xf32, #tpu.memory_space<vmem>>, vector<1x16xf32>,
      %swap3A_83 = vector.shape_cast %swap3A_82 : vector<1x16xf32> to vector<16xf32>
      %swap3A_84 = vector.shape_cast %broadcast_in_dim3A_1 : vector<16xf32> to vector<1x16xf32>
      tpu.vector_store %swap3A_79[%swap3A_80, %swap3A_81], %swap3A_84 {strides = array<i32>} : memref<128x128xf32, #tpu.memory_space<vmem>>, vector<1x16xf32>,
      %swap3A_85 = arith.constant 0 : i32
      %swap3A_86 = arith.constant 0 : i32
      %swap3A_87 = tpu.memref_slice %arg10[%scan3A, %swap3A_85, %swap3A_86] : memref<2x128x128xf32, #tpu.memory_space<vmem>> -> memref<1x128x128xf32, #tpu.memory_space<vmem>>
      %swap3A_88 = tpu.memref_squeeze %swap3A_87 : memref<1x128x128xf32, #tpu.memory_space<vmem>> -> memref<128x128xf32, #tpu.memory_space<vmem>>
      %swap3A_89 = arith.index_cast %scan3A_48 : i32 to index
      %swap3A_90 = arith.constant 64 : index
      %swap3A_91 = tpu.vector_load %swap3A_88[%swap3A_89, %swap3A_90] {strides = array<i32>} : memref<128x128xf32, #tpu.memory_space<vmem>>, vector<1x16xf32>,
      %swap3A_92 = vector.shape_cast %swap3A_91 : vector<1x16xf32> to vector<16xf32>
      %swap3A_93 = vector.shape_cast %broadcast_in_dim3A_1 : vector<16xf32> to vector<1x16xf32>
      tpu.vector_store %swap3A_88[%swap3A_89, %swap3A_90], %swap3A_93 {strides = array<i32>} : memref<128x128xf32, #tpu.memory_space<vmem>>, vector<1x16xf32>,
      %swap3A_94 = arith.constant 0 : i32
      %swap3A_95 = arith.constant 0 : i32
      %swap3A_96 = tpu.memref_slice %arg10[%scan3A, %swap3A_94, %swap3A_95] : memref<2x128x128xf32, #tpu.memory_space<vmem>> -> memref<1x128x128xf32, #tpu.memory_space<vmem>>
      %swap3A_97 = tpu.memref_squeeze %swap3A_96 : memref<1x128x128xf32, #tpu.memory_space<vmem>> -> memref<128x128xf32, #tpu.memory_space<vmem>>
      %swap3A_98 = arith.index_cast %scan3A_48 : i32 to index
      %swap3A_99 = arith.constant 80 : index
      %swap3A_100 = tpu.vector_load %swap3A_97[%swap3A_98, %swap3A_99] {strides = array<i32>} : memref<128x128xf32, #tpu.memory_space<vmem>>, vector<1x16xf32>,
      %swap3A_101 = vector.shape_cast %swap3A_100 : vector<1x16xf32> to vector<16xf32>
      %swap3A_102 = vector.shape_cast %broadcast_in_dim3A_1 : vector<16xf32> to vector<1x16xf32>
      tpu.vector_store %swap3A_97[%swap3A_98, %swap3A_99], %swap3A_102 {strides = array<i32>} : memref<128x128xf32, #tpu.memory_space<vmem>>, vector<1x16xf32>,
      %swap3A_103 = arith.constant 0 : i32
      %swap3A_104 = arith.constant 0 : i32
      %swap3A_105 = tpu.memref_slice %arg10[%scan3A, %swap3A_103, %swap3A_104] : memref<2x128x128xf32, #tpu.memory_space<vmem>> -> memref<1x128x128xf32, #tpu.memory_space<vmem>>
      %swap3A_106 = tpu.memref_squeeze %swap3A_105 : memref<1x128x128xf32, #tpu.memory_space<vmem>> -> memref<128x128xf32, #tpu.memory_space<vmem>>
      %swap3A_107 = arith.index_cast %scan3A_48 : i32 to index
      %swap3A_108 = arith.constant 96 : index
      %swap3A_109 = tpu.vector_load %swap3A_106[%swap3A_107, %swap3A_108] {strides = array<i32>} : memref<128x128xf32, #tpu.memory_space<vmem>>, vector<1x16xf32>,
      %swap3A_110 = vector.shape_cast %swap3A_109 : vector<1x16xf32> to vector<16xf32>
      %swap3A_111 = vector.shape_cast %broadcast_in_dim3A_1 : vector<16xf32> to vector<1x16xf32>
      tpu.vector_store %swap3A_106[%swap3A_107, %swap3A_108], %swap3A_111 {strides = array<i32>} : memref<128x128xf32, #tpu.memory_space<vmem>>, vector<1x16xf32>,
      %swap3A_112 = arith.constant 0 : i32
      %swap3A_113 = arith.constant 0 : i32
      %swap3A_114 = tpu.memref_slice %arg10[%scan3A, %swap3A_112, %swap3A_113] : memref<2x128x128xf32, #tpu.memory_space<vmem>> -> memref<1x128x128xf32, #tpu.memory_space<vmem>>
      %swap3A_115 = tpu.memref_squeeze %swap3A_114 : memref<1x128x128xf32, #tpu.memory_space<vmem>> -> memref<128x128xf32, #tpu.memory_space<vmem>>
      %swap3A_116 = arith.index_cast %scan3A_48 : i32 to index
      %swap3A_117 = arith.constant 112 : index
      %swap3A_118 = tpu.vector_load %swap3A_115[%swap3A_116, %swap3A_117] {strides = array<i32>} : memref<128x128xf32, #tpu.memory_space<vmem>>, vector<1x16xf32>,
      %swap3A_119 = vector.shape_cast %swap3A_118 : vector<1x16xf32> to vector<16xf32>
      %swap3A_120 = vector.shape_cast %broadcast_in_dim3A_1 : vector<16xf32> to vector<1x16xf32>
      tpu.vector_store %swap3A_115[%swap3A_116, %swap3A_117], %swap3A_120 {strides = array<i32>} : memref<128x128xf32, #tpu.memory_space<vmem>>, vector<1x16xf32>,
      %scan3A_121 = arith.constant 0 : i32
      scf.yield %scan3A_121 : i32
    }
    %scan3A_8 = arith.constant 128 : i32
    %mul3A_9 = arith.constant 640 : i32
    %mul3A_10 = arith.muli %arg1, %mul3A_9 : i32
    %add3A_11 = arith.constant 0 : i32
    %add3A_12 = arith.addi %mul3A_10, %add3A_11 : i32
    %run_scoped3A = arith.constant 0 : i32
    "tpu.region"() ({
      %run_scoped3A_48 = tpu.sem_alloc : memref<!tpu.dma_semaphore, #tpu.memory_space<semaphore_mem>>
      %dma_start3A = arith.constant 0 : i32
      %dma_start3A_49 = arith.constant 0 : i32
      %dma_start3A_50 = tpu.memref_slice %arg10[%run_scoped3A, %dma_start3A, %dma_start3A_49] : memref<2x128x128xf32, #tpu.memory_space<vmem>> -> memref<1x128x128xf32, #tpu.memory_space<vmem>>
      %dma_start3A_51 = tpu.memref_squeeze %dma_start3A_50 : memref<1x128x128xf32, #tpu.memory_space<vmem>> -> memref<128x128xf32, #tpu.memory_space<vmem>>
      %dma_start3A_52 = arith.constant 0 : i32
      %dma_start3A_53 = tpu.memref_slice %arg11[%add3A_12, %dma_start3A_52] : memref<10240x128xf32, #tpu.memory_space<vmem_shared>> -> memref<128x128xf32, #tpu.memory_space<vmem_shared>>
      %dma_start3A_54 = arith.constant 0 : i32
      %dma_start3A_55 = tpu.memref_slice %arg11[%add3A_12, %dma_start3A_54] : memref<10240x128xf32, #tpu.memory_space<vmem_shared>> -> memref<128x128xf32, #tpu.memory_space<vmem_shared>>
      %dma_start3A_56 = arith.constant 0 : i32
      %dma_start3A_57 = arith.constant 0 : i32
      %dma_start3A_58 = tpu.memref_slice %arg10[%run_scoped3A, %dma_start3A_56, %dma_start3A_57] : memref<2x128x128xf32, #tpu.memory_space<vmem>> -> memref<1x128x128xf32, #tpu.memory_space<vmem>>
      %dma_start3A_59 = tpu.memref_squeeze %dma_start3A_58 : memref<1x128x128xf32, #tpu.memory_space<vmem>> -> memref<128x128xf32, #tpu.memory_space<vmem>>
      tpu.enqueue_dma source(%dma_start3A_59 : memref<128x128xf32, #tpu.memory_space<vmem>>) target(%dma_start3A_55 : memref<128x128xf32, #tpu.memory_space<vmem_shared>>) target_semaphore(%run_scoped3A_48 : memref<!tpu.dma_semaphore, #tpu.memory_space<semaphore_mem>>)
      %dma_wait3A = arith.constant 0 : i32
      %dma_wait3A_60 = arith.constant 0 : i32
      %dma_wait3A_61 = tpu.memref_slice %arg10[%run_scoped3A, %dma_wait3A, %dma_wait3A_60] : memref<2x128x128xf32, #tpu.memory_space<vmem>> -> memref<1x128x128xf32, #tpu.memory_space<vmem>>
      %dma_wait3A_62 = tpu.memref_squeeze %dma_wait3A_61 : memref<1x128x128xf32, #tpu.memory_space<vmem>> -> memref<128x128xf32, #tpu.memory_space<vmem>>
      %dma_wait3A_63 = arith.constant 0 : i32
      %dma_wait3A_64 = tpu.memref_slice %arg11[%add3A_12, %dma_wait3A_63] : memref<10240x128xf32, #tpu.memory_space<vmem_shared>> -> memref<128x128xf32, #tpu.memory_space<vmem_shared>>
      %dma_wait3A_65 = arith.constant 0 : i32
      %dma_wait3A_66 = tpu.memref_slice %arg11[%add3A_12, %dma_wait3A_65] : memref<10240x128xf32, #tpu.memory_space<vmem_shared>> -> memref<128x128xf32, #tpu.memory_space<vmem_shared>>
      %dma_wait3A_67 = arith.constant 0 : i32
      %dma_wait3A_68 = arith.constant 0 : i32
      %dma_wait3A_69 = tpu.memref_slice %arg10[%run_scoped3A, %dma_wait3A_67, %dma_wait3A_68] : memref<2x128x128xf32, #tpu.memory_space<vmem>> -> memref<1x128x128xf32, #tpu.memory_space<vmem>>
      %dma_wait3A_70 = tpu.memref_squeeze %dma_wait3A_69 : memref<1x128x128xf32, #tpu.memory_space<vmem>> -> memref<128x128xf32, #tpu.memory_space<vmem>>
      tpu.wait_dma2 semaphore(%run_scoped3A_48 : memref<!tpu.dma_semaphore, #tpu.memory_space<semaphore_mem>>) src(%dma_wait3A_70 : memref<128x128xf32, #tpu.memory_space<vmem>>) dst(%dma_wait3A_66 : memref<128x128xf32, #tpu.memory_space<vmem_shared>>)
      tpu.yield
    }) : () -> ()
    %mul3A_13 = arith.constant 640 : i32
    %mul3A_14 = arith.muli %arg1, %mul3A_13 : i32
    %add3A_15 = arith.constant 128 : i32
    %add3A_16 = arith.addi %mul3A_14, %add3A_15 : i32
    %run_scoped3A_17 = arith.constant 0 : i32
    "tpu.region"() ({
      %run_scoped3A_48 = tpu.sem_alloc : memref<!tpu.dma_semaphore, #tpu.memory_space<semaphore_mem>>
      %dma_start3A = arith.constant 0 : i32
      %dma_start3A_49 = arith.constant 0 : i32
      %dma_start3A_50 = tpu.memref_slice %arg10[%run_scoped3A_17, %dma_start3A, %dma_start3A_49] : memref<2x128x128xf32, #tpu.memory_space<vmem>> -> memref<1x128x128xf32, #tpu.memory_space<vmem>>
      %dma_start3A_51 = tpu.memref_squeeze %dma_start3A_50 : memref<1x128x128xf32, #tpu.memory_space<vmem>> -> memref<128x128xf32, #tpu.memory_space<vmem>>
      %dma_start3A_52 = arith.constant 0 : i32
      %dma_start3A_53 = tpu.memref_slice %arg11[%add3A_16, %dma_start3A_52] : memref<10240x128xf32, #tpu.memory_space<vmem_shared>> -> memref<128x128xf32, #tpu.memory_space<vmem_shared>>
      %dma_start3A_54 = arith.constant 0 : i32
      %dma_start3A_55 = tpu.memref_slice %arg11[%add3A_16, %dma_start3A_54] : memref<10240x128xf32, #tpu.memory_space<vmem_shared>> -> memref<128x128xf32, #tpu.memory_space<vmem_shared>>
      %dma_start3A_56 = arith.constant 0 : i32
      %dma_start3A_57 = arith.constant 0 : i32
      %dma_start3A_58 = tpu.memref_slice %arg10[%run_scoped3A_17, %dma_start3A_56, %dma_start3A_57] : memref<2x128x128xf32, #tpu.memory_space<vmem>> -> memref<1x128x128xf32, #tpu.memory_space<vmem>>
      %dma_start3A_59 = tpu.memref_squeeze %dma_start3A_58 : memref<1x128x128xf32, #tpu.memory_space<vmem>> -> memref<128x128xf32, #tpu.memory_space<vmem>>
      tpu.enqueue_dma source(%dma_start3A_59 : memref<128x128xf32, #tpu.memory_space<vmem>>) target(%dma_start3A_55 : memref<128x128xf32, #tpu.memory_space<vmem_shared>>) target_semaphore(%run_scoped3A_48 : memref<!tpu.dma_semaphore, #tpu.memory_space<semaphore_mem>>)
      %dma_wait3A = arith.constant 0 : i32
      %dma_wait3A_60 = arith.constant 0 : i32
      %dma_wait3A_61 = tpu.memref_slice %arg10[%run_scoped3A_17, %dma_wait3A, %dma_wait3A_60] : memref<2x128x128xf32, #tpu.memory_space<vmem>> -> memref<1x128x128xf32, #tpu.memory_space<vmem>>
      %dma_wait3A_62 = tpu.memref_squeeze %dma_wait3A_61 : memref<1x128x128xf32, #tpu.memory_space<vmem>> -> memref<128x128xf32, #tpu.memory_space<vmem>>
      %dma_wait3A_63 = arith.constant 0 : i32
      %dma_wait3A_64 = tpu.memref_slice %arg11[%add3A_16, %dma_wait3A_63] : memref<10240x128xf32, #tpu.memory_space<vmem_shared>> -> memref<128x128xf32, #tpu.memory_space<vmem_shared>>
      %dma_wait3A_65 = arith.constant 0 : i32
      %dma_wait3A_66 = tpu.memref_slice %arg11[%add3A_16, %dma_wait3A_65] : memref<10240x128xf32, #tpu.memory_space<vmem_shared>> -> memref<128x128xf32, #tpu.memory_space<vmem_shared>>
      %dma_wait3A_67 = arith.constant 0 : i32
      %dma_wait3A_68 = arith.constant 0 : i32
      %dma_wait3A_69 = tpu.memref_slice %arg10[%run_scoped3A_17, %dma_wait3A_67, %dma_wait3A_68] : memref<2x128x128xf32, #tpu.memory_space<vmem>> -> memref<1x128x128xf32, #tpu.memory_space<vmem>>
      %dma_wait3A_70 = tpu.memref_squeeze %dma_wait3A_69 : memref<1x128x128xf32, #tpu.memory_space<vmem>> -> memref<128x128xf32, #tpu.memory_space<vmem>>
      tpu.wait_dma2 semaphore(%run_scoped3A_48 : memref<!tpu.dma_semaphore, #tpu.memory_space<semaphore_mem>>) src(%dma_wait3A_70 : memref<128x128xf32, #tpu.memory_space<vmem>>) dst(%dma_wait3A_66 : memref<128x128xf32, #tpu.memory_space<vmem_shared>>)
      tpu.yield
    }) : () -> ()
    %mul3A_18 = arith.constant 640 : i32
    %mul3A_19 = arith.muli %arg1, %mul3A_18 : i32
    %add3A_20 = arith.constant 256 : i32
    %add3A_21 = arith.addi %mul3A_19, %add3A_20 : i32
    %run_scoped3A_22 = arith.constant 0 : i32
    "tpu.region"() ({
      %run_scoped3A_48 = tpu.sem_alloc : memref<!tpu.dma_semaphore, #tpu.memory_space<semaphore_mem>>
      %dma_start3A = arith.constant 0 : i32
      %dma_start3A_49 = arith.constant 0 : i32
      %dma_start3A_50 = tpu.memref_slice %arg10[%run_scoped3A_22, %dma_start3A, %dma_start3A_49] : memref<2x128x128xf32, #tpu.memory_space<vmem>> -> memref<1x128x128xf32, #tpu.memory_space<vmem>>
      %dma_start3A_51 = tpu.memref_squeeze %dma_start3A_50 : memref<1x128x128xf32, #tpu.memory_space<vmem>> -> memref<128x128xf32, #tpu.memory_space<vmem>>
      %dma_start3A_52 = arith.constant 0 : i32
      %dma_start3A_53 = tpu.memref_slice %arg11[%add3A_21, %dma_start3A_52] : memref<10240x128xf32, #tpu.memory_space<vmem_shared>> -> memref<128x128xf32, #tpu.memory_space<vmem_shared>>
      %dma_start3A_54 = arith.constant 0 : i32
      %dma_start3A_55 = tpu.memref_slice %arg11[%add3A_21, %dma_start3A_54] : memref<10240x128xf32, #tpu.memory_space<vmem_shared>> -> memref<128x128xf32, #tpu.memory_space<vmem_shared>>
      %dma_start3A_56 = arith.constant 0 : i32
      %dma_start3A_57 = arith.constant 0 : i32
      %dma_start3A_58 = tpu.memref_slice %arg10[%run_scoped3A_22, %dma_start3A_56, %dma_start3A_57] : memref<2x128x128xf32, #tpu.memory_space<vmem>> -> memref<1x128x128xf32, #tpu.memory_space<vmem>>
      %dma_start3A_59 = tpu.memref_squeeze %dma_start3A_58 : memref<1x128x128xf32, #tpu.memory_space<vmem>> -> memref<128x128xf32, #tpu.memory_space<vmem>>
      tpu.enqueue_dma source(%dma_start3A_59 : memref<128x128xf32, #tpu.memory_space<vmem>>) target(%dma_start3A_55 : memref<128x128xf32, #tpu.memory_space<vmem_shared>>) target_semaphore(%run_scoped3A_48 : memref<!tpu.dma_semaphore, #tpu.memory_space<semaphore_mem>>)
      %dma_wait3A = arith.constant 0 : i32
      %dma_wait3A_60 = arith.constant 0 : i32
      %dma_wait3A_61 = tpu.memref_slice %arg10[%run_scoped3A_22, %dma_wait3A, %dma_wait3A_60] : memref<2x128x128xf32, #tpu.memory_space<vmem>> -> memref<1x128x128xf32, #tpu.memory_space<vmem>>
      %dma_wait3A_62 = tpu.memref_squeeze %dma_wait3A_61 : memref<1x128x128xf32, #tpu.memory_space<vmem>> -> memref<128x128xf32, #tpu.memory_space<vmem>>
      %dma_wait3A_63 = arith.constant 0 : i32
      %dma_wait3A_64 = tpu.memref_slice %arg11[%add3A_21, %dma_wait3A_63] : memref<10240x128xf32, #tpu.memory_space<vmem_shared>> -> memref<128x128xf32, #tpu.memory_space<vmem_shared>>
      %dma_wait3A_65 = arith.constant 0 : i32
      %dma_wait3A_66 = tpu.memref_slice %arg11[%add3A_21, %dma_wait3A_65] : memref<10240x128xf32, #tpu.memory_space<vmem_shared>> -> memref<128x128xf32, #tpu.memory_space<vmem_shared>>
      %dma_wait3A_67 = arith.constant 0 : i32
      %dma_wait3A_68 = arith.constant 0 : i32
      %dma_wait3A_69 = tpu.memref_slice %arg10[%run_scoped3A_22, %dma_wait3A_67, %dma_wait3A_68] : memref<2x128x128xf32, #tpu.memory_space<vmem>> -> memref<1x128x128xf32, #tpu.memory_space<vmem>>
      %dma_wait3A_70 = tpu.memref_squeeze %dma_wait3A_69 : memref<1x128x128xf32, #tpu.memory_space<vmem>> -> memref<128x128xf32, #tpu.memory_space<vmem>>
      tpu.wait_dma2 semaphore(%run_scoped3A_48 : memref<!tpu.dma_semaphore, #tpu.memory_space<semaphore_mem>>) src(%dma_wait3A_70 : memref<128x128xf32, #tpu.memory_space<vmem>>) dst(%dma_wait3A_66 : memref<128x128xf32, #tpu.memory_space<vmem_shared>>)
      tpu.yield
    }) : () -> ()
    %mul3A_23 = arith.constant 640 : i32
    %mul3A_24 = arith.muli %arg1, %mul3A_23 : i32
    %add3A_25 = arith.constant 384 : i32
    %add3A_26 = arith.addi %mul3A_24, %add3A_25 : i32
    %run_scoped3A_27 = arith.constant 0 : i32
    "tpu.region"() ({
      %run_scoped3A_48 = tpu.sem_alloc : memref<!tpu.dma_semaphore, #tpu.memory_space<semaphore_mem>>
      %dma_start3A = arith.constant 0 : i32
      %dma_start3A_49 = arith.constant 0 : i32
      %dma_start3A_50 = tpu.memref_slice %arg10[%run_scoped3A_27, %dma_start3A, %dma_start3A_49] : memref<2x128x128xf32, #tpu.memory_space<vmem>> -> memref<1x128x128xf32, #tpu.memory_space<vmem>>
      %dma_start3A_51 = tpu.memref_squeeze %dma_start3A_50 : memref<1x128x128xf32, #tpu.memory_space<vmem>> -> memref<128x128xf32, #tpu.memory_space<vmem>>
      %dma_start3A_52 = arith.constant 0 : i32
      %dma_start3A_53 = tpu.memref_slice %arg11[%add3A_26, %dma_start3A_52] : memref<10240x128xf32, #tpu.memory_space<vmem_shared>> -> memref<128x128xf32, #tpu.memory_space<vmem_shared>>
      %dma_start3A_54 = arith.constant 0 : i32
      %dma_start3A_55 = tpu.memref_slice %arg11[%add3A_26, %dma_start3A_54] : memref<10240x128xf32, #tpu.memory_space<vmem_shared>> -> memref<128x128xf32, #tpu.memory_space<vmem_shared>>
      %dma_start3A_56 = arith.constant 0 : i32
      %dma_start3A_57 = arith.constant 0 : i32
      %dma_start3A_58 = tpu.memref_slice %arg10[%run_scoped3A_27, %dma_start3A_56, %dma_start3A_57] : memref<2x128x128xf32, #tpu.memory_space<vmem>> -> memref<1x128x128xf32, #tpu.memory_space<vmem>>
      %dma_start3A_59 = tpu.memref_squeeze %dma_start3A_58 : memref<1x128x128xf32, #tpu.memory_space<vmem>> -> memref<128x128xf32, #tpu.memory_space<vmem>>
      tpu.enqueue_dma source(%dma_start3A_59 : memref<128x128xf32, #tpu.memory_space<vmem>>) target(%dma_start3A_55 : memref<128x128xf32, #tpu.memory_space<vmem_shared>>) target_semaphore(%run_scoped3A_48 : memref<!tpu.dma_semaphore, #tpu.memory_space<semaphore_mem>>)
      %dma_wait3A = arith.constant 0 : i32
      %dma_wait3A_60 = arith.constant 0 : i32
      %dma_wait3A_61 = tpu.memref_slice %arg10[%run_scoped3A_27, %dma_wait3A, %dma_wait3A_60] : memref<2x128x128xf32, #tpu.memory_space<vmem>> -> memref<1x128x128xf32, #tpu.memory_space<vmem>>
      %dma_wait3A_62 = tpu.memref_squeeze %dma_wait3A_61 : memref<1x128x128xf32, #tpu.memory_space<vmem>> -> memref<128x128xf32, #tpu.memory_space<vmem>>
      %dma_wait3A_63 = arith.constant 0 : i32
      %dma_wait3A_64 = tpu.memref_slice %arg11[%add3A_26, %dma_wait3A_63] : memref<10240x128xf32, #tpu.memory_space<vmem_shared>> -> memref<128x128xf32, #tpu.memory_space<vmem_shared>>
      %dma_wait3A_65 = arith.constant 0 : i32
      %dma_wait3A_66 = tpu.memref_slice %arg11[%add3A_26, %dma_wait3A_65] : memref<10240x128xf32, #tpu.memory_space<vmem_shared>> -> memref<128x128xf32, #tpu.memory_space<vmem_shared>>
      %dma_wait3A_67 = arith.constant 0 : i32
      %dma_wait3A_68 = arith.constant 0 : i32
      %dma_wait3A_69 = tpu.memref_slice %arg10[%run_scoped3A_27, %dma_wait3A_67, %dma_wait3A_68] : memref<2x128x128xf32, #tpu.memory_space<vmem>> -> memref<1x128x128xf32, #tpu.memory_space<vmem>>
      %dma_wait3A_70 = tpu.memref_squeeze %dma_wait3A_69 : memref<1x128x128xf32, #tpu.memory_space<vmem>> -> memref<128x128xf32, #tpu.memory_space<vmem>>
      tpu.wait_dma2 semaphore(%run_scoped3A_48 : memref<!tpu.dma_semaphore, #tpu.memory_space<semaphore_mem>>) src(%dma_wait3A_70 : memref<128x128xf32, #tpu.memory_space<vmem>>) dst(%dma_wait3A_66 : memref<128x128xf32, #tpu.memory_space<vmem_shared>>)
      tpu.yield
    }) : () -> ()
    %mul3A_28 = arith.constant 640 : i32
    %mul3A_29 = arith.muli %arg1, %mul3A_28 : i32
    %add3A_30 = arith.constant 512 : i32
    %add3A_31 = arith.addi %mul3A_29, %add3A_30 : i32
    %run_scoped3A_32 = arith.constant 0 : i32
    "tpu.region"() ({
      %run_scoped3A_48 = tpu.sem_alloc : memref<!tpu.dma_semaphore, #tpu.memory_space<semaphore_mem>>
      %dma_start3A = arith.constant 0 : i32
      %dma_start3A_49 = arith.constant 0 : i32
      %dma_start3A_50 = tpu.memref_slice %arg10[%run_scoped3A_32, %dma_start3A, %dma_start3A_49] : memref<2x128x128xf32, #tpu.memory_space<vmem>> -> memref<1x128x128xf32, #tpu.memory_space<vmem>>
      %dma_start3A_51 = tpu.memref_squeeze %dma_start3A_50 : memref<1x128x128xf32, #tpu.memory_space<vmem>> -> memref<128x128xf32, #tpu.memory_space<vmem>>
      %dma_start3A_52 = arith.constant 0 : i32
      %dma_start3A_53 = tpu.memref_slice %arg11[%add3A_31, %dma_start3A_52] : memref<10240x128xf32, #tpu.memory_space<vmem_shared>> -> memref<128x128xf32, #tpu.memory_space<vmem_shared>>
      %dma_start3A_54 = arith.constant 0 : i32
      %dma_start3A_55 = tpu.memref_slice %arg11[%add3A_31, %dma_start3A_54] : memref<10240x128xf32, #tpu.memory_space<vmem_shared>> -> memref<128x128xf32, #tpu.memory_space<vmem_shared>>
      %dma_start3A_56 = arith.constant 0 : i32
      %dma_start3A_57 = arith.constant 0 : i32
      %dma_start3A_58 = tpu.memref_slice %arg10[%run_scoped3A_32, %dma_start3A_56, %dma_start3A_57] : memref<2x128x128xf32, #tpu.memory_space<vmem>> -> memref<1x128x128xf32, #tpu.memory_space<vmem>>
      %dma_start3A_59 = tpu.memref_squeeze %dma_start3A_58 : memref<1x128x128xf32, #tpu.memory_space<vmem>> -> memref<128x128xf32, #tpu.memory_space<vmem>>
      tpu.enqueue_dma source(%dma_start3A_59 : memref<128x128xf32, #tpu.memory_space<vmem>>) target(%dma_start3A_55 : memref<128x128xf32, #tpu.memory_space<vmem_shared>>) target_semaphore(%run_scoped3A_48 : memref<!tpu.dma_semaphore, #tpu.memory_space<semaphore_mem>>)
      %dma_wait3A = arith.constant 0 : i32
      %dma_wait3A_60 = arith.constant 0 : i32
      %dma_wait3A_61 = tpu.memref_slice %arg10[%run_scoped3A_32, %dma_wait3A, %dma_wait3A_60] : memref<2x128x128xf32, #tpu.memory_space<vmem>> -> memref<1x128x128xf32, #tpu.memory_space<vmem>>
      %dma_wait3A_62 = tpu.memref_squeeze %dma_wait3A_61 : memref<1x128x128xf32, #tpu.memory_space<vmem>> -> memref<128x128xf32, #tpu.memory_space<vmem>>
      %dma_wait3A_63 = arith.constant 0 : i32
      %dma_wait3A_64 = tpu.memref_slice %arg11[%add3A_31, %dma_wait3A_63] : memref<10240x128xf32, #tpu.memory_space<vmem_shared>> -> memref<128x128xf32, #tpu.memory_space<vmem_shared>>
      %dma_wait3A_65 = arith.constant 0 : i32
      %dma_wait3A_66 = tpu.memref_slice %arg11[%add3A_31, %dma_wait3A_65] : memref<10240x128xf32, #tpu.memory_space<vmem_shared>> -> memref<128x128xf32, #tpu.memory_space<vmem_shared>>
      %dma_wait3A_67 = arith.constant 0 : i32
      %dma_wait3A_68 = arith.constant 0 : i32
      %dma_wait3A_69 = tpu.memref_slice %arg10[%run_scoped3A_32, %dma_wait3A_67, %dma_wait3A_68] : memref<2x128x128xf32, #tpu.memory_space<vmem>> -> memref<1x128x128xf32, #tpu.memory_space<vmem>>
      %dma_wait3A_70 = tpu.memref_squeeze %dma_wait3A_69 : memref<1x128x128xf32, #tpu.memory_space<vmem>> -> memref<128x128xf32, #tpu.memory_space<vmem>>
      tpu.wait_dma2 semaphore(%run_scoped3A_48 : memref<!tpu.dma_semaphore, #tpu.memory_space<semaphore_mem>>) src(%dma_wait3A_70 : memref<128x128xf32, #tpu.memory_space<vmem>>) dst(%dma_wait3A_66 : memref<128x128xf32, #tpu.memory_space<vmem_shared>>)
      tpu.yield
    }) : () -> ()
    %barrier3A = arith.constant 0 : index
    tpu.barrier barrier_id(%barrier3A)
    %scan3A_33 = arith.constant 0 : i32
    %scan3A_34 = arith.constant 0 : i32
    %scan3A_35 = arith.constant 80 : i32
    %scan3A_36 = arith.addi %scan3A_34, %scan3A_35 : i32
    %scan3A_37 = arith.constant 1 : i32
    %scan3A_38 = scf.for %scan3A_48 = %scan3A_34 to %scan3A_36 step %scan3A_37 iter_args(%scan3A_49 = %scan3A_33) -> (i32)  : i32 {
      %get3A = arith.index_cast %scan3A_48 : i32 to index
      %get3A_50 = arith.constant 0 : index
      %get3A_51 = tpu.vector_load %arg5[%get3A, %get3A_50] {strides = array<i32>} : memref<80x128xi32, #tpu.memory_space<vmem>>, vector<1x16xi32>,
      %get3A_52 = vector.shape_cast %get3A_51 : vector<1x16xi32> to vector<16xi32>
      %shift_right_logical3A = arith.constant 14 : i32
      %shift_right_logical3A_53 = vector.broadcast %shift_right_logical3A : i32 to vector<16xi32>
      %shift_right_logical3A_54 = arith.shrui %get3A_52, %shift_right_logical3A_53 : vector<16xi32>
      %swap3A = arith.constant 0 : index
      %swap3A_55 = tpu.vector_load %arg6[%swap3A] {strides = array<i32>} : memref<128xi32, #tpu.memory_space<vmem>>, vector<16xi32>,
      %swap3A_56 = vector.shape_cast %swap3A_55 : vector<16xi32> to vector<16xi32>
      %swap3A_57 = vector.shape_cast %shift_right_logical3A_54 : vector<16xi32> to vector<16xi32>
      tpu.vector_store %arg6[%swap3A], %swap3A_57 {strides = array<i32>} : memref<128xi32, #tpu.memory_space<vmem>>, vector<16xi32>,
      %and3A = arith.constant 16383 : i32
      %and3A_58 = vector.broadcast %and3A : i32 to vector<16xi32>
      %and3A_59 = arith.andi %get3A_52, %and3A_58 : vector<16xi32>
      %swap3A_60 = arith.constant 0 : index
      %swap3A_61 = tpu.vector_load %arg8[%swap3A_60] {strides = array<i32>} : memref<128xi32, #tpu.memory_space<vmem>>, vector<16xi32>,
      %swap3A_62 = vector.shape_cast %swap3A_61 : vector<16xi32> to vector<16xi32>
      %swap3A_63 = vector.shape_cast %and3A_59 : vector<16xi32> to vector<16xi32>
      tpu.vector_store %arg8[%swap3A_60], %swap3A_63 {strides = array<i32>} : memref<128xi32, #tpu.memory_space<vmem>>, vector<16xi32>,
      %get3A_64 = arith.index_cast %scan3A_48 : i32 to index
      %get3A_65 = arith.constant 16 : index
      %get3A_66 = tpu.vector_load %arg5[%get3A_64, %get3A_65] {strides = array<i32>} : memref<80x128xi32, #tpu.memory_space<vmem>>, vector<1x16xi32>,
      %get3A_67 = vector.shape_cast %get3A_66 : vector<1x16xi32> to vector<16xi32>
      %shift_right_logical3A_68 = arith.constant 14 : i32
      %shift_right_logical3A_69 = vector.broadcast %shift_right_logical3A_68 : i32 to vector<16xi32>
      %shift_right_logical3A_70 = arith.shrui %get3A_67, %shift_right_logical3A_69 : vector<16xi32>
      %swap3A_71 = arith.constant 16 : index
      %swap3A_72 = tpu.vector_load %arg6[%swap3A_71] {strides = array<i32>} : memref<128xi32, #tpu.memory_space<vmem>>, vector<16xi32>,
      %swap3A_73 = vector.shape_cast %swap3A_72 : vector<16xi32> to vector<16xi32>
      %swap3A_74 = vector.shape_cast %shift_right_logical3A_70 : vector<16xi32> to vector<16xi32>
      tpu.vector_store %arg6[%swap3A_71], %swap3A_74 {strides = array<i32>} : memref<128xi32, #tpu.memory_space<vmem>>, vector<16xi32>,
      %and3A_75 = arith.constant 16383 : i32
      %and3A_76 = vector.broadcast %and3A_75 : i32 to vector<16xi32>
      %and3A_77 = arith.andi %get3A_67, %and3A_76 : vector<16xi32>
      %swap3A_78 = arith.constant 16 : index
      %swap3A_79 = tpu.vector_load %arg8[%swap3A_78] {strides = array<i32>} : memref<128xi32, #tpu.memory_space<vmem>>, vector<16xi32>,
      %swap3A_80 = vector.shape_cast %swap3A_79 : vector<16xi32> to vector<16xi32>
      %swap3A_81 = vector.shape_cast %and3A_77 : vector<16xi32> to vector<16xi32>
      tpu.vector_store %arg8[%swap3A_78], %swap3A_81 {strides = array<i32>} : memref<128xi32, #tpu.memory_space<vmem>>, vector<16xi32>,
      %get3A_82 = arith.index_cast %scan3A_48 : i32 to index
      %get3A_83 = arith.constant 32 : index
      %get3A_84 = tpu.vector_load %arg5[%get3A_82, %get3A_83] {strides = array<i32>} : memref<80x128xi32, #tpu.memory_space<vmem>>, vector<1x16xi32>,
      %get3A_85 = vector.shape_cast %get3A_84 : vector<1x16xi32> to vector<16xi32>
      %shift_right_logical3A_86 = arith.constant 14 : i32
      %shift_right_logical3A_87 = vector.broadcast %shift_right_logical3A_86 : i32 to vector<16xi32>
      %shift_right_logical3A_88 = arith.shrui %get3A_85, %shift_right_logical3A_87 : vector<16xi32>
      %swap3A_89 = arith.constant 32 : index
      %swap3A_90 = tpu.vector_load %arg6[%swap3A_89] {strides = array<i32>} : memref<128xi32, #tpu.memory_space<vmem>>, vector<16xi32>,
      %swap3A_91 = vector.shape_cast %swap3A_90 : vector<16xi32> to vector<16xi32>
      %swap3A_92 = vector.shape_cast %shift_right_logical3A_88 : vector<16xi32> to vector<16xi32>
      tpu.vector_store %arg6[%swap3A_89], %swap3A_92 {strides = array<i32>} : memref<128xi32, #tpu.memory_space<vmem>>, vector<16xi32>,
      %and3A_93 = arith.constant 16383 : i32
      %and3A_94 = vector.broadcast %and3A_93 : i32 to vector<16xi32>
      %and3A_95 = arith.andi %get3A_85, %and3A_94 : vector<16xi32>
      %swap3A_96 = arith.constant 32 : index
      %swap3A_97 = tpu.vector_load %arg8[%swap3A_96] {strides = array<i32>} : memref<128xi32, #tpu.memory_space<vmem>>, vector<16xi32>,
      %swap3A_98 = vector.shape_cast %swap3A_97 : vector<16xi32> to vector<16xi32>
      %swap3A_99 = vector.shape_cast %and3A_95 : vector<16xi32> to vector<16xi32>
      tpu.vector_store %arg8[%swap3A_96], %swap3A_99 {strides = array<i32>} : memref<128xi32, #tpu.memory_space<vmem>>, vector<16xi32>,
      %get3A_100 = arith.index_cast %scan3A_48 : i32 to index
      %get3A_101 = arith.constant 48 : index
      %get3A_102 = tpu.vector_load %arg5[%get3A_100, %get3A_101] {strides = array<i32>} : memref<80x128xi32, #tpu.memory_space<vmem>>, vector<1x16xi32>,
      %get3A_103 = vector.shape_cast %get3A_102 : vector<1x16xi32> to vector<16xi32>
      %shift_right_logical3A_104 = arith.constant 14 : i32
      %shift_right_logical3A_105 = vector.broadcast %shift_right_logical3A_104 : i32 to vector<16xi32>
      %shift_right_logical3A_106 = arith.shrui %get3A_103, %shift_right_logical3A_105 : vector<16xi32>
      %swap3A_107 = arith.constant 48 : index
      %swap3A_108 = tpu.vector_load %arg6[%swap3A_107] {strides = array<i32>} : memref<128xi32, #tpu.memory_space<vmem>>, vector<16xi32>,
      %swap3A_109 = vector.shape_cast %swap3A_108 : vector<16xi32> to vector<16xi32>
      %swap3A_110 = vector.shape_cast %shift_right_logical3A_106 : vector<16xi32> to vector<16xi32>
      tpu.vector_store %arg6[%swap3A_107], %swap3A_110 {strides = array<i32>} : memref<128xi32, #tpu.memory_space<vmem>>, vector<16xi32>,
      %and3A_111 = arith.constant 16383 : i32
      %and3A_112 = vector.broadcast %and3A_111 : i32 to vector<16xi32>
      %and3A_113 = arith.andi %get3A_103, %and3A_112 : vector<16xi32>
      %swap3A_114 = arith.constant 48 : index
      %swap3A_115 = tpu.vector_load %arg8[%swap3A_114] {strides = array<i32>} : memref<128xi32, #tpu.memory_space<vmem>>, vector<16xi32>,
      %swap3A_116 = vector.shape_cast %swap3A_115 : vector<16xi32> to vector<16xi32>
      %swap3A_117 = vector.shape_cast %and3A_113 : vector<16xi32> to vector<16xi32>
      tpu.vector_store %arg8[%swap3A_114], %swap3A_117 {strides = array<i32>} : memref<128xi32, #tpu.memory_space<vmem>>, vector<16xi32>,
      %get3A_118 = arith.index_cast %scan3A_48 : i32 to index
      %get3A_119 = arith.constant 64 : index
      %get3A_120 = tpu.vector_load %arg5[%get3A_118, %get3A_119] {strides = array<i32>} : memref<80x128xi32, #tpu.memory_space<vmem>>, vector<1x16xi32>,
      %get3A_121 = vector.shape_cast %get3A_120 : vector<1x16xi32> to vector<16xi32>
      %shift_right_logical3A_122 = arith.constant 14 : i32
      %shift_right_logical3A_123 = vector.broadcast %shift_right_logical3A_122 : i32 to vector<16xi32>
      %shift_right_logical3A_124 = arith.shrui %get3A_121, %shift_right_logical3A_123 : vector<16xi32>
      %swap3A_125 = arith.constant 64 : index
      %swap3A_126 = tpu.vector_load %arg6[%swap3A_125] {strides = array<i32>} : memref<128xi32, #tpu.memory_space<vmem>>, vector<16xi32>,
      %swap3A_127 = vector.shape_cast %swap3A_126 : vector<16xi32> to vector<16xi32>
      %swap3A_128 = vector.shape_cast %shift_right_logical3A_124 : vector<16xi32> to vector<16xi32>
      tpu.vector_store %arg6[%swap3A_125], %swap3A_128 {strides = array<i32>} : memref<128xi32, #tpu.memory_space<vmem>>, vector<16xi32>,
      %and3A_129 = arith.constant 16383 : i32
      %and3A_130 = vector.broadcast %and3A_129 : i32 to vector<16xi32>
      %and3A_131 = arith.andi %get3A_121, %and3A_130 : vector<16xi32>
      %swap3A_132 = arith.constant 64 : index
      %swap3A_133 = tpu.vector_load %arg8[%swap3A_132] {strides = array<i32>} : memref<128xi32, #tpu.memory_space<vmem>>, vector<16xi32>,
      %swap3A_134 = vector.shape_cast %swap3A_133 : vector<16xi32> to vector<16xi32>
      %swap3A_135 = vector.shape_cast %and3A_131 : vector<16xi32> to vector<16xi32>
      tpu.vector_store %arg8[%swap3A_132], %swap3A_135 {strides = array<i32>} : memref<128xi32, #tpu.memory_space<vmem>>, vector<16xi32>,
      %get3A_136 = arith.index_cast %scan3A_48 : i32 to index
      %get3A_137 = arith.constant 80 : index
      %get3A_138 = tpu.vector_load %arg5[%get3A_136, %get3A_137] {strides = array<i32>} : memref<80x128xi32, #tpu.memory_space<vmem>>, vector<1x16xi32>,
      %get3A_139 = vector.shape_cast %get3A_138 : vector<1x16xi32> to vector<16xi32>
      %shift_right_logical3A_140 = arith.constant 14 : i32
      %shift_right_logical3A_141 = vector.broadcast %shift_right_logical3A_140 : i32 to vector<16xi32>
      %shift_right_logical3A_142 = arith.shrui %get3A_139, %shift_right_logical3A_141 : vector<16xi32>
      %swap3A_143 = arith.constant 80 : index
      %swap3A_144 = tpu.vector_load %arg6[%swap3A_143] {strides = array<i32>} : memref<128xi32, #tpu.memory_space<vmem>>, vector<16xi32>,
      %swap3A_145 = vector.shape_cast %swap3A_144 : vector<16xi32> to vector<16xi32>
      %swap3A_146 = vector.shape_cast %shift_right_logical3A_142 : vector<16xi32> to vector<16xi32>
      tpu.vector_store %arg6[%swap3A_143], %swap3A_146 {strides = array<i32>} : memref<128xi32, #tpu.memory_space<vmem>>, vector<16xi32>,
      %and3A_147 = arith.constant 16383 : i32
      %and3A_148 = vector.broadcast %and3A_147 : i32 to vector<16xi32>
      %and3A_149 = arith.andi %get3A_139, %and3A_148 : vector<16xi32>
      %swap3A_150 = arith.constant 80 : index
      %swap3A_151 = tpu.vector_load %arg8[%swap3A_150] {strides = array<i32>} : memref<128xi32, #tpu.memory_space<vmem>>, vector<16xi32>,
      %swap3A_152 = vector.shape_cast %swap3A_151 : vector<16xi32> to vector<16xi32>
      %swap3A_153 = vector.shape_cast %and3A_149 : vector<16xi32> to vector<16xi32>
      tpu.vector_store %arg8[%swap3A_150], %swap3A_153 {strides = array<i32>} : memref<128xi32, #tpu.memory_space<vmem>>, vector<16xi32>,
      %get3A_154 = arith.index_cast %scan3A_48 : i32 to index
      %get3A_155 = arith.constant 96 : index
      %get3A_156 = tpu.vector_load %arg5[%get3A_154, %get3A_155] {strides = array<i32>} : memref<80x128xi32, #tpu.memory_space<vmem>>, vector<1x16xi32>,
      %get3A_157 = vector.shape_cast %get3A_156 : vector<1x16xi32> to vector<16xi32>
      %shift_right_logical3A_158 = arith.constant 14 : i32
      %shift_right_logical3A_159 = vector.broadcast %shift_right_logical3A_158 : i32 to vector<16xi32>
      %shift_right_logical3A_160 = arith.shrui %get3A_157, %shift_right_logical3A_159 : vector<16xi32>
      %swap3A_161 = arith.constant 96 : index
      %swap3A_162 = tpu.vector_load %arg6[%swap3A_161] {strides = array<i32>} : memref<128xi32, #tpu.memory_space<vmem>>, vector<16xi32>,
      %swap3A_163 = vector.shape_cast %swap3A_162 : vector<16xi32> to vector<16xi32>
      %swap3A_164 = vector.shape_cast %shift_right_logical3A_160 : vector<16xi32> to vector<16xi32>
      tpu.vector_store %arg6[%swap3A_161], %swap3A_164 {strides = array<i32>} : memref<128xi32, #tpu.memory_space<vmem>>, vector<16xi32>,
      %and3A_165 = arith.constant 16383 : i32
      %and3A_166 = vector.broadcast %and3A_165 : i32 to vector<16xi32>
      %and3A_167 = arith.andi %get3A_157, %and3A_166 : vector<16xi32>
      %swap3A_168 = arith.constant 96 : index
      %swap3A_169 = tpu.vector_load %arg8[%swap3A_168] {strides = array<i32>} : memref<128xi32, #tpu.memory_space<vmem>>, vector<16xi32>,
      %swap3A_170 = vector.shape_cast %swap3A_169 : vector<16xi32> to vector<16xi32>
      %swap3A_171 = vector.shape_cast %and3A_167 : vector<16xi32> to vector<16xi32>
      tpu.vector_store %arg8[%swap3A_168], %swap3A_171 {strides = array<i32>} : memref<128xi32, #tpu.memory_space<vmem>>, vector<16xi32>,
      %get3A_172 = arith.index_cast %scan3A_48 : i32 to index
      %get3A_173 = arith.constant 112 : index
      %get3A_174 = tpu.vector_load %arg5[%get3A_172, %get3A_173] {strides = array<i32>} : memref<80x128xi32, #tpu.memory_space<vmem>>, vector<1x16xi32>,
      %get3A_175 = vector.shape_cast %get3A_174 : vector<1x16xi32> to vector<16xi32>
      %shift_right_logical3A_176 = arith.constant 14 : i32
      %shift_right_logical3A_177 = vector.broadcast %shift_right_logical3A_176 : i32 to vector<16xi32>
      %shift_right_logical3A_178 = arith.shrui %get3A_175, %shift_right_logical3A_177 : vector<16xi32>
      %swap3A_179 = arith.constant 112 : index
      %swap3A_180 = tpu.vector_load %arg6[%swap3A_179] {strides = array<i32>} : memref<128xi32, #tpu.memory_space<vmem>>, vector<16xi32>,
      %swap3A_181 = vector.shape_cast %swap3A_180 : vector<16xi32> to vector<16xi32>
      %swap3A_182 = vector.shape_cast %shift_right_logical3A_178 : vector<16xi32> to vector<16xi32>
      tpu.vector_store %arg6[%swap3A_179], %swap3A_182 {strides = array<i32>} : memref<128xi32, #tpu.memory_space<vmem>>, vector<16xi32>,
      %and3A_183 = arith.constant 16383 : i32
      %and3A_184 = vector.broadcast %and3A_183 : i32 to vector<16xi32>
      %and3A_185 = arith.andi %get3A_175, %and3A_184 : vector<16xi32>
      %swap3A_186 = arith.constant 112 : index
      %swap3A_187 = tpu.vector_load %arg8[%swap3A_186] {strides = array<i32>} : memref<128xi32, #tpu.memory_space<vmem>>, vector<16xi32>,
      %swap3A_188 = vector.shape_cast %swap3A_187 : vector<16xi32> to vector<16xi32>
      %swap3A_189 = vector.shape_cast %and3A_185 : vector<16xi32> to vector<16xi32>
      tpu.vector_store %arg8[%swap3A_186], %swap3A_189 {strides = array<i32>} : memref<128xi32, #tpu.memory_space<vmem>>, vector<16xi32>,
      %dma_start3A = arith.constant 0 : i32
      %dma_start3A_190 = arith.constant 0 : i32
      %dma_start3A_191 = arith.constant 0 : i32
      %dma_start3A_192 = tpu.memref_slice %arg10[%dma_start3A, %dma_start3A_190, %dma_start3A_191] : memref<2x128x128xf32, #tpu.memory_space<vmem>> -> memref<1x128x128xf32, #tpu.memory_space<vmem>>
      %dma_start3A_193 = tpu.memref_squeeze %dma_start3A_192 : memref<1x128x128xf32, #tpu.memory_space<vmem>> -> memref<128x128xf32, #tpu.memory_space<vmem>>
      %dma_start3A_194 = arith.constant 0 : i32
      %dma_start3A_195 = arith.constant 0 : i32
      %dma_start3A_196 = tpu.memref_slice %arg2[%dma_start3A_194, %dma_start3A_195] : memref<10240x128xf32, #tpu.memory_space<hbm>> -> memref<10240x128xf32, #tpu.memory_space<hbm>>
      tpu.enqueue_indirect_dma source(%dma_start3A_196 : memref<10240x128xf32, #tpu.memory_space<hbm>>) target(%dma_start3A_193 : memref<128x128xf32, #tpu.memory_space<vmem>>) offsets(%arg6 : memref<128xi32, #tpu.memory_space<vmem>>) semaphore(%arg12 : memref<!tpu.dma_semaphore, #tpu.memory_space<semaphore_mem>>)
      %dma_wait3A = arith.constant 0 : i32
      %dma_wait3A_197 = arith.constant 0 : i32
      %dma_wait3A_198 = arith.constant 0 : i32
      %dma_wait3A_199 = tpu.memref_slice %arg10[%dma_wait3A, %dma_wait3A_197, %dma_wait3A_198] : memref<2x128x128xf32, #tpu.memory_space<vmem>> -> memref<1x128x128xf32, #tpu.memory_space<vmem>>
      %dma_wait3A_200 = tpu.memref_squeeze %dma_wait3A_199 : memref<1x128x128xf32, #tpu.memory_space<vmem>> -> memref<128x128xf32, #tpu.memory_space<vmem>>
      %dma_wait3A_201 = arith.constant 0 : i32
      %dma_wait3A_202 = arith.constant 0 : i32
      %dma_wait3A_203 = tpu.memref_slice %arg2[%dma_wait3A_201, %dma_wait3A_202] : memref<10240x128xf32, #tpu.memory_space<hbm>> -> memref<10240x128xf32, #tpu.memory_space<hbm>>
      tpu.wait_indirect_dma semaphore(%arg12 : memref<!tpu.dma_semaphore, #tpu.memory_space<semaphore_mem>>) src(%dma_wait3A_203 : memref<10240x128xf32, #tpu.memory_space<hbm>>) dst(%dma_wait3A_200 : memref<128x128xf32, #tpu.memory_space<vmem>>)
      %dma_start3A_204 = arith.constant 0 : i32
      %dma_start3A_205 = arith.constant 0 : i32
      %dma_start3A_206 = arith.constant 0 : i32
      %dma_start3A_207 = tpu.memref_slice %arg10[%dma_start3A_204, %dma_start3A_205, %dma_start3A_206] : memref<2x128x128xf32, #tpu.memory_space<vmem>> -> memref<1x128x128xf32, #tpu.memory_space<vmem>>
      %dma_start3A_208 = tpu.memref_squeeze %dma_start3A_207 : memref<1x128x128xf32, #tpu.memory_space<vmem>> -> memref<128x128xf32, #tpu.memory_space<vmem>>
      %dma_start3A_209 = arith.constant 0 : i32
      %dma_start3A_210 = arith.constant 0 : i32
      %dma_start3A_211 = tpu.memref_slice %arg11[%dma_start3A_209, %dma_start3A_210] : memref<10240x128xf32, #tpu.memory_space<vmem_shared>> -> memref<10240x128xf32, #tpu.memory_space<vmem_shared>>
      tpu.enqueue_indirect_dma source(%dma_start3A_208 : memref<128x128xf32, #tpu.memory_space<vmem>>) target(%dma_start3A_211 : memref<10240x128xf32, #tpu.memory_space<vmem_shared>>) offsets(%arg8 : memref<128xi32, #tpu.memory_space<vmem>>) semaphore(%arg14 : memref<!tpu.dma_semaphore, #tpu.memory_space<semaphore_mem>>) {add = true}
      %dma_wait3A_212 = arith.constant 0 : i32
      %dma_wait3A_213 = arith.constant 0 : i32
      %dma_wait3A_214 = arith.constant 0 : i32
      %dma_wait3A_215 = tpu.memref_slice %arg10[%dma_wait3A_212, %dma_wait3A_213, %dma_wait3A_214] : memref<2x128x128xf32, #tpu.memory_space<vmem>> -> memref<1x128x128xf32, #tpu.memory_space<vmem>>
      %dma_wait3A_216 = tpu.memref_squeeze %dma_wait3A_215 : memref<1x128x128xf32, #tpu.memory_space<vmem>> -> memref<128x128xf32, #tpu.memory_space<vmem>>
      %dma_wait3A_217 = arith.constant 0 : i32
      %dma_wait3A_218 = arith.constant 0 : i32
      %dma_wait3A_219 = tpu.memref_slice %arg11[%dma_wait3A_217, %dma_wait3A_218] : memref<10240x128xf32, #tpu.memory_space<vmem_shared>> -> memref<10240x128xf32, #tpu.memory_space<vmem_shared>>
      tpu.wait_indirect_dma semaphore(%arg14 : memref<!tpu.dma_semaphore, #tpu.memory_space<semaphore_mem>>) src(%dma_wait3A_216 : memref<128x128xf32, #tpu.memory_space<vmem>>) dst(%dma_wait3A_219 : memref<10240x128xf32, #tpu.memory_space<vmem_shared>>)
      %scan3A_220 = arith.constant 0 : i32
      scf.yield %scan3A_220 : i32
    }
    %scan3A_39 = arith.constant 80 : i32
    %barrier3A_40 = arith.constant 0 : index
    tpu.barrier barrier_id(%barrier3A_40)
    %mul3A_41 = arith.constant 640 : i32
    %mul3A_42 = arith.muli %arg1, %mul3A_41 : i32
    %mul3A_43 = arith.constant 10240 : i32
    %mul3A_44 = arith.muli %arg0, %mul3A_43 : i32
    %mul3A_45 = arith.constant 640 : i32
    %mul3A_46 = arith.muli %arg1, %mul3A_45 : i32
    %add3A_47 = arith.addi %mul3A_44, %mul3A_46 : i32
    "tpu.region"() ({
      %run_scoped3A_48 = tpu.sem_alloc : memref<!tpu.dma_semaphore, #tpu.memory_space<semaphore_mem>>
      %dma_start3A = arith.constant 0 : i32
      %dma_start3A_49 = tpu.memref_slice %arg4[%add3A_47, %dma_start3A] : memref<20480x128xf32, #tpu.memory_space<hbm>> -> memref<640x128xf32, #tpu.memory_space<hbm>>
      %dma_start3A_50 = arith.constant 0 : i32
      %dma_start3A_51 = tpu.memref_slice %arg11[%mul3A_42, %dma_start3A_50] : memref<10240x128xf32, #tpu.memory_space<vmem_shared>> -> memref<640x128xf32, #tpu.memory_space<vmem_shared>>
      tpu.enqueue_dma source(%dma_start3A_51 : memref<640x128xf32, #tpu.memory_space<vmem_shared>>) target(%dma_start3A_49 : memref<640x128xf32, #tpu.memory_space<hbm>>) target_semaphore(%run_scoped3A_48 : memref<!tpu.dma_semaphore, #tpu.memory_space<semaphore_mem>>)
      %dma_wait3A = arith.constant 0 : i32
      %dma_wait3A_52 = tpu.memref_slice %arg4[%add3A_47, %dma_wait3A] : memref<20480x128xf32, #tpu.memory_space<hbm>> -> memref<640x128xf32, #tpu.memory_space<hbm>>
      %dma_wait3A_53 = arith.constant 0 : i32
      %dma_wait3A_54 = tpu.memref_slice %arg11[%mul3A_42, %dma_wait3A_53] : memref<10240x128xf32, #tpu.memory_space<vmem_shared>> -> memref<640x128xf32, #tpu.memory_space<vmem_shared>>
      tpu.wait_dma2 semaphore(%run_scoped3A_48 : memref<!tpu.dma_semaphore, #tpu.memory_space<semaphore_mem>>) src(%dma_wait3A_54 : memref<640x128xf32, #tpu.memory_space<vmem_shared>>) dst(%dma_wait3A_52 : memref<640x128xf32, #tpu.memory_space<hbm>>)
      tpu.yield
    }) : () -> ()
    return
  }
}

#map = affine_map<(d0, d1) -> (0, 0, 0)>
#map1 = affine_map<(d0, d1) -> (0, 0)>
module attributes {stable_mosaic.version = 14 : i64} {
  func.func @_sc_degree(%arg0: i32, %arg1: i32, %arg2: memref<32x80x128xi32, #tpu.memory_space<hbm>>, %arg3: memref<20480x16xf32, #tpu.memory_space<hbm>>, %arg4: memref<80x128xi32, #tpu.memory_space<vmem>>, %arg5: memref<128xi32, #tpu.memory_space<vmem>>, %arg6: memref<128xi32, #tpu.memory_space<vmem>>, %arg7: memref<128x16xf32, #tpu.memory_space<vmem>>, %arg8: memref<10240x16xf32, #tpu.memory_space<vmem_shared>>, %arg9: memref<!tpu.dma_semaphore, #tpu.memory_space<semaphore_mem>>, %arg10: memref<!tpu.dma_semaphore, #tpu.memory_space<semaphore_mem>>) attributes {dimension_semantics = [#tpu.dimension_semantics<core_parallel>, #tpu.dimension_semantics<subcore_parallel>], iteration_bounds = array<i64: 2, 16>, scalar_prefetch = 0 : i64, scratch_operands = 7 : i64, tpu.core_type = #tpu.core_type<sc_vector_subcore>, window_params = [{transform_indices = #map}, {transform_indices = #map1}]} {
    %mul3A = arith.constant 16 : i32
    %mul3A_0 = arith.muli %arg0, %mul3A : i32
    %add3A = arith.addi %mul3A_0, %arg1 : i32
    "tpu.region"() ({
      %run_scoped3A = tpu.sem_alloc : memref<!tpu.dma_semaphore, #tpu.memory_space<semaphore_mem>>
      %dma_start3A = arith.constant 0 : i32
      %dma_start3A_52 = arith.constant 0 : i32
      %dma_start3A_53 = tpu.memref_slice %arg2[%add3A, %dma_start3A, %dma_start3A_52] : memref<32x80x128xi32, #tpu.memory_space<hbm>> -> memref<1x80x128xi32, #tpu.memory_space<hbm>>
      %dma_start3A_54 = tpu.memref_squeeze %dma_start3A_53 : memref<1x80x128xi32, #tpu.memory_space<hbm>> -> memref<80x128xi32, #tpu.memory_space<hbm>>
      %dma_start3A_55 = arith.constant 0 : i32
      %dma_start3A_56 = arith.constant 0 : i32
      %dma_start3A_57 = tpu.memref_slice %arg2[%add3A, %dma_start3A_55, %dma_start3A_56] : memref<32x80x128xi32, #tpu.memory_space<hbm>> -> memref<1x80x128xi32, #tpu.memory_space<hbm>>
      %dma_start3A_58 = tpu.memref_squeeze %dma_start3A_57 : memref<1x80x128xi32, #tpu.memory_space<hbm>> -> memref<80x128xi32, #tpu.memory_space<hbm>>
      tpu.enqueue_dma source(%dma_start3A_58 : memref<80x128xi32, #tpu.memory_space<hbm>>) target(%arg4 : memref<80x128xi32, #tpu.memory_space<vmem>>) target_semaphore(%run_scoped3A : memref<!tpu.dma_semaphore, #tpu.memory_space<semaphore_mem>>)
      %dma_wait3A = arith.constant 0 : i32
      %dma_wait3A_59 = arith.constant 0 : i32
      %dma_wait3A_60 = tpu.memref_slice %arg2[%add3A, %dma_wait3A, %dma_wait3A_59] : memref<32x80x128xi32, #tpu.memory_space<hbm>> -> memref<1x80x128xi32, #tpu.memory_space<hbm>>
      %dma_wait3A_61 = tpu.memref_squeeze %dma_wait3A_60 : memref<1x80x128xi32, #tpu.memory_space<hbm>> -> memref<80x128xi32, #tpu.memory_space<hbm>>
      %dma_wait3A_62 = arith.constant 0 : i32
      %dma_wait3A_63 = arith.constant 0 : i32
      %dma_wait3A_64 = tpu.memref_slice %arg2[%add3A, %dma_wait3A_62, %dma_wait3A_63] : memref<32x80x128xi32, #tpu.memory_space<hbm>> -> memref<1x80x128xi32, #tpu.memory_space<hbm>>
      %dma_wait3A_65 = tpu.memref_squeeze %dma_wait3A_64 : memref<1x80x128xi32, #tpu.memory_space<hbm>> -> memref<80x128xi32, #tpu.memory_space<hbm>>
      tpu.wait_dma2 semaphore(%run_scoped3A : memref<!tpu.dma_semaphore, #tpu.memory_space<semaphore_mem>>) src(%dma_wait3A_65 : memref<80x128xi32, #tpu.memory_space<hbm>>) dst(%arg4 : memref<80x128xi32, #tpu.memory_space<vmem>>)
      tpu.yield
    }) : () -> ()
    %broadcast_in_dim3A = arith.constant 0.000000e+00 : f32
    %broadcast_in_dim3A_1 = vector.broadcast %broadcast_in_dim3A : f32 to vector<16xf32>
    %scan3A = arith.constant 0 : i32
    %scan3A_2 = arith.constant 0 : i32
    %scan3A_3 = arith.constant 128 : i32
    %scan3A_4 = arith.addi %scan3A_2, %scan3A_3 : i32
    %scan3A_5 = arith.constant 1 : i32
    %scan3A_6 = scf.for %scan3A_52 = %scan3A_2 to %scan3A_4 step %scan3A_5 iter_args(%scan3A_53 = %scan3A) -> (i32)  : i32 {
      %swap3A = arith.index_cast %scan3A_52 : i32 to index
      %swap3A_54 = arith.constant 0 : index
      %swap3A_55 = tpu.vector_load %arg7[%swap3A, %swap3A_54] {strides = array<i32>} : memref<128x16xf32, #tpu.memory_space<vmem>>, vector<1x16xf32>,
      %swap3A_56 = vector.shape_cast %swap3A_55 : vector<1x16xf32> to vector<16xf32>
      %swap3A_57 = vector.shape_cast %broadcast_in_dim3A_1 : vector<16xf32> to vector<1x16xf32>
      tpu.vector_store %arg7[%swap3A, %swap3A_54], %swap3A_57 {strides = array<i32>} : memref<128x16xf32, #tpu.memory_space<vmem>>, vector<1x16xf32>,
      %scan3A_58 = arith.constant 0 : i32
      scf.yield %scan3A_58 : i32
    }
    %scan3A_7 = arith.constant 128 : i32
    %mul3A_8 = arith.constant 640 : i32
    %mul3A_9 = arith.muli %arg1, %mul3A_8 : i32
    %add3A_10 = arith.constant 0 : i32
    %add3A_11 = arith.addi %mul3A_9, %add3A_10 : i32
    "tpu.region"() ({
      %run_scoped3A = tpu.sem_alloc : memref<!tpu.dma_semaphore, #tpu.memory_space<semaphore_mem>>
      %dma_start3A = arith.constant 0 : i32
      %dma_start3A_52 = tpu.memref_slice %arg8[%add3A_11, %dma_start3A] : memref<10240x16xf32, #tpu.memory_space<vmem_shared>> -> memref<128x16xf32, #tpu.memory_space<vmem_shared>>
      %dma_start3A_53 = arith.constant 0 : i32
      %dma_start3A_54 = tpu.memref_slice %arg8[%add3A_11, %dma_start3A_53] : memref<10240x16xf32, #tpu.memory_space<vmem_shared>> -> memref<128x16xf32, #tpu.memory_space<vmem_shared>>
      tpu.enqueue_dma source(%arg7 : memref<128x16xf32, #tpu.memory_space<vmem>>) target(%dma_start3A_54 : memref<128x16xf32, #tpu.memory_space<vmem_shared>>) target_semaphore(%run_scoped3A : memref<!tpu.dma_semaphore, #tpu.memory_space<semaphore_mem>>)
      %dma_wait3A = arith.constant 0 : i32
      %dma_wait3A_55 = tpu.memref_slice %arg8[%add3A_11, %dma_wait3A] : memref<10240x16xf32, #tpu.memory_space<vmem_shared>> -> memref<128x16xf32, #tpu.memory_space<vmem_shared>>
      %dma_wait3A_56 = arith.constant 0 : i32
      %dma_wait3A_57 = tpu.memref_slice %arg8[%add3A_11, %dma_wait3A_56] : memref<10240x16xf32, #tpu.memory_space<vmem_shared>> -> memref<128x16xf32, #tpu.memory_space<vmem_shared>>
      tpu.wait_dma2 semaphore(%run_scoped3A : memref<!tpu.dma_semaphore, #tpu.memory_space<semaphore_mem>>) src(%arg7 : memref<128x16xf32, #tpu.memory_space<vmem>>) dst(%dma_wait3A_57 : memref<128x16xf32, #tpu.memory_space<vmem_shared>>)
      tpu.yield
    }) : () -> ()
    %mul3A_12 = arith.constant 640 : i32
    %mul3A_13 = arith.muli %arg1, %mul3A_12 : i32
    %add3A_14 = arith.constant 128 : i32
    %add3A_15 = arith.addi %mul3A_13, %add3A_14 : i32
    "tpu.region"() ({
      %run_scoped3A = tpu.sem_alloc : memref<!tpu.dma_semaphore, #tpu.memory_space<semaphore_mem>>
      %dma_start3A = arith.constant 0 : i32
      %dma_start3A_52 = tpu.memref_slice %arg8[%add3A_15, %dma_start3A] : memref<10240x16xf32, #tpu.memory_space<vmem_shared>> -> memref<128x16xf32, #tpu.memory_space<vmem_shared>>
      %dma_start3A_53 = arith.constant 0 : i32
      %dma_start3A_54 = tpu.memref_slice %arg8[%add3A_15, %dma_start3A_53] : memref<10240x16xf32, #tpu.memory_space<vmem_shared>> -> memref<128x16xf32, #tpu.memory_space<vmem_shared>>
      tpu.enqueue_dma source(%arg7 : memref<128x16xf32, #tpu.memory_space<vmem>>) target(%dma_start3A_54 : memref<128x16xf32, #tpu.memory_space<vmem_shared>>) target_semaphore(%run_scoped3A : memref<!tpu.dma_semaphore, #tpu.memory_space<semaphore_mem>>)
      %dma_wait3A = arith.constant 0 : i32
      %dma_wait3A_55 = tpu.memref_slice %arg8[%add3A_15, %dma_wait3A] : memref<10240x16xf32, #tpu.memory_space<vmem_shared>> -> memref<128x16xf32, #tpu.memory_space<vmem_shared>>
      %dma_wait3A_56 = arith.constant 0 : i32
      %dma_wait3A_57 = tpu.memref_slice %arg8[%add3A_15, %dma_wait3A_56] : memref<10240x16xf32, #tpu.memory_space<vmem_shared>> -> memref<128x16xf32, #tpu.memory_space<vmem_shared>>
      tpu.wait_dma2 semaphore(%run_scoped3A : memref<!tpu.dma_semaphore, #tpu.memory_space<semaphore_mem>>) src(%arg7 : memref<128x16xf32, #tpu.memory_space<vmem>>) dst(%dma_wait3A_57 : memref<128x16xf32, #tpu.memory_space<vmem_shared>>)
      tpu.yield
    }) : () -> ()
    %mul3A_16 = arith.constant 640 : i32
    %mul3A_17 = arith.muli %arg1, %mul3A_16 : i32
    %add3A_18 = arith.constant 256 : i32
    %add3A_19 = arith.addi %mul3A_17, %add3A_18 : i32
    "tpu.region"() ({
      %run_scoped3A = tpu.sem_alloc : memref<!tpu.dma_semaphore, #tpu.memory_space<semaphore_mem>>
      %dma_start3A = arith.constant 0 : i32
      %dma_start3A_52 = tpu.memref_slice %arg8[%add3A_19, %dma_start3A] : memref<10240x16xf32, #tpu.memory_space<vmem_shared>> -> memref<128x16xf32, #tpu.memory_space<vmem_shared>>
      %dma_start3A_53 = arith.constant 0 : i32
      %dma_start3A_54 = tpu.memref_slice %arg8[%add3A_19, %dma_start3A_53] : memref<10240x16xf32, #tpu.memory_space<vmem_shared>> -> memref<128x16xf32, #tpu.memory_space<vmem_shared>>
      tpu.enqueue_dma source(%arg7 : memref<128x16xf32, #tpu.memory_space<vmem>>) target(%dma_start3A_54 : memref<128x16xf32, #tpu.memory_space<vmem_shared>>) target_semaphore(%run_scoped3A : memref<!tpu.dma_semaphore, #tpu.memory_space<semaphore_mem>>)
      %dma_wait3A = arith.constant 0 : i32
      %dma_wait3A_55 = tpu.memref_slice %arg8[%add3A_19, %dma_wait3A] : memref<10240x16xf32, #tpu.memory_space<vmem_shared>> -> memref<128x16xf32, #tpu.memory_space<vmem_shared>>
      %dma_wait3A_56 = arith.constant 0 : i32
      %dma_wait3A_57 = tpu.memref_slice %arg8[%add3A_19, %dma_wait3A_56] : memref<10240x16xf32, #tpu.memory_space<vmem_shared>> -> memref<128x16xf32, #tpu.memory_space<vmem_shared>>
      tpu.wait_dma2 semaphore(%run_scoped3A : memref<!tpu.dma_semaphore, #tpu.memory_space<semaphore_mem>>) src(%arg7 : memref<128x16xf32, #tpu.memory_space<vmem>>) dst(%dma_wait3A_57 : memref<128x16xf32, #tpu.memory_space<vmem_shared>>)
      tpu.yield
    }) : () -> ()
    %mul3A_20 = arith.constant 640 : i32
    %mul3A_21 = arith.muli %arg1, %mul3A_20 : i32
    %add3A_22 = arith.constant 384 : i32
    %add3A_23 = arith.addi %mul3A_21, %add3A_22 : i32
    "tpu.region"() ({
      %run_scoped3A = tpu.sem_alloc : memref<!tpu.dma_semaphore, #tpu.memory_space<semaphore_mem>>
      %dma_start3A = arith.constant 0 : i32
      %dma_start3A_52 = tpu.memref_slice %arg8[%add3A_23, %dma_start3A] : memref<10240x16xf32, #tpu.memory_space<vmem_shared>> -> memref<128x16xf32, #tpu.memory_space<vmem_shared>>
      %dma_start3A_53 = arith.constant 0 : i32
      %dma_start3A_54 = tpu.memref_slice %arg8[%add3A_23, %dma_start3A_53] : memref<10240x16xf32, #tpu.memory_space<vmem_shared>> -> memref<128x16xf32, #tpu.memory_space<vmem_shared>>
      tpu.enqueue_dma source(%arg7 : memref<128x16xf32, #tpu.memory_space<vmem>>) target(%dma_start3A_54 : memref<128x16xf32, #tpu.memory_space<vmem_shared>>) target_semaphore(%run_scoped3A : memref<!tpu.dma_semaphore, #tpu.memory_space<semaphore_mem>>)
      %dma_wait3A = arith.constant 0 : i32
      %dma_wait3A_55 = tpu.memref_slice %arg8[%add3A_23, %dma_wait3A] : memref<10240x16xf32, #tpu.memory_space<vmem_shared>> -> memref<128x16xf32, #tpu.memory_space<vmem_shared>>
      %dma_wait3A_56 = arith.constant 0 : i32
      %dma_wait3A_57 = tpu.memref_slice %arg8[%add3A_23, %dma_wait3A_56] : memref<10240x16xf32, #tpu.memory_space<vmem_shared>> -> memref<128x16xf32, #tpu.memory_space<vmem_shared>>
      tpu.wait_dma2 semaphore(%run_scoped3A : memref<!tpu.dma_semaphore, #tpu.memory_space<semaphore_mem>>) src(%arg7 : memref<128x16xf32, #tpu.memory_space<vmem>>) dst(%dma_wait3A_57 : memref<128x16xf32, #tpu.memory_space<vmem_shared>>)
      tpu.yield
    }) : () -> ()
    %mul3A_24 = arith.constant 640 : i32
    %mul3A_25 = arith.muli %arg1, %mul3A_24 : i32
    %add3A_26 = arith.constant 512 : i32
    %add3A_27 = arith.addi %mul3A_25, %add3A_26 : i32
    "tpu.region"() ({
      %run_scoped3A = tpu.sem_alloc : memref<!tpu.dma_semaphore, #tpu.memory_space<semaphore_mem>>
      %dma_start3A = arith.constant 0 : i32
      %dma_start3A_52 = tpu.memref_slice %arg8[%add3A_27, %dma_start3A] : memref<10240x16xf32, #tpu.memory_space<vmem_shared>> -> memref<128x16xf32, #tpu.memory_space<vmem_shared>>
      %dma_start3A_53 = arith.constant 0 : i32
      %dma_start3A_54 = tpu.memref_slice %arg8[%add3A_27, %dma_start3A_53] : memref<10240x16xf32, #tpu.memory_space<vmem_shared>> -> memref<128x16xf32, #tpu.memory_space<vmem_shared>>
      tpu.enqueue_dma source(%arg7 : memref<128x16xf32, #tpu.memory_space<vmem>>) target(%dma_start3A_54 : memref<128x16xf32, #tpu.memory_space<vmem_shared>>) target_semaphore(%run_scoped3A : memref<!tpu.dma_semaphore, #tpu.memory_space<semaphore_mem>>)
      %dma_wait3A = arith.constant 0 : i32
      %dma_wait3A_55 = tpu.memref_slice %arg8[%add3A_27, %dma_wait3A] : memref<10240x16xf32, #tpu.memory_space<vmem_shared>> -> memref<128x16xf32, #tpu.memory_space<vmem_shared>>
      %dma_wait3A_56 = arith.constant 0 : i32
      %dma_wait3A_57 = tpu.memref_slice %arg8[%add3A_27, %dma_wait3A_56] : memref<10240x16xf32, #tpu.memory_space<vmem_shared>> -> memref<128x16xf32, #tpu.memory_space<vmem_shared>>
      tpu.wait_dma2 semaphore(%run_scoped3A : memref<!tpu.dma_semaphore, #tpu.memory_space<semaphore_mem>>) src(%arg7 : memref<128x16xf32, #tpu.memory_space<vmem>>) dst(%dma_wait3A_57 : memref<128x16xf32, #tpu.memory_space<vmem_shared>>)
      tpu.yield
    }) : () -> ()
    %broadcast_in_dim3A_28 = arith.constant 1.000000e+00 : f32
    %broadcast_in_dim3A_29 = vector.broadcast %broadcast_in_dim3A_28 : f32 to vector<16xf32>
    %scan3A_30 = arith.constant 0 : i32
    %scan3A_31 = arith.constant 0 : i32
    %scan3A_32 = arith.constant 128 : i32
    %scan3A_33 = arith.addi %scan3A_31, %scan3A_32 : i32
    %scan3A_34 = arith.constant 1 : i32
    %scan3A_35 = scf.for %scan3A_52 = %scan3A_31 to %scan3A_33 step %scan3A_34 iter_args(%scan3A_53 = %scan3A_30) -> (i32)  : i32 {
      %swap3A = arith.index_cast %scan3A_52 : i32 to index
      %swap3A_54 = arith.constant 0 : index
      %swap3A_55 = tpu.vector_load %arg7[%swap3A, %swap3A_54] {strides = array<i32>} : memref<128x16xf32, #tpu.memory_space<vmem>>, vector<1x16xf32>,
      %swap3A_56 = vector.shape_cast %swap3A_55 : vector<1x16xf32> to vector<16xf32>
      %swap3A_57 = vector.shape_cast %broadcast_in_dim3A_29 : vector<16xf32> to vector<1x16xf32>
      tpu.vector_store %arg7[%swap3A, %swap3A_54], %swap3A_57 {strides = array<i32>} : memref<128x16xf32, #tpu.memory_space<vmem>>, vector<1x16xf32>,
      %scan3A_58 = arith.constant 0 : i32
      scf.yield %scan3A_58 : i32
    }
    %scan3A_36 = arith.constant 128 : i32
    %barrier3A = arith.constant 0 : index
    tpu.barrier barrier_id(%barrier3A)
    %scan3A_37 = arith.constant 0 : i32
    %scan3A_38 = arith.constant 0 : i32
    %scan3A_39 = arith.constant 80 : i32
    %scan3A_40 = arith.addi %scan3A_38, %scan3A_39 : i32
    %scan3A_41 = arith.constant 1 : i32
    %scan3A_42 = scf.for %scan3A_52 = %scan3A_38 to %scan3A_40 step %scan3A_41 iter_args(%scan3A_53 = %scan3A_37) -> (i32)  : i32 {
      %get3A = arith.index_cast %scan3A_52 : i32 to index
      %get3A_54 = arith.constant 0 : index
      %get3A_55 = tpu.vector_load %arg4[%get3A, %get3A_54] {strides = array<i32>} : memref<80x128xi32, #tpu.memory_space<vmem>>, vector<1x16xi32>,
      %get3A_56 = vector.shape_cast %get3A_55 : vector<1x16xi32> to vector<16xi32>
      %and3A = arith.constant 16383 : i32
      %and3A_57 = vector.broadcast %and3A : i32 to vector<16xi32>
      %and3A_58 = arith.andi %get3A_56, %and3A_57 : vector<16xi32>
      %swap3A = arith.constant 0 : index
      %swap3A_59 = tpu.vector_load %arg5[%swap3A] {strides = array<i32>} : memref<128xi32, #tpu.memory_space<vmem>>, vector<16xi32>,
      %swap3A_60 = vector.shape_cast %swap3A_59 : vector<16xi32> to vector<16xi32>
      %swap3A_61 = vector.shape_cast %and3A_58 : vector<16xi32> to vector<16xi32>
      tpu.vector_store %arg5[%swap3A], %swap3A_61 {strides = array<i32>} : memref<128xi32, #tpu.memory_space<vmem>>, vector<16xi32>,
      %get3A_62 = arith.index_cast %scan3A_52 : i32 to index
      %get3A_63 = arith.constant 16 : index
      %get3A_64 = tpu.vector_load %arg4[%get3A_62, %get3A_63] {strides = array<i32>} : memref<80x128xi32, #tpu.memory_space<vmem>>, vector<1x16xi32>,
      %get3A_65 = vector.shape_cast %get3A_64 : vector<1x16xi32> to vector<16xi32>
      %and3A_66 = arith.constant 16383 : i32
      %and3A_67 = vector.broadcast %and3A_66 : i32 to vector<16xi32>
      %and3A_68 = arith.andi %get3A_65, %and3A_67 : vector<16xi32>
      %swap3A_69 = arith.constant 16 : index
      %swap3A_70 = tpu.vector_load %arg5[%swap3A_69] {strides = array<i32>} : memref<128xi32, #tpu.memory_space<vmem>>, vector<16xi32>,
      %swap3A_71 = vector.shape_cast %swap3A_70 : vector<16xi32> to vector<16xi32>
      %swap3A_72 = vector.shape_cast %and3A_68 : vector<16xi32> to vector<16xi32>
      tpu.vector_store %arg5[%swap3A_69], %swap3A_72 {strides = array<i32>} : memref<128xi32, #tpu.memory_space<vmem>>, vector<16xi32>,
      %get3A_73 = arith.index_cast %scan3A_52 : i32 to index
      %get3A_74 = arith.constant 32 : index
      %get3A_75 = tpu.vector_load %arg4[%get3A_73, %get3A_74] {strides = array<i32>} : memref<80x128xi32, #tpu.memory_space<vmem>>, vector<1x16xi32>,
      %get3A_76 = vector.shape_cast %get3A_75 : vector<1x16xi32> to vector<16xi32>
      %and3A_77 = arith.constant 16383 : i32
      %and3A_78 = vector.broadcast %and3A_77 : i32 to vector<16xi32>
      %and3A_79 = arith.andi %get3A_76, %and3A_78 : vector<16xi32>
      %swap3A_80 = arith.constant 32 : index
      %swap3A_81 = tpu.vector_load %arg5[%swap3A_80] {strides = array<i32>} : memref<128xi32, #tpu.memory_space<vmem>>, vector<16xi32>,
      %swap3A_82 = vector.shape_cast %swap3A_81 : vector<16xi32> to vector<16xi32>
      %swap3A_83 = vector.shape_cast %and3A_79 : vector<16xi32> to vector<16xi32>
      tpu.vector_store %arg5[%swap3A_80], %swap3A_83 {strides = array<i32>} : memref<128xi32, #tpu.memory_space<vmem>>, vector<16xi32>,
      %get3A_84 = arith.index_cast %scan3A_52 : i32 to index
      %get3A_85 = arith.constant 48 : index
      %get3A_86 = tpu.vector_load %arg4[%get3A_84, %get3A_85] {strides = array<i32>} : memref<80x128xi32, #tpu.memory_space<vmem>>, vector<1x16xi32>,
      %get3A_87 = vector.shape_cast %get3A_86 : vector<1x16xi32> to vector<16xi32>
      %and3A_88 = arith.constant 16383 : i32
      %and3A_89 = vector.broadcast %and3A_88 : i32 to vector<16xi32>
      %and3A_90 = arith.andi %get3A_87, %and3A_89 : vector<16xi32>
      %swap3A_91 = arith.constant 48 : index
      %swap3A_92 = tpu.vector_load %arg5[%swap3A_91] {strides = array<i32>} : memref<128xi32, #tpu.memory_space<vmem>>, vector<16xi32>,
      %swap3A_93 = vector.shape_cast %swap3A_92 : vector<16xi32> to vector<16xi32>
      %swap3A_94 = vector.shape_cast %and3A_90 : vector<16xi32> to vector<16xi32>
      tpu.vector_store %arg5[%swap3A_91], %swap3A_94 {strides = array<i32>} : memref<128xi32, #tpu.memory_space<vmem>>, vector<16xi32>,
      %get3A_95 = arith.index_cast %scan3A_52 : i32 to index
      %get3A_96 = arith.constant 64 : index
      %get3A_97 = tpu.vector_load %arg4[%get3A_95, %get3A_96] {strides = array<i32>} : memref<80x128xi32, #tpu.memory_space<vmem>>, vector<1x16xi32>,
      %get3A_98 = vector.shape_cast %get3A_97 : vector<1x16xi32> to vector<16xi32>
      %and3A_99 = arith.constant 16383 : i32
      %and3A_100 = vector.broadcast %and3A_99 : i32 to vector<16xi32>
      %and3A_101 = arith.andi %get3A_98, %and3A_100 : vector<16xi32>
      %swap3A_102 = arith.constant 64 : index
      %swap3A_103 = tpu.vector_load %arg5[%swap3A_102] {strides = array<i32>} : memref<128xi32, #tpu.memory_space<vmem>>, vector<16xi32>,
      %swap3A_104 = vector.shape_cast %swap3A_103 : vector<16xi32> to vector<16xi32>
      %swap3A_105 = vector.shape_cast %and3A_101 : vector<16xi32> to vector<16xi32>
      tpu.vector_store %arg5[%swap3A_102], %swap3A_105 {strides = array<i32>} : memref<128xi32, #tpu.memory_space<vmem>>, vector<16xi32>,
      %get3A_106 = arith.index_cast %scan3A_52 : i32 to index
      %get3A_107 = arith.constant 80 : index
      %get3A_108 = tpu.vector_load %arg4[%get3A_106, %get3A_107] {strides = array<i32>} : memref<80x128xi32, #tpu.memory_space<vmem>>, vector<1x16xi32>,
      %get3A_109 = vector.shape_cast %get3A_108 : vector<1x16xi32> to vector<16xi32>
      %and3A_110 = arith.constant 16383 : i32
      %and3A_111 = vector.broadcast %and3A_110 : i32 to vector<16xi32>
      %and3A_112 = arith.andi %get3A_109, %and3A_111 : vector<16xi32>
      %swap3A_113 = arith.constant 80 : index
      %swap3A_114 = tpu.vector_load %arg5[%swap3A_113] {strides = array<i32>} : memref<128xi32, #tpu.memory_space<vmem>>, vector<16xi32>,
      %swap3A_115 = vector.shape_cast %swap3A_114 : vector<16xi32> to vector<16xi32>
      %swap3A_116 = vector.shape_cast %and3A_112 : vector<16xi32> to vector<16xi32>
      tpu.vector_store %arg5[%swap3A_113], %swap3A_116 {strides = array<i32>} : memref<128xi32, #tpu.memory_space<vmem>>, vector<16xi32>,
      %get3A_117 = arith.index_cast %scan3A_52 : i32 to index
      %get3A_118 = arith.constant 96 : index
      %get3A_119 = tpu.vector_load %arg4[%get3A_117, %get3A_118] {strides = array<i32>} : memref<80x128xi32, #tpu.memory_space<vmem>>, vector<1x16xi32>,
      %get3A_120 = vector.shape_cast %get3A_119 : vector<1x16xi32> to vector<16xi32>
      %and3A_121 = arith.constant 16383 : i32
      %and3A_122 = vector.broadcast %and3A_121 : i32 to vector<16xi32>
      %and3A_123 = arith.andi %get3A_120, %and3A_122 : vector<16xi32>
      %swap3A_124 = arith.constant 96 : index
      %swap3A_125 = tpu.vector_load %arg5[%swap3A_124] {strides = array<i32>} : memref<128xi32, #tpu.memory_space<vmem>>, vector<16xi32>,
      %swap3A_126 = vector.shape_cast %swap3A_125 : vector<16xi32> to vector<16xi32>
      %swap3A_127 = vector.shape_cast %and3A_123 : vector<16xi32> to vector<16xi32>
      tpu.vector_store %arg5[%swap3A_124], %swap3A_127 {strides = array<i32>} : memref<128xi32, #tpu.memory_space<vmem>>, vector<16xi32>,
      %get3A_128 = arith.index_cast %scan3A_52 : i32 to index
      %get3A_129 = arith.constant 112 : index
      %get3A_130 = tpu.vector_load %arg4[%get3A_128, %get3A_129] {strides = array<i32>} : memref<80x128xi32, #tpu.memory_space<vmem>>, vector<1x16xi32>,
      %get3A_131 = vector.shape_cast %get3A_130 : vector<1x16xi32> to vector<16xi32>
      %and3A_132 = arith.constant 16383 : i32
      %and3A_133 = vector.broadcast %and3A_132 : i32 to vector<16xi32>
      %and3A_134 = arith.andi %get3A_131, %and3A_133 : vector<16xi32>
      %swap3A_135 = arith.constant 112 : index
      %swap3A_136 = tpu.vector_load %arg5[%swap3A_135] {strides = array<i32>} : memref<128xi32, #tpu.memory_space<vmem>>, vector<16xi32>,
      %swap3A_137 = vector.shape_cast %swap3A_136 : vector<16xi32> to vector<16xi32>
      %swap3A_138 = vector.shape_cast %and3A_134 : vector<16xi32> to vector<16xi32>
      tpu.vector_store %arg5[%swap3A_135], %swap3A_138 {strides = array<i32>} : memref<128xi32, #tpu.memory_space<vmem>>, vector<16xi32>,
      %dma_start3A = arith.constant 0 : i32
      %dma_start3A_139 = arith.constant 0 : i32
      %dma_start3A_140 = tpu.memref_slice %arg8[%dma_start3A, %dma_start3A_139] : memref<10240x16xf32, #tpu.memory_space<vmem_shared>> -> memref<10240x16xf32, #tpu.memory_space<vmem_shared>>
      tpu.enqueue_indirect_dma source(%arg7 : memref<128x16xf32, #tpu.memory_space<vmem>>) target(%dma_start3A_140 : memref<10240x16xf32, #tpu.memory_space<vmem_shared>>) offsets(%arg5 : memref<128xi32, #tpu.memory_space<vmem>>) semaphore(%arg9 : memref<!tpu.dma_semaphore, #tpu.memory_space<semaphore_mem>>) {add = true}
      %dma_wait3A = arith.constant 0 : i32
      %dma_wait3A_141 = arith.constant 0 : i32
      %dma_wait3A_142 = tpu.memref_slice %arg8[%dma_wait3A, %dma_wait3A_141] : memref<10240x16xf32, #tpu.memory_space<vmem_shared>> -> memref<10240x16xf32, #tpu.memory_space<vmem_shared>>
      tpu.wait_indirect_dma semaphore(%arg9 : memref<!tpu.dma_semaphore, #tpu.memory_space<semaphore_mem>>) src(%arg7 : memref<128x16xf32, #tpu.memory_space<vmem>>) dst(%dma_wait3A_142 : memref<10240x16xf32, #tpu.memory_space<vmem_shared>>)
      %scan3A_143 = arith.constant 0 : i32
      scf.yield %scan3A_143 : i32
    }
    %scan3A_43 = arith.constant 80 : i32
    %barrier3A_44 = arith.constant 0 : index
    tpu.barrier barrier_id(%barrier3A_44)
    %mul3A_45 = arith.constant 640 : i32
    %mul3A_46 = arith.muli %arg1, %mul3A_45 : i32
    %mul3A_47 = arith.constant 10240 : i32
    %mul3A_48 = arith.muli %arg0, %mul3A_47 : i32
    %mul3A_49 = arith.constant 640 : i32
    %mul3A_50 = arith.muli %arg1, %mul3A_49 : i32
    %add3A_51 = arith.addi %mul3A_48, %mul3A_50 : i32
    "tpu.region"() ({
      %run_scoped3A = tpu.sem_alloc : memref<!tpu.dma_semaphore, #tpu.memory_space<semaphore_mem>>
      %dma_start3A = arith.constant 0 : i32
      %dma_start3A_52 = tpu.memref_slice %arg3[%add3A_51, %dma_start3A] : memref<20480x16xf32, #tpu.memory_space<hbm>> -> memref<640x16xf32, #tpu.memory_space<hbm>>
      %dma_start3A_53 = arith.constant 0 : i32
      %dma_start3A_54 = tpu.memref_slice %arg8[%mul3A_46, %dma_start3A_53] : memref<10240x16xf32, #tpu.memory_space<vmem_shared>> -> memref<640x16xf32, #tpu.memory_space<vmem_shared>>
      tpu.enqueue_dma source(%dma_start3A_54 : memref<640x16xf32, #tpu.memory_space<vmem_shared>>) target(%dma_start3A_52 : memref<640x16xf32, #tpu.memory_space<hbm>>) target_semaphore(%run_scoped3A : memref<!tpu.dma_semaphore, #tpu.memory_space<semaphore_mem>>)
      %dma_wait3A = arith.constant 0 : i32
      %dma_wait3A_55 = tpu.memref_slice %arg3[%add3A_51, %dma_wait3A] : memref<20480x16xf32, #tpu.memory_space<hbm>> -> memref<640x16xf32, #tpu.memory_space<hbm>>
      %dma_wait3A_56 = arith.constant 0 : i32
      %dma_wait3A_57 = tpu.memref_slice %arg8[%mul3A_46, %dma_wait3A_56] : memref<10240x16xf32, #tpu.memory_space<vmem_shared>> -> memref<640x16xf32, #tpu.memory_space<vmem_shared>>
      tpu.wait_dma2 semaphore(%run_scoped3A : memref<!tpu.dma_semaphore, #tpu.memory_space<semaphore_mem>>) src(%dma_wait3A_57 : memref<640x16xf32, #tpu.memory_space<vmem_shared>>) dst(%dma_wait3A_55 : memref<640x16xf32, #tpu.memory_space<hbm>>)
      tpu.yield
    }) : () -> ()
    return
  }
}

#map = affine_map<(d0, d1) -> (0, 0)>
#map1 = affine_map<(d0, d1) -> (0, 0, 0)>
module attributes {stable_mosaic.version = 14 : i64} {
  func.func @_sc_edge_pass(%arg0: i32, %arg1: i32, %arg2: memref<10240x128xf32, #tpu.memory_space<hbm>>, %arg3: memref<32x80x128xi32, #tpu.memory_space<hbm>>, %arg4: memref<20480x128xf32, #tpu.memory_space<hbm>>, %arg5: memref<80x128xi32, #tpu.memory_space<vmem>>, %arg6: memref<128xi32, #tpu.memory_space<vmem>>, %arg7: memref<128xi32, #tpu.memory_space<vmem>>, %arg8: memref<128xi32, #tpu.memory_space<vmem>>, %arg9: memref<128xi32, #tpu.memory_space<vmem>>, %arg10: memref<2x128x128xf32, #tpu.memory_space<vmem>>, %arg11: memref<10240x128xf32, #tpu.memory_space<vmem_shared>>, %arg12: memref<!tpu.dma_semaphore, #tpu.memory_space<semaphore_mem>>, %arg13: memref<!tpu.dma_semaphore, #tpu.memory_space<semaphore_mem>>, %arg14: memref<!tpu.dma_semaphore, #tpu.memory_space<semaphore_mem>>, %arg15: memref<!tpu.dma_semaphore, #tpu.memory_space<semaphore_mem>>) attributes {dimension_semantics = [#tpu.dimension_semantics<core_parallel>, #tpu.dimension_semantics<subcore_parallel>], iteration_bounds = array<i64: 2, 16>, scalar_prefetch = 0 : i64, scratch_operands = 11 : i64, tpu.core_type = #tpu.core_type<sc_vector_subcore>, window_params = [{transform_indices = #map}, {transform_indices = #map1}, {transform_indices = #map}]} {
    %mul3A = arith.constant 16 : i32
    %mul3A_0 = arith.muli %arg0, %mul3A : i32
    %add3A = arith.addi %mul3A_0, %arg1 : i32
    "tpu.region"() ({
      %run_scoped3A_48 = tpu.sem_alloc : memref<!tpu.dma_semaphore, #tpu.memory_space<semaphore_mem>>
      %dma_start3A = arith.constant 0 : i32
      %dma_start3A_49 = arith.constant 0 : i32
      %dma_start3A_50 = tpu.memref_slice %arg3[%add3A, %dma_start3A, %dma_start3A_49] : memref<32x80x128xi32, #tpu.memory_space<hbm>> -> memref<1x80x128xi32, #tpu.memory_space<hbm>>
      %dma_start3A_51 = tpu.memref_squeeze %dma_start3A_50 : memref<1x80x128xi32, #tpu.memory_space<hbm>> -> memref<80x128xi32, #tpu.memory_space<hbm>>
      %dma_start3A_52 = arith.constant 0 : i32
      %dma_start3A_53 = arith.constant 0 : i32
      %dma_start3A_54 = tpu.memref_slice %arg3[%add3A, %dma_start3A_52, %dma_start3A_53] : memref<32x80x128xi32, #tpu.memory_space<hbm>> -> memref<1x80x128xi32, #tpu.memory_space<hbm>>
      %dma_start3A_55 = tpu.memref_squeeze %dma_start3A_54 : memref<1x80x128xi32, #tpu.memory_space<hbm>> -> memref<80x128xi32, #tpu.memory_space<hbm>>
      tpu.enqueue_dma source(%dma_start3A_55 : memref<80x128xi32, #tpu.memory_space<hbm>>) target(%arg5 : memref<80x128xi32, #tpu.memory_space<vmem>>) target_semaphore(%run_scoped3A_48 : memref<!tpu.dma_semaphore, #tpu.memory_space<semaphore_mem>>)
      %dma_wait3A = arith.constant 0 : i32
      %dma_wait3A_56 = arith.constant 0 : i32
      %dma_wait3A_57 = tpu.memref_slice %arg3[%add3A, %dma_wait3A, %dma_wait3A_56] : memref<32x80x128xi32, #tpu.memory_space<hbm>> -> memref<1x80x128xi32, #tpu.memory_space<hbm>>
      %dma_wait3A_58 = tpu.memref_squeeze %dma_wait3A_57 : memref<1x80x128xi32, #tpu.memory_space<hbm>> -> memref<80x128xi32, #tpu.memory_space<hbm>>
      %dma_wait3A_59 = arith.constant 0 : i32
      %dma_wait3A_60 = arith.constant 0 : i32
      %dma_wait3A_61 = tpu.memref_slice %arg3[%add3A, %dma_wait3A_59, %dma_wait3A_60] : memref<32x80x128xi32, #tpu.memory_space<hbm>> -> memref<1x80x128xi32, #tpu.memory_space<hbm>>
      %dma_wait3A_62 = tpu.memref_squeeze %dma_wait3A_61 : memref<1x80x128xi32, #tpu.memory_space<hbm>> -> memref<80x128xi32, #tpu.memory_space<hbm>>
      tpu.wait_dma2 semaphore(%run_scoped3A_48 : memref<!tpu.dma_semaphore, #tpu.memory_space<semaphore_mem>>) src(%dma_wait3A_62 : memref<80x128xi32, #tpu.memory_space<hbm>>) dst(%arg5 : memref<80x128xi32, #tpu.memory_space<vmem>>)
      tpu.yield
    }) : () -> ()
    %broadcast_in_dim3A = arith.constant 0.000000e+00 : f32
    %broadcast_in_dim3A_1 = vector.broadcast %broadcast_in_dim3A : f32 to vector<16xf32>
    %scan3A = arith.constant 0 : i32
    %scan3A_2 = arith.constant 0 : i32
    %scan3A_3 = arith.constant 0 : i32
    %scan3A_4 = arith.constant 128 : i32
    %scan3A_5 = arith.addi %scan3A_3, %scan3A_4 : i32
    %scan3A_6 = arith.constant 1 : i32
    %scan3A_7 = scf.for %scan3A_48 = %scan3A_3 to %scan3A_5 step %scan3A_6 iter_args(%scan3A_49 = %scan3A_2) -> (i32)  : i32 {
      %swap3A = arith.constant 0 : i32
      %swap3A_50 = arith.constant 0 : i32
      %swap3A_51 = tpu.memref_slice %arg10[%scan3A, %swap3A, %swap3A_50] : memref<2x128x128xf32, #tpu.memory_space<vmem>> -> memref<1x128x128xf32, #tpu.memory_space<vmem>>
      %swap3A_52 = tpu.memref_squeeze %swap3A_51 : memref<1x128x128xf32, #tpu.memory_space<vmem>> -> memref<128x128xf32, #tpu.memory_space<vmem>>
      %swap3A_53 = arith.index_cast %scan3A_48 : i32 to index
      %swap3A_54 = arith.constant 0 : index
      %swap3A_55 = tpu.vector_load %swap3A_52[%swap3A_53, %swap3A_54] {strides = array<i32>} : memref<128x128xf32, #tpu.memory_space<vmem>>, vector<1x16xf32>,
      %swap3A_56 = vector.shape_cast %swap3A_55 : vector<1x16xf32> to vector<16xf32>
      %swap3A_57 = vector.shape_cast %broadcast_in_dim3A_1 : vector<16xf32> to vector<1x16xf32>
      tpu.vector_store %swap3A_52[%swap3A_53, %swap3A_54], %swap3A_57 {strides = array<i32>} : memref<128x128xf32, #tpu.memory_space<vmem>>, vector<1x16xf32>,
      %swap3A_58 = arith.constant 0 : i32
      %swap3A_59 = arith.constant 0 : i32
      %swap3A_60 = tpu.memref_slice %arg10[%scan3A, %swap3A_58, %swap3A_59] : memref<2x128x128xf32, #tpu.memory_space<vmem>> -> memref<1x128x128xf32, #tpu.memory_space<vmem>>
      %swap3A_61 = tpu.memref_squeeze %swap3A_60 : memref<1x128x128xf32, #tpu.memory_space<vmem>> -> memref<128x128xf32, #tpu.memory_space<vmem>>
      %swap3A_62 = arith.index_cast %scan3A_48 : i32 to index
      %swap3A_63 = arith.constant 16 : index
      %swap3A_64 = tpu.vector_load %swap3A_61[%swap3A_62, %swap3A_63] {strides = array<i32>} : memref<128x128xf32, #tpu.memory_space<vmem>>, vector<1x16xf32>,
      %swap3A_65 = vector.shape_cast %swap3A_64 : vector<1x16xf32> to vector<16xf32>
      %swap3A_66 = vector.shape_cast %broadcast_in_dim3A_1 : vector<16xf32> to vector<1x16xf32>
      tpu.vector_store %swap3A_61[%swap3A_62, %swap3A_63], %swap3A_66 {strides = array<i32>} : memref<128x128xf32, #tpu.memory_space<vmem>>, vector<1x16xf32>,
      %swap3A_67 = arith.constant 0 : i32
      %swap3A_68 = arith.constant 0 : i32
      %swap3A_69 = tpu.memref_slice %arg10[%scan3A, %swap3A_67, %swap3A_68] : memref<2x128x128xf32, #tpu.memory_space<vmem>> -> memref<1x128x128xf32, #tpu.memory_space<vmem>>
      %swap3A_70 = tpu.memref_squeeze %swap3A_69 : memref<1x128x128xf32, #tpu.memory_space<vmem>> -> memref<128x128xf32, #tpu.memory_space<vmem>>
      %swap3A_71 = arith.index_cast %scan3A_48 : i32 to index
      %swap3A_72 = arith.constant 32 : index
      %swap3A_73 = tpu.vector_load %swap3A_70[%swap3A_71, %swap3A_72] {strides = array<i32>} : memref<128x128xf32, #tpu.memory_space<vmem>>, vector<1x16xf32>,
      %swap3A_74 = vector.shape_cast %swap3A_73 : vector<1x16xf32> to vector<16xf32>
      %swap3A_75 = vector.shape_cast %broadcast_in_dim3A_1 : vector<16xf32> to vector<1x16xf32>
      tpu.vector_store %swap3A_70[%swap3A_71, %swap3A_72], %swap3A_75 {strides = array<i32>} : memref<128x128xf32, #tpu.memory_space<vmem>>, vector<1x16xf32>,
      %swap3A_76 = arith.constant 0 : i32
      %swap3A_77 = arith.constant 0 : i32
      %swap3A_78 = tpu.memref_slice %arg10[%scan3A, %swap3A_76, %swap3A_77] : memref<2x128x128xf32, #tpu.memory_space<vmem>> -> memref<1x128x128xf32, #tpu.memory_space<vmem>>
      %swap3A_79 = tpu.memref_squeeze %swap3A_78 : memref<1x128x128xf32, #tpu.memory_space<vmem>> -> memref<128x128xf32, #tpu.memory_space<vmem>>
      %swap3A_80 = arith.index_cast %scan3A_48 : i32 to index
      %swap3A_81 = arith.constant 48 : index
      %swap3A_82 = tpu.vector_load %swap3A_79[%swap3A_80, %swap3A_81] {strides = array<i32>} : memref<128x128xf32, #tpu.memory_space<vmem>>, vector<1x16xf32>,
      %swap3A_83 = vector.shape_cast %swap3A_82 : vector<1x16xf32> to vector<16xf32>
      %swap3A_84 = vector.shape_cast %broadcast_in_dim3A_1 : vector<16xf32> to vector<1x16xf32>
      tpu.vector_store %swap3A_79[%swap3A_80, %swap3A_81], %swap3A_84 {strides = array<i32>} : memref<128x128xf32, #tpu.memory_space<vmem>>, vector<1x16xf32>,
      %swap3A_85 = arith.constant 0 : i32
      %swap3A_86 = arith.constant 0 : i32
      %swap3A_87 = tpu.memref_slice %arg10[%scan3A, %swap3A_85, %swap3A_86] : memref<2x128x128xf32, #tpu.memory_space<vmem>> -> memref<1x128x128xf32, #tpu.memory_space<vmem>>
      %swap3A_88 = tpu.memref_squeeze %swap3A_87 : memref<1x128x128xf32, #tpu.memory_space<vmem>> -> memref<128x128xf32, #tpu.memory_space<vmem>>
      %swap3A_89 = arith.index_cast %scan3A_48 : i32 to index
      %swap3A_90 = arith.constant 64 : index
      %swap3A_91 = tpu.vector_load %swap3A_88[%swap3A_89, %swap3A_90] {strides = array<i32>} : memref<128x128xf32, #tpu.memory_space<vmem>>, vector<1x16xf32>,
      %swap3A_92 = vector.shape_cast %swap3A_91 : vector<1x16xf32> to vector<16xf32>
      %swap3A_93 = vector.shape_cast %broadcast_in_dim3A_1 : vector<16xf32> to vector<1x16xf32>
      tpu.vector_store %swap3A_88[%swap3A_89, %swap3A_90], %swap3A_93 {strides = array<i32>} : memref<128x128xf32, #tpu.memory_space<vmem>>, vector<1x16xf32>,
      %swap3A_94 = arith.constant 0 : i32
      %swap3A_95 = arith.constant 0 : i32
      %swap3A_96 = tpu.memref_slice %arg10[%scan3A, %swap3A_94, %swap3A_95] : memref<2x128x128xf32, #tpu.memory_space<vmem>> -> memref<1x128x128xf32, #tpu.memory_space<vmem>>
      %swap3A_97 = tpu.memref_squeeze %swap3A_96 : memref<1x128x128xf32, #tpu.memory_space<vmem>> -> memref<128x128xf32, #tpu.memory_space<vmem>>
      %swap3A_98 = arith.index_cast %scan3A_48 : i32 to index
      %swap3A_99 = arith.constant 80 : index
      %swap3A_100 = tpu.vector_load %swap3A_97[%swap3A_98, %swap3A_99] {strides = array<i32>} : memref<128x128xf32, #tpu.memory_space<vmem>>, vector<1x16xf32>,
      %swap3A_101 = vector.shape_cast %swap3A_100 : vector<1x16xf32> to vector<16xf32>
      %swap3A_102 = vector.shape_cast %broadcast_in_dim3A_1 : vector<16xf32> to vector<1x16xf32>
      tpu.vector_store %swap3A_97[%swap3A_98, %swap3A_99], %swap3A_102 {strides = array<i32>} : memref<128x128xf32, #tpu.memory_space<vmem>>, vector<1x16xf32>,
      %swap3A_103 = arith.constant 0 : i32
      %swap3A_104 = arith.constant 0 : i32
      %swap3A_105 = tpu.memref_slice %arg10[%scan3A, %swap3A_103, %swap3A_104] : memref<2x128x128xf32, #tpu.memory_space<vmem>> -> memref<1x128x128xf32, #tpu.memory_space<vmem>>
      %swap3A_106 = tpu.memref_squeeze %swap3A_105 : memref<1x128x128xf32, #tpu.memory_space<vmem>> -> memref<128x128xf32, #tpu.memory_space<vmem>>
      %swap3A_107 = arith.index_cast %scan3A_48 : i32 to index
      %swap3A_108 = arith.constant 96 : index
      %swap3A_109 = tpu.vector_load %swap3A_106[%swap3A_107, %swap3A_108] {strides = array<i32>} : memref<128x128xf32, #tpu.memory_space<vmem>>, vector<1x16xf32>,
      %swap3A_110 = vector.shape_cast %swap3A_109 : vector<1x16xf32> to vector<16xf32>
      %swap3A_111 = vector.shape_cast %broadcast_in_dim3A_1 : vector<16xf32> to vector<1x16xf32>
      tpu.vector_store %swap3A_106[%swap3A_107, %swap3A_108], %swap3A_111 {strides = array<i32>} : memref<128x128xf32, #tpu.memory_space<vmem>>, vector<1x16xf32>,
      %swap3A_112 = arith.constant 0 : i32
      %swap3A_113 = arith.constant 0 : i32
      %swap3A_114 = tpu.memref_slice %arg10[%scan3A, %swap3A_112, %swap3A_113] : memref<2x128x128xf32, #tpu.memory_space<vmem>> -> memref<1x128x128xf32, #tpu.memory_space<vmem>>
      %swap3A_115 = tpu.memref_squeeze %swap3A_114 : memref<1x128x128xf32, #tpu.memory_space<vmem>> -> memref<128x128xf32, #tpu.memory_space<vmem>>
      %swap3A_116 = arith.index_cast %scan3A_48 : i32 to index
      %swap3A_117 = arith.constant 112 : index
      %swap3A_118 = tpu.vector_load %swap3A_115[%swap3A_116, %swap3A_117] {strides = array<i32>} : memref<128x128xf32, #tpu.memory_space<vmem>>, vector<1x16xf32>,
      %swap3A_119 = vector.shape_cast %swap3A_118 : vector<1x16xf32> to vector<16xf32>
      %swap3A_120 = vector.shape_cast %broadcast_in_dim3A_1 : vector<16xf32> to vector<1x16xf32>
      tpu.vector_store %swap3A_115[%swap3A_116, %swap3A_117], %swap3A_120 {strides = array<i32>} : memref<128x128xf32, #tpu.memory_space<vmem>>, vector<1x16xf32>,
      %scan3A_121 = arith.constant 0 : i32
      scf.yield %scan3A_121 : i32
    }
    %scan3A_8 = arith.constant 128 : i32
    %mul3A_9 = arith.constant 640 : i32
    %mul3A_10 = arith.muli %arg1, %mul3A_9 : i32
    %add3A_11 = arith.constant 0 : i32
    %add3A_12 = arith.addi %mul3A_10, %add3A_11 : i32
    %run_scoped3A = arith.constant 0 : i32
    "tpu.region"() ({
      %run_scoped3A_48 = tpu.sem_alloc : memref<!tpu.dma_semaphore, #tpu.memory_space<semaphore_mem>>
      %dma_start3A = arith.constant 0 : i32
      %dma_start3A_49 = arith.constant 0 : i32
      %dma_start3A_50 = tpu.memref_slice %arg10[%run_scoped3A, %dma_start3A, %dma_start3A_49] : memref<2x128x128xf32, #tpu.memory_space<vmem>> -> memref<1x128x128xf32, #tpu.memory_space<vmem>>
      %dma_start3A_51 = tpu.memref_squeeze %dma_start3A_50 : memref<1x128x128xf32, #tpu.memory_space<vmem>> -> memref<128x128xf32, #tpu.memory_space<vmem>>
      %dma_start3A_52 = arith.constant 0 : i32
      %dma_start3A_53 = tpu.memref_slice %arg11[%add3A_12, %dma_start3A_52] : memref<10240x128xf32, #tpu.memory_space<vmem_shared>> -> memref<128x128xf32, #tpu.memory_space<vmem_shared>>
      %dma_start3A_54 = arith.constant 0 : i32
      %dma_start3A_55 = tpu.memref_slice %arg11[%add3A_12, %dma_start3A_54] : memref<10240x128xf32, #tpu.memory_space<vmem_shared>> -> memref<128x128xf32, #tpu.memory_space<vmem_shared>>
      %dma_start3A_56 = arith.constant 0 : i32
      %dma_start3A_57 = arith.constant 0 : i32
      %dma_start3A_58 = tpu.memref_slice %arg10[%run_scoped3A, %dma_start3A_56, %dma_start3A_57] : memref<2x128x128xf32, #tpu.memory_space<vmem>> -> memref<1x128x128xf32, #tpu.memory_space<vmem>>
      %dma_start3A_59 = tpu.memref_squeeze %dma_start3A_58 : memref<1x128x128xf32, #tpu.memory_space<vmem>> -> memref<128x128xf32, #tpu.memory_space<vmem>>
      tpu.enqueue_dma source(%dma_start3A_59 : memref<128x128xf32, #tpu.memory_space<vmem>>) target(%dma_start3A_55 : memref<128x128xf32, #tpu.memory_space<vmem_shared>>) target_semaphore(%run_scoped3A_48 : memref<!tpu.dma_semaphore, #tpu.memory_space<semaphore_mem>>)
      %dma_wait3A = arith.constant 0 : i32
      %dma_wait3A_60 = arith.constant 0 : i32
      %dma_wait3A_61 = tpu.memref_slice %arg10[%run_scoped3A, %dma_wait3A, %dma_wait3A_60] : memref<2x128x128xf32, #tpu.memory_space<vmem>> -> memref<1x128x128xf32, #tpu.memory_space<vmem>>
      %dma_wait3A_62 = tpu.memref_squeeze %dma_wait3A_61 : memref<1x128x128xf32, #tpu.memory_space<vmem>> -> memref<128x128xf32, #tpu.memory_space<vmem>>
      %dma_wait3A_63 = arith.constant 0 : i32
      %dma_wait3A_64 = tpu.memref_slice %arg11[%add3A_12, %dma_wait3A_63] : memref<10240x128xf32, #tpu.memory_space<vmem_shared>> -> memref<128x128xf32, #tpu.memory_space<vmem_shared>>
      %dma_wait3A_65 = arith.constant 0 : i32
      %dma_wait3A_66 = tpu.memref_slice %arg11[%add3A_12, %dma_wait3A_65] : memref<10240x128xf32, #tpu.memory_space<vmem_shared>> -> memref<128x128xf32, #tpu.memory_space<vmem_shared>>
      %dma_wait3A_67 = arith.constant 0 : i32
      %dma_wait3A_68 = arith.constant 0 : i32
      %dma_wait3A_69 = tpu.memref_slice %arg10[%run_scoped3A, %dma_wait3A_67, %dma_wait3A_68] : memref<2x128x128xf32, #tpu.memory_space<vmem>> -> memref<1x128x128xf32, #tpu.memory_space<vmem>>
      %dma_wait3A_70 = tpu.memref_squeeze %dma_wait3A_69 : memref<1x128x128xf32, #tpu.memory_space<vmem>> -> memref<128x128xf32, #tpu.memory_space<vmem>>
      tpu.wait_dma2 semaphore(%run_scoped3A_48 : memref<!tpu.dma_semaphore, #tpu.memory_space<semaphore_mem>>) src(%dma_wait3A_70 : memref<128x128xf32, #tpu.memory_space<vmem>>) dst(%dma_wait3A_66 : memref<128x128xf32, #tpu.memory_space<vmem_shared>>)
      tpu.yield
    }) : () -> ()
    %mul3A_13 = arith.constant 640 : i32
    %mul3A_14 = arith.muli %arg1, %mul3A_13 : i32
    %add3A_15 = arith.constant 128 : i32
    %add3A_16 = arith.addi %mul3A_14, %add3A_15 : i32
    %run_scoped3A_17 = arith.constant 0 : i32
    "tpu.region"() ({
      %run_scoped3A_48 = tpu.sem_alloc : memref<!tpu.dma_semaphore, #tpu.memory_space<semaphore_mem>>
      %dma_start3A = arith.constant 0 : i32
      %dma_start3A_49 = arith.constant 0 : i32
      %dma_start3A_50 = tpu.memref_slice %arg10[%run_scoped3A_17, %dma_start3A, %dma_start3A_49] : memref<2x128x128xf32, #tpu.memory_space<vmem>> -> memref<1x128x128xf32, #tpu.memory_space<vmem>>
      %dma_start3A_51 = tpu.memref_squeeze %dma_start3A_50 : memref<1x128x128xf32, #tpu.memory_space<vmem>> -> memref<128x128xf32, #tpu.memory_space<vmem>>
      %dma_start3A_52 = arith.constant 0 : i32
      %dma_start3A_53 = tpu.memref_slice %arg11[%add3A_16, %dma_start3A_52] : memref<10240x128xf32, #tpu.memory_space<vmem_shared>> -> memref<128x128xf32, #tpu.memory_space<vmem_shared>>
      %dma_start3A_54 = arith.constant 0 : i32
      %dma_start3A_55 = tpu.memref_slice %arg11[%add3A_16, %dma_start3A_54] : memref<10240x128xf32, #tpu.memory_space<vmem_shared>> -> memref<128x128xf32, #tpu.memory_space<vmem_shared>>
      %dma_start3A_56 = arith.constant 0 : i32
      %dma_start3A_57 = arith.constant 0 : i32
      %dma_start3A_58 = tpu.memref_slice %arg10[%run_scoped3A_17, %dma_start3A_56, %dma_start3A_57] : memref<2x128x128xf32, #tpu.memory_space<vmem>> -> memref<1x128x128xf32, #tpu.memory_space<vmem>>
      %dma_start3A_59 = tpu.memref_squeeze %dma_start3A_58 : memref<1x128x128xf32, #tpu.memory_space<vmem>> -> memref<128x128xf32, #tpu.memory_space<vmem>>
      tpu.enqueue_dma source(%dma_start3A_59 : memref<128x128xf32, #tpu.memory_space<vmem>>) target(%dma_start3A_55 : memref<128x128xf32, #tpu.memory_space<vmem_shared>>) target_semaphore(%run_scoped3A_48 : memref<!tpu.dma_semaphore, #tpu.memory_space<semaphore_mem>>)
      %dma_wait3A = arith.constant 0 : i32
      %dma_wait3A_60 = arith.constant 0 : i32
      %dma_wait3A_61 = tpu.memref_slice %arg10[%run_scoped3A_17, %dma_wait3A, %dma_wait3A_60] : memref<2x128x128xf32, #tpu.memory_space<vmem>> -> memref<1x128x128xf32, #tpu.memory_space<vmem>>
      %dma_wait3A_62 = tpu.memref_squeeze %dma_wait3A_61 : memref<1x128x128xf32, #tpu.memory_space<vmem>> -> memref<128x128xf32, #tpu.memory_space<vmem>>
      %dma_wait3A_63 = arith.constant 0 : i32
      %dma_wait3A_64 = tpu.memref_slice %arg11[%add3A_16, %dma_wait3A_63] : memref<10240x128xf32, #tpu.memory_space<vmem_shared>> -> memref<128x128xf32, #tpu.memory_space<vmem_shared>>
      %dma_wait3A_65 = arith.constant 0 : i32
      %dma_wait3A_66 = tpu.memref_slice %arg11[%add3A_16, %dma_wait3A_65] : memref<10240x128xf32, #tpu.memory_space<vmem_shared>> -> memref<128x128xf32, #tpu.memory_space<vmem_shared>>
      %dma_wait3A_67 = arith.constant 0 : i32
      %dma_wait3A_68 = arith.constant 0 : i32
      %dma_wait3A_69 = tpu.memref_slice %arg10[%run_scoped3A_17, %dma_wait3A_67, %dma_wait3A_68] : memref<2x128x128xf32, #tpu.memory_space<vmem>> -> memref<1x128x128xf32, #tpu.memory_space<vmem>>
      %dma_wait3A_70 = tpu.memref_squeeze %dma_wait3A_69 : memref<1x128x128xf32, #tpu.memory_space<vmem>> -> memref<128x128xf32, #tpu.memory_space<vmem>>
      tpu.wait_dma2 semaphore(%run_scoped3A_48 : memref<!tpu.dma_semaphore, #tpu.memory_space<semaphore_mem>>) src(%dma_wait3A_70 : memref<128x128xf32, #tpu.memory_space<vmem>>) dst(%dma_wait3A_66 : memref<128x128xf32, #tpu.memory_space<vmem_shared>>)
      tpu.yield
    }) : () -> ()
    %mul3A_18 = arith.constant 640 : i32
    %mul3A_19 = arith.muli %arg1, %mul3A_18 : i32
    %add3A_20 = arith.constant 256 : i32
    %add3A_21 = arith.addi %mul3A_19, %add3A_20 : i32
    %run_scoped3A_22 = arith.constant 0 : i32
    "tpu.region"() ({
      %run_scoped3A_48 = tpu.sem_alloc : memref<!tpu.dma_semaphore, #tpu.memory_space<semaphore_mem>>
      %dma_start3A = arith.constant 0 : i32
      %dma_start3A_49 = arith.constant 0 : i32
      %dma_start3A_50 = tpu.memref_slice %arg10[%run_scoped3A_22, %dma_start3A, %dma_start3A_49] : memref<2x128x128xf32, #tpu.memory_space<vmem>> -> memref<1x128x128xf32, #tpu.memory_space<vmem>>
      %dma_start3A_51 = tpu.memref_squeeze %dma_start3A_50 : memref<1x128x128xf32, #tpu.memory_space<vmem>> -> memref<128x128xf32, #tpu.memory_space<vmem>>
      %dma_start3A_52 = arith.constant 0 : i32
      %dma_start3A_53 = tpu.memref_slice %arg11[%add3A_21, %dma_start3A_52] : memref<10240x128xf32, #tpu.memory_space<vmem_shared>> -> memref<128x128xf32, #tpu.memory_space<vmem_shared>>
      %dma_start3A_54 = arith.constant 0 : i32
      %dma_start3A_55 = tpu.memref_slice %arg11[%add3A_21, %dma_start3A_54] : memref<10240x128xf32, #tpu.memory_space<vmem_shared>> -> memref<128x128xf32, #tpu.memory_space<vmem_shared>>
      %dma_start3A_56 = arith.constant 0 : i32
      %dma_start3A_57 = arith.constant 0 : i32
      %dma_start3A_58 = tpu.memref_slice %arg10[%run_scoped3A_22, %dma_start3A_56, %dma_start3A_57] : memref<2x128x128xf32, #tpu.memory_space<vmem>> -> memref<1x128x128xf32, #tpu.memory_space<vmem>>
      %dma_start3A_59 = tpu.memref_squeeze %dma_start3A_58 : memref<1x128x128xf32, #tpu.memory_space<vmem>> -> memref<128x128xf32, #tpu.memory_space<vmem>>
      tpu.enqueue_dma source(%dma_start3A_59 : memref<128x128xf32, #tpu.memory_space<vmem>>) target(%dma_start3A_55 : memref<128x128xf32, #tpu.memory_space<vmem_shared>>) target_semaphore(%run_scoped3A_48 : memref<!tpu.dma_semaphore, #tpu.memory_space<semaphore_mem>>)
      %dma_wait3A = arith.constant 0 : i32
      %dma_wait3A_60 = arith.constant 0 : i32
      %dma_wait3A_61 = tpu.memref_slice %arg10[%run_scoped3A_22, %dma_wait3A, %dma_wait3A_60] : memref<2x128x128xf32, #tpu.memory_space<vmem>> -> memref<1x128x128xf32, #tpu.memory_space<vmem>>
      %dma_wait3A_62 = tpu.memref_squeeze %dma_wait3A_61 : memref<1x128x128xf32, #tpu.memory_space<vmem>> -> memref<128x128xf32, #tpu.memory_space<vmem>>
      %dma_wait3A_63 = arith.constant 0 : i32
      %dma_wait3A_64 = tpu.memref_slice %arg11[%add3A_21, %dma_wait3A_63] : memref<10240x128xf32, #tpu.memory_space<vmem_shared>> -> memref<128x128xf32, #tpu.memory_space<vmem_shared>>
      %dma_wait3A_65 = arith.constant 0 : i32
      %dma_wait3A_66 = tpu.memref_slice %arg11[%add3A_21, %dma_wait3A_65] : memref<10240x128xf32, #tpu.memory_space<vmem_shared>> -> memref<128x128xf32, #tpu.memory_space<vmem_shared>>
      %dma_wait3A_67 = arith.constant 0 : i32
      %dma_wait3A_68 = arith.constant 0 : i32
      %dma_wait3A_69 = tpu.memref_slice %arg10[%run_scoped3A_22, %dma_wait3A_67, %dma_wait3A_68] : memref<2x128x128xf32, #tpu.memory_space<vmem>> -> memref<1x128x128xf32, #tpu.memory_space<vmem>>
      %dma_wait3A_70 = tpu.memref_squeeze %dma_wait3A_69 : memref<1x128x128xf32, #tpu.memory_space<vmem>> -> memref<128x128xf32, #tpu.memory_space<vmem>>
      tpu.wait_dma2 semaphore(%run_scoped3A_48 : memref<!tpu.dma_semaphore, #tpu.memory_space<semaphore_mem>>) src(%dma_wait3A_70 : memref<128x128xf32, #tpu.memory_space<vmem>>) dst(%dma_wait3A_66 : memref<128x128xf32, #tpu.memory_space<vmem_shared>>)
      tpu.yield
    }) : () -> ()
    %mul3A_23 = arith.constant 640 : i32
    %mul3A_24 = arith.muli %arg1, %mul3A_23 : i32
    %add3A_25 = arith.constant 384 : i32
    %add3A_26 = arith.addi %mul3A_24, %add3A_25 : i32
    %run_scoped3A_27 = arith.constant 0 : i32
    "tpu.region"() ({
      %run_scoped3A_48 = tpu.sem_alloc : memref<!tpu.dma_semaphore, #tpu.memory_space<semaphore_mem>>
      %dma_start3A = arith.constant 0 : i32
      %dma_start3A_49 = arith.constant 0 : i32
      %dma_start3A_50 = tpu.memref_slice %arg10[%run_scoped3A_27, %dma_start3A, %dma_start3A_49] : memref<2x128x128xf32, #tpu.memory_space<vmem>> -> memref<1x128x128xf32, #tpu.memory_space<vmem>>
      %dma_start3A_51 = tpu.memref_squeeze %dma_start3A_50 : memref<1x128x128xf32, #tpu.memory_space<vmem>> -> memref<128x128xf32, #tpu.memory_space<vmem>>
      %dma_start3A_52 = arith.constant 0 : i32
      %dma_start3A_53 = tpu.memref_slice %arg11[%add3A_26, %dma_start3A_52] : memref<10240x128xf32, #tpu.memory_space<vmem_shared>> -> memref<128x128xf32, #tpu.memory_space<vmem_shared>>
      %dma_start3A_54 = arith.constant 0 : i32
      %dma_start3A_55 = tpu.memref_slice %arg11[%add3A_26, %dma_start3A_54] : memref<10240x128xf32, #tpu.memory_space<vmem_shared>> -> memref<128x128xf32, #tpu.memory_space<vmem_shared>>
      %dma_start3A_56 = arith.constant 0 : i32
      %dma_start3A_57 = arith.constant 0 : i32
      %dma_start3A_58 = tpu.memref_slice %arg10[%run_scoped3A_27, %dma_start3A_56, %dma_start3A_57] : memref<2x128x128xf32, #tpu.memory_space<vmem>> -> memref<1x128x128xf32, #tpu.memory_space<vmem>>
      %dma_start3A_59 = tpu.memref_squeeze %dma_start3A_58 : memref<1x128x128xf32, #tpu.memory_space<vmem>> -> memref<128x128xf32, #tpu.memory_space<vmem>>
      tpu.enqueue_dma source(%dma_start3A_59 : memref<128x128xf32, #tpu.memory_space<vmem>>) target(%dma_start3A_55 : memref<128x128xf32, #tpu.memory_space<vmem_shared>>) target_semaphore(%run_scoped3A_48 : memref<!tpu.dma_semaphore, #tpu.memory_space<semaphore_mem>>)
      %dma_wait3A = arith.constant 0 : i32
      %dma_wait3A_60 = arith.constant 0 : i32
      %dma_wait3A_61 = tpu.memref_slice %arg10[%run_scoped3A_27, %dma_wait3A, %dma_wait3A_60] : memref<2x128x128xf32, #tpu.memory_space<vmem>> -> memref<1x128x128xf32, #tpu.memory_space<vmem>>
      %dma_wait3A_62 = tpu.memref_squeeze %dma_wait3A_61 : memref<1x128x128xf32, #tpu.memory_space<vmem>> -> memref<128x128xf32, #tpu.memory_space<vmem>>
      %dma_wait3A_63 = arith.constant 0 : i32
      %dma_wait3A_64 = tpu.memref_slice %arg11[%add3A_26, %dma_wait3A_63] : memref<10240x128xf32, #tpu.memory_space<vmem_shared>> -> memref<128x128xf32, #tpu.memory_space<vmem_shared>>
      %dma_wait3A_65 = arith.constant 0 : i32
      %dma_wait3A_66 = tpu.memref_slice %arg11[%add3A_26, %dma_wait3A_65] : memref<10240x128xf32, #tpu.memory_space<vmem_shared>> -> memref<128x128xf32, #tpu.memory_space<vmem_shared>>
      %dma_wait3A_67 = arith.constant 0 : i32
      %dma_wait3A_68 = arith.constant 0 : i32
      %dma_wait3A_69 = tpu.memref_slice %arg10[%run_scoped3A_27, %dma_wait3A_67, %dma_wait3A_68] : memref<2x128x128xf32, #tpu.memory_space<vmem>> -> memref<1x128x128xf32, #tpu.memory_space<vmem>>
      %dma_wait3A_70 = tpu.memref_squeeze %dma_wait3A_69 : memref<1x128x128xf32, #tpu.memory_space<vmem>> -> memref<128x128xf32, #tpu.memory_space<vmem>>
      tpu.wait_dma2 semaphore(%run_scoped3A_48 : memref<!tpu.dma_semaphore, #tpu.memory_space<semaphore_mem>>) src(%dma_wait3A_70 : memref<128x128xf32, #tpu.memory_space<vmem>>) dst(%dma_wait3A_66 : memref<128x128xf32, #tpu.memory_space<vmem_shared>>)
      tpu.yield
    }) : () -> ()
    %mul3A_28 = arith.constant 640 : i32
    %mul3A_29 = arith.muli %arg1, %mul3A_28 : i32
    %add3A_30 = arith.constant 512 : i32
    %add3A_31 = arith.addi %mul3A_29, %add3A_30 : i32
    %run_scoped3A_32 = arith.constant 0 : i32
    "tpu.region"() ({
      %run_scoped3A_48 = tpu.sem_alloc : memref<!tpu.dma_semaphore, #tpu.memory_space<semaphore_mem>>
      %dma_start3A = arith.constant 0 : i32
      %dma_start3A_49 = arith.constant 0 : i32
      %dma_start3A_50 = tpu.memref_slice %arg10[%run_scoped3A_32, %dma_start3A, %dma_start3A_49] : memref<2x128x128xf32, #tpu.memory_space<vmem>> -> memref<1x128x128xf32, #tpu.memory_space<vmem>>
      %dma_start3A_51 = tpu.memref_squeeze %dma_start3A_50 : memref<1x128x128xf32, #tpu.memory_space<vmem>> -> memref<128x128xf32, #tpu.memory_space<vmem>>
      %dma_start3A_52 = arith.constant 0 : i32
      %dma_start3A_53 = tpu.memref_slice %arg11[%add3A_31, %dma_start3A_52] : memref<10240x128xf32, #tpu.memory_space<vmem_shared>> -> memref<128x128xf32, #tpu.memory_space<vmem_shared>>
      %dma_start3A_54 = arith.constant 0 : i32
      %dma_start3A_55 = tpu.memref_slice %arg11[%add3A_31, %dma_start3A_54] : memref<10240x128xf32, #tpu.memory_space<vmem_shared>> -> memref<128x128xf32, #tpu.memory_space<vmem_shared>>
      %dma_start3A_56 = arith.constant 0 : i32
      %dma_start3A_57 = arith.constant 0 : i32
      %dma_start3A_58 = tpu.memref_slice %arg10[%run_scoped3A_32, %dma_start3A_56, %dma_start3A_57] : memref<2x128x128xf32, #tpu.memory_space<vmem>> -> memref<1x128x128xf32, #tpu.memory_space<vmem>>
      %dma_start3A_59 = tpu.memref_squeeze %dma_start3A_58 : memref<1x128x128xf32, #tpu.memory_space<vmem>> -> memref<128x128xf32, #tpu.memory_space<vmem>>
      tpu.enqueue_dma source(%dma_start3A_59 : memref<128x128xf32, #tpu.memory_space<vmem>>) target(%dma_start3A_55 : memref<128x128xf32, #tpu.memory_space<vmem_shared>>) target_semaphore(%run_scoped3A_48 : memref<!tpu.dma_semaphore, #tpu.memory_space<semaphore_mem>>)
      %dma_wait3A = arith.constant 0 : i32
      %dma_wait3A_60 = arith.constant 0 : i32
      %dma_wait3A_61 = tpu.memref_slice %arg10[%run_scoped3A_32, %dma_wait3A, %dma_wait3A_60] : memref<2x128x128xf32, #tpu.memory_space<vmem>> -> memref<1x128x128xf32, #tpu.memory_space<vmem>>
      %dma_wait3A_62 = tpu.memref_squeeze %dma_wait3A_61 : memref<1x128x128xf32, #tpu.memory_space<vmem>> -> memref<128x128xf32, #tpu.memory_space<vmem>>
      %dma_wait3A_63 = arith.constant 0 : i32
      %dma_wait3A_64 = tpu.memref_slice %arg11[%add3A_31, %dma_wait3A_63] : memref<10240x128xf32, #tpu.memory_space<vmem_shared>> -> memref<128x128xf32, #tpu.memory_space<vmem_shared>>
      %dma_wait3A_65 = arith.constant 0 : i32
      %dma_wait3A_66 = tpu.memref_slice %arg11[%add3A_31, %dma_wait3A_65] : memref<10240x128xf32, #tpu.memory_space<vmem_shared>> -> memref<128x128xf32, #tpu.memory_space<vmem_shared>>
      %dma_wait3A_67 = arith.constant 0 : i32
      %dma_wait3A_68 = arith.constant 0 : i32
      %dma_wait3A_69 = tpu.memref_slice %arg10[%run_scoped3A_32, %dma_wait3A_67, %dma_wait3A_68] : memref<2x128x128xf32, #tpu.memory_space<vmem>> -> memref<1x128x128xf32, #tpu.memory_space<vmem>>
      %dma_wait3A_70 = tpu.memref_squeeze %dma_wait3A_69 : memref<1x128x128xf32, #tpu.memory_space<vmem>> -> memref<128x128xf32, #tpu.memory_space<vmem>>
      tpu.wait_dma2 semaphore(%run_scoped3A_48 : memref<!tpu.dma_semaphore, #tpu.memory_space<semaphore_mem>>) src(%dma_wait3A_70 : memref<128x128xf32, #tpu.memory_space<vmem>>) dst(%dma_wait3A_66 : memref<128x128xf32, #tpu.memory_space<vmem_shared>>)
      tpu.yield
    }) : () -> ()
    %barrier3A = arith.constant 0 : index
    tpu.barrier barrier_id(%barrier3A)
    %scan3A_33 = arith.constant 0 : i32
    %scan3A_34 = arith.constant 0 : i32
    %scan3A_35 = arith.constant 80 : i32
    %scan3A_36 = arith.addi %scan3A_34, %scan3A_35 : i32
    %scan3A_37 = arith.constant 1 : i32
    %scan3A_38 = scf.for %scan3A_48 = %scan3A_34 to %scan3A_36 step %scan3A_37 iter_args(%scan3A_49 = %scan3A_33) -> (i32)  : i32 {
      %get3A = arith.index_cast %scan3A_48 : i32 to index
      %get3A_50 = arith.constant 0 : index
      %get3A_51 = tpu.vector_load %arg5[%get3A, %get3A_50] {strides = array<i32>} : memref<80x128xi32, #tpu.memory_space<vmem>>, vector<1x16xi32>,
      %get3A_52 = vector.shape_cast %get3A_51 : vector<1x16xi32> to vector<16xi32>
      %shift_right_logical3A = arith.constant 14 : i32
      %shift_right_logical3A_53 = vector.broadcast %shift_right_logical3A : i32 to vector<16xi32>
      %shift_right_logical3A_54 = arith.shrui %get3A_52, %shift_right_logical3A_53 : vector<16xi32>
      %swap3A = arith.constant 0 : index
      %swap3A_55 = tpu.vector_load %arg6[%swap3A] {strides = array<i32>} : memref<128xi32, #tpu.memory_space<vmem>>, vector<16xi32>,
      %swap3A_56 = vector.shape_cast %swap3A_55 : vector<16xi32> to vector<16xi32>
      %swap3A_57 = vector.shape_cast %shift_right_logical3A_54 : vector<16xi32> to vector<16xi32>
      tpu.vector_store %arg6[%swap3A], %swap3A_57 {strides = array<i32>} : memref<128xi32, #tpu.memory_space<vmem>>, vector<16xi32>,
      %and3A = arith.constant 16383 : i32
      %and3A_58 = vector.broadcast %and3A : i32 to vector<16xi32>
      %and3A_59 = arith.andi %get3A_52, %and3A_58 : vector<16xi32>
      %swap3A_60 = arith.constant 0 : index
      %swap3A_61 = tpu.vector_load %arg8[%swap3A_60] {strides = array<i32>} : memref<128xi32, #tpu.memory_space<vmem>>, vector<16xi32>,
      %swap3A_62 = vector.shape_cast %swap3A_61 : vector<16xi32> to vector<16xi32>
      %swap3A_63 = vector.shape_cast %and3A_59 : vector<16xi32> to vector<16xi32>
      tpu.vector_store %arg8[%swap3A_60], %swap3A_63 {strides = array<i32>} : memref<128xi32, #tpu.memory_space<vmem>>, vector<16xi32>,
      %get3A_64 = arith.index_cast %scan3A_48 : i32 to index
      %get3A_65 = arith.constant 16 : index
      %get3A_66 = tpu.vector_load %arg5[%get3A_64, %get3A_65] {strides = array<i32>} : memref<80x128xi32, #tpu.memory_space<vmem>>, vector<1x16xi32>,
      %get3A_67 = vector.shape_cast %get3A_66 : vector<1x16xi32> to vector<16xi32>
      %shift_right_logical3A_68 = arith.constant 14 : i32
      %shift_right_logical3A_69 = vector.broadcast %shift_right_logical3A_68 : i32 to vector<16xi32>
      %shift_right_logical3A_70 = arith.shrui %get3A_67, %shift_right_logical3A_69 : vector<16xi32>
      %swap3A_71 = arith.constant 16 : index
      %swap3A_72 = tpu.vector_load %arg6[%swap3A_71] {strides = array<i32>} : memref<128xi32, #tpu.memory_space<vmem>>, vector<16xi32>,
      %swap3A_73 = vector.shape_cast %swap3A_72 : vector<16xi32> to vector<16xi32>
      %swap3A_74 = vector.shape_cast %shift_right_logical3A_70 : vector<16xi32> to vector<16xi32>
      tpu.vector_store %arg6[%swap3A_71], %swap3A_74 {strides = array<i32>} : memref<128xi32, #tpu.memory_space<vmem>>, vector<16xi32>,
      %and3A_75 = arith.constant 16383 : i32
      %and3A_76 = vector.broadcast %and3A_75 : i32 to vector<16xi32>
      %and3A_77 = arith.andi %get3A_67, %and3A_76 : vector<16xi32>
      %swap3A_78 = arith.constant 16 : index
      %swap3A_79 = tpu.vector_load %arg8[%swap3A_78] {strides = array<i32>} : memref<128xi32, #tpu.memory_space<vmem>>, vector<16xi32>,
      %swap3A_80 = vector.shape_cast %swap3A_79 : vector<16xi32> to vector<16xi32>
      %swap3A_81 = vector.shape_cast %and3A_77 : vector<16xi32> to vector<16xi32>
      tpu.vector_store %arg8[%swap3A_78], %swap3A_81 {strides = array<i32>} : memref<128xi32, #tpu.memory_space<vmem>>, vector<16xi32>,
      %get3A_82 = arith.index_cast %scan3A_48 : i32 to index
      %get3A_83 = arith.constant 32 : index
      %get3A_84 = tpu.vector_load %arg5[%get3A_82, %get3A_83] {strides = array<i32>} : memref<80x128xi32, #tpu.memory_space<vmem>>, vector<1x16xi32>,
      %get3A_85 = vector.shape_cast %get3A_84 : vector<1x16xi32> to vector<16xi32>
      %shift_right_logical3A_86 = arith.constant 14 : i32
      %shift_right_logical3A_87 = vector.broadcast %shift_right_logical3A_86 : i32 to vector<16xi32>
      %shift_right_logical3A_88 = arith.shrui %get3A_85, %shift_right_logical3A_87 : vector<16xi32>
      %swap3A_89 = arith.constant 32 : index
      %swap3A_90 = tpu.vector_load %arg6[%swap3A_89] {strides = array<i32>} : memref<128xi32, #tpu.memory_space<vmem>>, vector<16xi32>,
      %swap3A_91 = vector.shape_cast %swap3A_90 : vector<16xi32> to vector<16xi32>
      %swap3A_92 = vector.shape_cast %shift_right_logical3A_88 : vector<16xi32> to vector<16xi32>
      tpu.vector_store %arg6[%swap3A_89], %swap3A_92 {strides = array<i32>} : memref<128xi32, #tpu.memory_space<vmem>>, vector<16xi32>,
      %and3A_93 = arith.constant 16383 : i32
      %and3A_94 = vector.broadcast %and3A_93 : i32 to vector<16xi32>
      %and3A_95 = arith.andi %get3A_85, %and3A_94 : vector<16xi32>
      %swap3A_96 = arith.constant 32 : index
      %swap3A_97 = tpu.vector_load %arg8[%swap3A_96] {strides = array<i32>} : memref<128xi32, #tpu.memory_space<vmem>>, vector<16xi32>,
      %swap3A_98 = vector.shape_cast %swap3A_97 : vector<16xi32> to vector<16xi32>
      %swap3A_99 = vector.shape_cast %and3A_95 : vector<16xi32> to vector<16xi32>
      tpu.vector_store %arg8[%swap3A_96], %swap3A_99 {strides = array<i32>} : memref<128xi32, #tpu.memory_space<vmem>>, vector<16xi32>,
      %get3A_100 = arith.index_cast %scan3A_48 : i32 to index
      %get3A_101 = arith.constant 48 : index
      %get3A_102 = tpu.vector_load %arg5[%get3A_100, %get3A_101] {strides = array<i32>} : memref<80x128xi32, #tpu.memory_space<vmem>>, vector<1x16xi32>,
      %get3A_103 = vector.shape_cast %get3A_102 : vector<1x16xi32> to vector<16xi32>
      %shift_right_logical3A_104 = arith.constant 14 : i32
      %shift_right_logical3A_105 = vector.broadcast %shift_right_logical3A_104 : i32 to vector<16xi32>
      %shift_right_logical3A_106 = arith.shrui %get3A_103, %shift_right_logical3A_105 : vector<16xi32>
      %swap3A_107 = arith.constant 48 : index
      %swap3A_108 = tpu.vector_load %arg6[%swap3A_107] {strides = array<i32>} : memref<128xi32, #tpu.memory_space<vmem>>, vector<16xi32>,
      %swap3A_109 = vector.shape_cast %swap3A_108 : vector<16xi32> to vector<16xi32>
      %swap3A_110 = vector.shape_cast %shift_right_logical3A_106 : vector<16xi32> to vector<16xi32>
      tpu.vector_store %arg6[%swap3A_107], %swap3A_110 {strides = array<i32>} : memref<128xi32, #tpu.memory_space<vmem>>, vector<16xi32>,
      %and3A_111 = arith.constant 16383 : i32
      %and3A_112 = vector.broadcast %and3A_111 : i32 to vector<16xi32>
      %and3A_113 = arith.andi %get3A_103, %and3A_112 : vector<16xi32>
      %swap3A_114 = arith.constant 48 : index
      %swap3A_115 = tpu.vector_load %arg8[%swap3A_114] {strides = array<i32>} : memref<128xi32, #tpu.memory_space<vmem>>, vector<16xi32>,
      %swap3A_116 = vector.shape_cast %swap3A_115 : vector<16xi32> to vector<16xi32>
      %swap3A_117 = vector.shape_cast %and3A_113 : vector<16xi32> to vector<16xi32>
      tpu.vector_store %arg8[%swap3A_114], %swap3A_117 {strides = array<i32>} : memref<128xi32, #tpu.memory_space<vmem>>, vector<16xi32>,
      %get3A_118 = arith.index_cast %scan3A_48 : i32 to index
      %get3A_119 = arith.constant 64 : index
      %get3A_120 = tpu.vector_load %arg5[%get3A_118, %get3A_119] {strides = array<i32>} : memref<80x128xi32, #tpu.memory_space<vmem>>, vector<1x16xi32>,
      %get3A_121 = vector.shape_cast %get3A_120 : vector<1x16xi32> to vector<16xi32>
      %shift_right_logical3A_122 = arith.constant 14 : i32
      %shift_right_logical3A_123 = vector.broadcast %shift_right_logical3A_122 : i32 to vector<16xi32>
      %shift_right_logical3A_124 = arith.shrui %get3A_121, %shift_right_logical3A_123 : vector<16xi32>
      %swap3A_125 = arith.constant 64 : index
      %swap3A_126 = tpu.vector_load %arg6[%swap3A_125] {strides = array<i32>} : memref<128xi32, #tpu.memory_space<vmem>>, vector<16xi32>,
      %swap3A_127 = vector.shape_cast %swap3A_126 : vector<16xi32> to vector<16xi32>
      %swap3A_128 = vector.shape_cast %shift_right_logical3A_124 : vector<16xi32> to vector<16xi32>
      tpu.vector_store %arg6[%swap3A_125], %swap3A_128 {strides = array<i32>} : memref<128xi32, #tpu.memory_space<vmem>>, vector<16xi32>,
      %and3A_129 = arith.constant 16383 : i32
      %and3A_130 = vector.broadcast %and3A_129 : i32 to vector<16xi32>
      %and3A_131 = arith.andi %get3A_121, %and3A_130 : vector<16xi32>
      %swap3A_132 = arith.constant 64 : index
      %swap3A_133 = tpu.vector_load %arg8[%swap3A_132] {strides = array<i32>} : memref<128xi32, #tpu.memory_space<vmem>>, vector<16xi32>,
      %swap3A_134 = vector.shape_cast %swap3A_133 : vector<16xi32> to vector<16xi32>
      %swap3A_135 = vector.shape_cast %and3A_131 : vector<16xi32> to vector<16xi32>
      tpu.vector_store %arg8[%swap3A_132], %swap3A_135 {strides = array<i32>} : memref<128xi32, #tpu.memory_space<vmem>>, vector<16xi32>,
      %get3A_136 = arith.index_cast %scan3A_48 : i32 to index
      %get3A_137 = arith.constant 80 : index
      %get3A_138 = tpu.vector_load %arg5[%get3A_136, %get3A_137] {strides = array<i32>} : memref<80x128xi32, #tpu.memory_space<vmem>>, vector<1x16xi32>,
      %get3A_139 = vector.shape_cast %get3A_138 : vector<1x16xi32> to vector<16xi32>
      %shift_right_logical3A_140 = arith.constant 14 : i32
      %shift_right_logical3A_141 = vector.broadcast %shift_right_logical3A_140 : i32 to vector<16xi32>
      %shift_right_logical3A_142 = arith.shrui %get3A_139, %shift_right_logical3A_141 : vector<16xi32>
      %swap3A_143 = arith.constant 80 : index
      %swap3A_144 = tpu.vector_load %arg6[%swap3A_143] {strides = array<i32>} : memref<128xi32, #tpu.memory_space<vmem>>, vector<16xi32>,
      %swap3A_145 = vector.shape_cast %swap3A_144 : vector<16xi32> to vector<16xi32>
      %swap3A_146 = vector.shape_cast %shift_right_logical3A_142 : vector<16xi32> to vector<16xi32>
      tpu.vector_store %arg6[%swap3A_143], %swap3A_146 {strides = array<i32>} : memref<128xi32, #tpu.memory_space<vmem>>, vector<16xi32>,
      %and3A_147 = arith.constant 16383 : i32
      %and3A_148 = vector.broadcast %and3A_147 : i32 to vector<16xi32>
      %and3A_149 = arith.andi %get3A_139, %and3A_148 : vector<16xi32>
      %swap3A_150 = arith.constant 80 : index
      %swap3A_151 = tpu.vector_load %arg8[%swap3A_150] {strides = array<i32>} : memref<128xi32, #tpu.memory_space<vmem>>, vector<16xi32>,
      %swap3A_152 = vector.shape_cast %swap3A_151 : vector<16xi32> to vector<16xi32>
      %swap3A_153 = vector.shape_cast %and3A_149 : vector<16xi32> to vector<16xi32>
      tpu.vector_store %arg8[%swap3A_150], %swap3A_153 {strides = array<i32>} : memref<128xi32, #tpu.memory_space<vmem>>, vector<16xi32>,
      %get3A_154 = arith.index_cast %scan3A_48 : i32 to index
      %get3A_155 = arith.constant 96 : index
      %get3A_156 = tpu.vector_load %arg5[%get3A_154, %get3A_155] {strides = array<i32>} : memref<80x128xi32, #tpu.memory_space<vmem>>, vector<1x16xi32>,
      %get3A_157 = vector.shape_cast %get3A_156 : vector<1x16xi32> to vector<16xi32>
      %shift_right_logical3A_158 = arith.constant 14 : i32
      %shift_right_logical3A_159 = vector.broadcast %shift_right_logical3A_158 : i32 to vector<16xi32>
      %shift_right_logical3A_160 = arith.shrui %get3A_157, %shift_right_logical3A_159 : vector<16xi32>
      %swap3A_161 = arith.constant 96 : index
      %swap3A_162 = tpu.vector_load %arg6[%swap3A_161] {strides = array<i32>} : memref<128xi32, #tpu.memory_space<vmem>>, vector<16xi32>,
      %swap3A_163 = vector.shape_cast %swap3A_162 : vector<16xi32> to vector<16xi32>
      %swap3A_164 = vector.shape_cast %shift_right_logical3A_160 : vector<16xi32> to vector<16xi32>
      tpu.vector_store %arg6[%swap3A_161], %swap3A_164 {strides = array<i32>} : memref<128xi32, #tpu.memory_space<vmem>>, vector<16xi32>,
      %and3A_165 = arith.constant 16383 : i32
      %and3A_166 = vector.broadcast %and3A_165 : i32 to vector<16xi32>
      %and3A_167 = arith.andi %get3A_157, %and3A_166 : vector<16xi32>
      %swap3A_168 = arith.constant 96 : index
      %swap3A_169 = tpu.vector_load %arg8[%swap3A_168] {strides = array<i32>} : memref<128xi32, #tpu.memory_space<vmem>>, vector<16xi32>,
      %swap3A_170 = vector.shape_cast %swap3A_169 : vector<16xi32> to vector<16xi32>
      %swap3A_171 = vector.shape_cast %and3A_167 : vector<16xi32> to vector<16xi32>
      tpu.vector_store %arg8[%swap3A_168], %swap3A_171 {strides = array<i32>} : memref<128xi32, #tpu.memory_space<vmem>>, vector<16xi32>,
      %get3A_172 = arith.index_cast %scan3A_48 : i32 to index
      %get3A_173 = arith.constant 112 : index
      %get3A_174 = tpu.vector_load %arg5[%get3A_172, %get3A_173] {strides = array<i32>} : memref<80x128xi32, #tpu.memory_space<vmem>>, vector<1x16xi32>,
      %get3A_175 = vector.shape_cast %get3A_174 : vector<1x16xi32> to vector<16xi32>
      %shift_right_logical3A_176 = arith.constant 14 : i32
      %shift_right_logical3A_177 = vector.broadcast %shift_right_logical3A_176 : i32 to vector<16xi32>
      %shift_right_logical3A_178 = arith.shrui %get3A_175, %shift_right_logical3A_177 : vector<16xi32>
      %swap3A_179 = arith.constant 112 : index
      %swap3A_180 = tpu.vector_load %arg6[%swap3A_179] {strides = array<i32>} : memref<128xi32, #tpu.memory_space<vmem>>, vector<16xi32>,
      %swap3A_181 = vector.shape_cast %swap3A_180 : vector<16xi32> to vector<16xi32>
      %swap3A_182 = vector.shape_cast %shift_right_logical3A_178 : vector<16xi32> to vector<16xi32>
      tpu.vector_store %arg6[%swap3A_179], %swap3A_182 {strides = array<i32>} : memref<128xi32, #tpu.memory_space<vmem>>, vector<16xi32>,
      %and3A_183 = arith.constant 16383 : i32
      %and3A_184 = vector.broadcast %and3A_183 : i32 to vector<16xi32>
      %and3A_185 = arith.andi %get3A_175, %and3A_184 : vector<16xi32>
      %swap3A_186 = arith.constant 112 : index
      %swap3A_187 = tpu.vector_load %arg8[%swap3A_186] {strides = array<i32>} : memref<128xi32, #tpu.memory_space<vmem>>, vector<16xi32>,
      %swap3A_188 = vector.shape_cast %swap3A_187 : vector<16xi32> to vector<16xi32>
      %swap3A_189 = vector.shape_cast %and3A_185 : vector<16xi32> to vector<16xi32>
      tpu.vector_store %arg8[%swap3A_186], %swap3A_189 {strides = array<i32>} : memref<128xi32, #tpu.memory_space<vmem>>, vector<16xi32>,
      %dma_start3A = arith.constant 0 : i32
      %dma_start3A_190 = arith.constant 0 : i32
      %dma_start3A_191 = arith.constant 0 : i32
      %dma_start3A_192 = tpu.memref_slice %arg10[%dma_start3A, %dma_start3A_190, %dma_start3A_191] : memref<2x128x128xf32, #tpu.memory_space<vmem>> -> memref<1x128x128xf32, #tpu.memory_space<vmem>>
      %dma_start3A_193 = tpu.memref_squeeze %dma_start3A_192 : memref<1x128x128xf32, #tpu.memory_space<vmem>> -> memref<128x128xf32, #tpu.memory_space<vmem>>
      %dma_start3A_194 = arith.constant 0 : i32
      %dma_start3A_195 = arith.constant 0 : i32
      %dma_start3A_196 = tpu.memref_slice %arg2[%dma_start3A_194, %dma_start3A_195] : memref<10240x128xf32, #tpu.memory_space<hbm>> -> memref<10240x128xf32, #tpu.memory_space<hbm>>
      tpu.enqueue_indirect_dma source(%dma_start3A_196 : memref<10240x128xf32, #tpu.memory_space<hbm>>) target(%dma_start3A_193 : memref<128x128xf32, #tpu.memory_space<vmem>>) offsets(%arg6 : memref<128xi32, #tpu.memory_space<vmem>>) semaphore(%arg12 : memref<!tpu.dma_semaphore, #tpu.memory_space<semaphore_mem>>)
      %dma_wait3A = arith.constant 0 : i32
      %dma_wait3A_197 = arith.constant 0 : i32
      %dma_wait3A_198 = arith.constant 0 : i32
      %dma_wait3A_199 = tpu.memref_slice %arg10[%dma_wait3A, %dma_wait3A_197, %dma_wait3A_198] : memref<2x128x128xf32, #tpu.memory_space<vmem>> -> memref<1x128x128xf32, #tpu.memory_space<vmem>>
      %dma_wait3A_200 = tpu.memref_squeeze %dma_wait3A_199 : memref<1x128x128xf32, #tpu.memory_space<vmem>> -> memref<128x128xf32, #tpu.memory_space<vmem>>
      %dma_wait3A_201 = arith.constant 0 : i32
      %dma_wait3A_202 = arith.constant 0 : i32
      %dma_wait3A_203 = tpu.memref_slice %arg2[%dma_wait3A_201, %dma_wait3A_202] : memref<10240x128xf32, #tpu.memory_space<hbm>> -> memref<10240x128xf32, #tpu.memory_space<hbm>>
      tpu.wait_indirect_dma semaphore(%arg12 : memref<!tpu.dma_semaphore, #tpu.memory_space<semaphore_mem>>) src(%dma_wait3A_203 : memref<10240x128xf32, #tpu.memory_space<hbm>>) dst(%dma_wait3A_200 : memref<128x128xf32, #tpu.memory_space<vmem>>)
      %dma_start3A_204 = arith.constant 0 : i32
      %dma_start3A_205 = arith.constant 0 : i32
      %dma_start3A_206 = arith.constant 0 : i32
      %dma_start3A_207 = tpu.memref_slice %arg10[%dma_start3A_204, %dma_start3A_205, %dma_start3A_206] : memref<2x128x128xf32, #tpu.memory_space<vmem>> -> memref<1x128x128xf32, #tpu.memory_space<vmem>>
      %dma_start3A_208 = tpu.memref_squeeze %dma_start3A_207 : memref<1x128x128xf32, #tpu.memory_space<vmem>> -> memref<128x128xf32, #tpu.memory_space<vmem>>
      %dma_start3A_209 = arith.constant 0 : i32
      %dma_start3A_210 = arith.constant 0 : i32
      %dma_start3A_211 = tpu.memref_slice %arg11[%dma_start3A_209, %dma_start3A_210] : memref<10240x128xf32, #tpu.memory_space<vmem_shared>> -> memref<10240x128xf32, #tpu.memory_space<vmem_shared>>
      tpu.enqueue_indirect_dma source(%dma_start3A_208 : memref<128x128xf32, #tpu.memory_space<vmem>>) target(%dma_start3A_211 : memref<10240x128xf32, #tpu.memory_space<vmem_shared>>) offsets(%arg8 : memref<128xi32, #tpu.memory_space<vmem>>) semaphore(%arg14 : memref<!tpu.dma_semaphore, #tpu.memory_space<semaphore_mem>>) {add = true}
      %dma_wait3A_212 = arith.constant 0 : i32
      %dma_wait3A_213 = arith.constant 0 : i32
      %dma_wait3A_214 = arith.constant 0 : i32
      %dma_wait3A_215 = tpu.memref_slice %arg10[%dma_wait3A_212, %dma_wait3A_213, %dma_wait3A_214] : memref<2x128x128xf32, #tpu.memory_space<vmem>> -> memref<1x128x128xf32, #tpu.memory_space<vmem>>
      %dma_wait3A_216 = tpu.memref_squeeze %dma_wait3A_215 : memref<1x128x128xf32, #tpu.memory_space<vmem>> -> memref<128x128xf32, #tpu.memory_space<vmem>>
      %dma_wait3A_217 = arith.constant 0 : i32
      %dma_wait3A_218 = arith.constant 0 : i32
      %dma_wait3A_219 = tpu.memref_slice %arg11[%dma_wait3A_217, %dma_wait3A_218] : memref<10240x128xf32, #tpu.memory_space<vmem_shared>> -> memref<10240x128xf32, #tpu.memory_space<vmem_shared>>
      tpu.wait_indirect_dma semaphore(%arg14 : memref<!tpu.dma_semaphore, #tpu.memory_space<semaphore_mem>>) src(%dma_wait3A_216 : memref<128x128xf32, #tpu.memory_space<vmem>>) dst(%dma_wait3A_219 : memref<10240x128xf32, #tpu.memory_space<vmem_shared>>)
      %scan3A_220 = arith.constant 0 : i32
      scf.yield %scan3A_220 : i32
    }
    %scan3A_39 = arith.constant 80 : i32
    %barrier3A_40 = arith.constant 0 : index
    tpu.barrier barrier_id(%barrier3A_40)
    %mul3A_41 = arith.constant 640 : i32
    %mul3A_42 = arith.muli %arg1, %mul3A_41 : i32
    %mul3A_43 = arith.constant 10240 : i32
    %mul3A_44 = arith.muli %arg0, %mul3A_43 : i32
    %mul3A_45 = arith.constant 640 : i32
    %mul3A_46 = arith.muli %arg1, %mul3A_45 : i32
    %add3A_47 = arith.addi %mul3A_44, %mul3A_46 : i32
    "tpu.region"() ({
      %run_scoped3A_48 = tpu.sem_alloc : memref<!tpu.dma_semaphore, #tpu.memory_space<semaphore_mem>>
      %dma_start3A = arith.constant 0 : i32
      %dma_start3A_49 = tpu.memref_slice %arg4[%add3A_47, %dma_start3A] : memref<20480x128xf32, #tpu.memory_space<hbm>> -> memref<640x128xf32, #tpu.memory_space<hbm>>
      %dma_start3A_50 = arith.constant 0 : i32
      %dma_start3A_51 = tpu.memref_slice %arg11[%mul3A_42, %dma_start3A_50] : memref<10240x128xf32, #tpu.memory_space<vmem_shared>> -> memref<640x128xf32, #tpu.memory_space<vmem_shared>>
      tpu.enqueue_dma source(%dma_start3A_51 : memref<640x128xf32, #tpu.memory_space<vmem_shared>>) target(%dma_start3A_49 : memref<640x128xf32, #tpu.memory_space<hbm>>) target_semaphore(%run_scoped3A_48 : memref<!tpu.dma_semaphore, #tpu.memory_space<semaphore_mem>>)
      %dma_wait3A = arith.constant 0 : i32
      %dma_wait3A_52 = tpu.memref_slice %arg4[%add3A_47, %dma_wait3A] : memref<20480x128xf32, #tpu.memory_space<hbm>> -> memref<640x128xf32, #tpu.memory_space<hbm>>
      %dma_wait3A_53 = arith.constant 0 : i32
      %dma_wait3A_54 = tpu.memref_slice %arg11[%mul3A_42, %dma_wait3A_53] : memref<10240x128xf32, #tpu.memory_space<vmem_shared>> -> memref<640x128xf32, #tpu.memory_space<vmem_shared>>
      tpu.wait_dma2 semaphore(%run_scoped3A_48 : memref<!tpu.dma_semaphore, #tpu.memory_space<semaphore_mem>>) src(%dma_wait3A_54 : memref<640x128xf32, #tpu.memory_space<vmem_shared>>) dst(%dma_wait3A_52 : memref<640x128xf32, #tpu.memory_space<hbm>>)
      tpu.yield
    }) : () -> ()
    return
  }
}

module attributes {stable_mosaic.version = 14 : i64} {
  func.func @_t1_body(%arg0: i32, %arg1: memref<1024x128xf32, #tpu.memory_space<vmem>>, %arg2: memref<128x128xf32, #tpu.memory_space<vmem>>, %arg3: memref<1024x16xf32, #tpu.memory_space<vmem>>, %arg4: memref<1024x16xf32, #tpu.memory_space<vmem>>, %arg5: memref<1024x128xf32, #tpu.memory_space<vmem>>, %arg6: memref<1024x128xf32, #tpu.memory_space<vmem>>) attributes {dimension_semantics = [#tpu.dimension_semantics<arbitrary>], iteration_bounds = array<i64: 10>, scalar_prefetch = 0 : i64, scratch_operands = 0 : i64, tpu.core_type = #tpu.core_type<tc>, window_params = [{transform_indices = @transform_0, window_bounds = array<i64: 1024, 128>}, {pipeline_mode = #tpu.pipeline_mode<synchronous>, transform_indices = @transform_1, window_bounds = array<i64: 128, 128>}, {transform_indices = @transform_2, window_bounds = array<i64: 1024, 16>}, {transform_indices = @transform_3, window_bounds = array<i64: 1024, 16>}, {transform_indices = @transform_4, window_bounds = array<i64: 1024, 128>}, {transform_indices = @transform_5, window_bounds = array<i64: 1024, 128>}]} {
    %get3A = arith.constant 0 : index
    %get3A_0 = arith.constant 0 : index
    %get3A_1 = vector.load %arg3[%get3A, %get3A_0] : memref<1024x16xf32, #tpu.memory_space<vmem>>, vector<1024x1xf32>
    %get3A_2 = arith.constant 0 : index
    %get3A_3 = arith.constant 0 : index
    %get3A_4 = vector.load %arg4[%get3A_2, %get3A_3] : memref<1024x16xf32, #tpu.memory_space<vmem>>, vector<1024x1xf32>
    %add3A = arith.addf %get3A_1, %get3A_4 : vector<1024x1xf32>
    %add3A_5 = arith.constant 1.000000e+00 : f32
    %add3A_6 = vector.broadcast %add3A_5 : f32 to vector<1024x1xf32>
    %add3A_7 = arith.addf %add3A, %add3A_6 : vector<1024x1xf32>
    %mul3A = arith.constant 1024 : i32
    %mul3A_8 = arith.muli %arg0, %mul3A : i32
    %iota3A = tpu.iota {dimensions = array<i32: 0>} : vector<1024x1xi32>
    %add3A_9 = vector.broadcast %mul3A_8 : i32 to vector<1024x1xi32>
    %add3A_10 = arith.addi %add3A_9, %iota3A : vector<1024x1xi32>
    %lt3A = arith.constant 10000 : i32
    %lt3A_11 = vector.broadcast %lt3A : i32 to vector<1024x1xi32>
    %lt3A_12 = arith.cmpi slt, %add3A_10, %lt3A_11 : vector<1024x1xi32>
    %rsqrt3A = math.rsqrt %add3A_7 : vector<1024x1xf32>
    %jit3A = arith.constant 0.000000e+00 : f32
    %broadcast_in_dim3A = vector.broadcast %jit3A : f32 to vector<1024x1xf32>
    %select_n3A = arith.select %lt3A_12, %rsqrt3A, %broadcast_in_dim3A : vector<1024x1xi1>, vector<1024x1xf32>
    %broadcast_in_dim3A_13 = vector.shape_cast %select_n3A : vector<1024x1xf32> to vector<1024x1xf32>
    %broadcast_in_dim3A_14 = vector.broadcast %broadcast_in_dim3A_13 : vector<1024x1xf32> to vector<1024x128xf32>
    %swap3A = arith.constant 0 : index
    %swap3A_15 = arith.constant 0 : index
    %swap3A_16 = vector.load %arg6[%swap3A, %swap3A_15] : memref<1024x128xf32, #tpu.memory_space<vmem>>, vector<1024x128xf32>
    tpu.vector_store %arg6[%swap3A, %swap3A_15], %broadcast_in_dim3A_14 {strides = array<i32>} : memref<1024x128xf32, #tpu.memory_space<vmem>>, vector<1024x128xf32>,
    %get3A_17 = arith.constant 0 : index
    %get3A_18 = arith.constant 0 : index
    %get3A_19 = vector.load %arg1[%get3A_17, %get3A_18] : memref<1024x128xf32, #tpu.memory_space<vmem>>, vector<1024x128xf32>
    %get3A_20 = arith.constant 0 : index
    %get3A_21 = arith.constant 0 : index
    %get3A_22 = vector.load %arg2[%get3A_20, %get3A_21] : memref<128x128xf32, #tpu.memory_space<vmem>>, vector<128x128xf32>
    %dot_general3A = arith.constant dense<0.000000e+00> : vector<1024x128xf32>
    %dot_general3A_23 = tpu.matmul %get3A_19, %get3A_22, %dot_general3A {dimension_numbers = #tpu.dot_dimension_numbers<[1], [0], [0], [1], [0, 0, 1, 1], [], []>, transpose_lhs_hint = false} : vector<1024x128xf32>, vector<128x128xf32>, vector<1024x128xf32> -> vector<1024x128xf32>
    %mul3A_24 = arith.mulf %dot_general3A_23, %broadcast_in_dim3A_14 : vector<1024x128xf32>
    %swap3A_25 = arith.constant 0 : index
    %swap3A_26 = arith.constant 0 : index
    %swap3A_27 = vector.load %arg5[%swap3A_25, %swap3A_26] : memref<1024x128xf32, #tpu.memory_space<vmem>>, vector<1024x128xf32>
    tpu.vector_store %arg5[%swap3A_25, %swap3A_26], %mul3A_24 {strides = array<i32>} : memref<1024x128xf32, #tpu.memory_space<vmem>>, vector<1024x128xf32>,
    return
  }
  func.func @transform_0(%arg0: i32) -> (i32, i32) {
    %c0_i32 = arith.constant 0 : i32
    %c0_i32_0 = arith.constant 0 : i32
    return %arg0, %c0_i32 : i32, i32
  }
  func.func @transform_1(%arg0: i32) -> (i32, i32) {
    %c0_i32 = arith.constant 0 : i32
    %c0_i32_0 = arith.constant 0 : i32
    %c0_i32_1 = arith.constant 0 : i32
    return %c0_i32, %c0_i32_0 : i32, i32
  }
  func.func @transform_2(%arg0: i32) -> (i32, i32) {
    %c0_i32 = arith.constant 0 : i32
    %c0_i32_0 = arith.constant 0 : i32
    return %arg0, %c0_i32 : i32, i32
  }
  func.func @transform_3(%arg0: i32) -> (i32, i32) {
    %c0_i32 = arith.constant 0 : i32
    %c0_i32_0 = arith.constant 0 : i32
    return %arg0, %c0_i32 : i32, i32
  }
  func.func @transform_4(%arg0: i32) -> (i32, i32) {
    %c0_i32 = arith.constant 0 : i32
    %c0_i32_0 = arith.constant 0 : i32
    return %arg0, %c0_i32 : i32, i32
  }
  func.func @transform_5(%arg0: i32) -> (i32, i32) {
    %c0_i32 = arith.constant 0 : i32
    %c0_i32_0 = arith.constant 0 : i32
    return %arg0, %c0_i32 : i32, i32
  }
}

module attributes {stable_mosaic.version = 14 : i64} {
  func.func @_t2_body(%arg0: i32, %arg1: memref<1024x128xf32, #tpu.memory_space<vmem>>, %arg2: memref<1024x128xf32, #tpu.memory_space<vmem>>, %arg3: memref<1024x128xf32, #tpu.memory_space<vmem>>, %arg4: memref<1024x128xf32, #tpu.memory_space<vmem>>, %arg5: memref<1x128xf32, #tpu.memory_space<vmem>>, %arg6: memref<128x128xf32, #tpu.memory_space<vmem>>, %arg7: memref<1024x128xf32, #tpu.memory_space<vmem>>) attributes {dimension_semantics = [#tpu.dimension_semantics<arbitrary>], iteration_bounds = array<i64: 10>, scalar_prefetch = 0 : i64, scratch_operands = 0 : i64, tpu.core_type = #tpu.core_type<tc>, window_params = [{transform_indices = @transform_0, window_bounds = array<i64: 1024, 128>}, {transform_indices = @transform_1, window_bounds = array<i64: 1024, 128>}, {transform_indices = @transform_2, window_bounds = array<i64: 1024, 128>}, {transform_indices = @transform_3, window_bounds = array<i64: 1024, 128>}, {pipeline_mode = #tpu.pipeline_mode<synchronous>, transform_indices = @transform_4, window_bounds = array<i64: 1, 128>}, {pipeline_mode = #tpu.pipeline_mode<synchronous>, transform_indices = @transform_5, window_bounds = array<i64: 128, 128>}, {transform_indices = @transform_6, window_bounds = array<i64: 1024, 128>}]} {
    %get3A = arith.constant 0 : index
    %get3A_0 = arith.constant 0 : index
    %get3A_1 = vector.load %arg1[%get3A, %get3A_0] : memref<1024x128xf32, #tpu.memory_space<vmem>>, vector<1024x128xf32>
    %get3A_2 = arith.constant 0 : index
    %get3A_3 = arith.constant 0 : index
    %get3A_4 = vector.load %arg2[%get3A_2, %get3A_3] : memref<1024x128xf32, #tpu.memory_space<vmem>>, vector<1024x128xf32>
    %add3A = arith.addf %get3A_1, %get3A_4 : vector<1024x128xf32>
    %get3A_5 = arith.constant 0 : index
    %get3A_6 = arith.constant 0 : index
    %get3A_7 = vector.load %arg3[%get3A_5, %get3A_6] : memref<1024x128xf32, #tpu.memory_space<vmem>>, vector<1024x128xf32>
    %add3A_8 = arith.addf %add3A, %get3A_7 : vector<1024x128xf32>
    %get3A_9 = arith.constant 0 : index
    %get3A_10 = arith.constant 0 : index
    %get3A_11 = vector.load %arg4[%get3A_9, %get3A_10] : memref<1024x128xf32, #tpu.memory_space<vmem>>, vector<1024x128xf32>
    %mul3A = arith.mulf %add3A_8, %get3A_11 : vector<1024x128xf32>
    %get3A_12 = arith.constant 0 : index
    %get3A_13 = arith.constant 0 : index
    %get3A_14 = vector.load %arg5[%get3A_12, %get3A_13] : memref<1x128xf32, #tpu.memory_space<vmem>>, vector<1x128xf32>
    %add3A_15 = vector.broadcast %get3A_14 : vector<1x128xf32> to vector<1024x128xf32>
    %add3A_16 = arith.addf %mul3A, %add3A_15 : vector<1024x128xf32>
    %ge3A = arith.constant 0.000000e+00 : f32
    %ge3A_17 = vector.broadcast %ge3A : f32 to vector<1024x128xf32>
    %ge3A_18 = arith.cmpf oge, %add3A_16, %ge3A_17 : vector<1024x128xf32>
    %mul3A_19 = arith.constant 0.00999999977 : f32
    %mul3A_20 = vector.broadcast %mul3A_19 : f32 to vector<1024x128xf32>
    %mul3A_21 = arith.mulf %mul3A_20, %add3A_16 : vector<1024x128xf32>
    %select_n3A = arith.select %ge3A_18, %add3A_16, %mul3A_21 : vector<1024x128xi1>, vector<1024x128xf32>
    %get3A_22 = arith.constant 0 : index
    %get3A_23 = arith.constant 0 : index
    %get3A_24 = vector.load %arg6[%get3A_22, %get3A_23] : memref<128x128xf32, #tpu.memory_space<vmem>>, vector<128x128xf32>
    %dot_general3A = arith.constant dense<0.000000e+00> : vector<1024x128xf32>
    %dot_general3A_25 = tpu.matmul %select_n3A, %get3A_24, %dot_general3A {dimension_numbers = #tpu.dot_dimension_numbers<[1], [0], [0], [1], [0, 0, 1, 1], [], []>, transpose_lhs_hint = false} : vector<1024x128xf32>, vector<128x128xf32>, vector<1024x128xf32> -> vector<1024x128xf32>
    %get3A_26 = arith.constant 0 : index
    %get3A_27 = arith.constant 0 : index
    %get3A_28 = vector.load %arg4[%get3A_26, %get3A_27] : memref<1024x128xf32, #tpu.memory_space<vmem>>, vector<1024x128xf32>
    %mul3A_29 = arith.mulf %dot_general3A_25, %get3A_28 : vector<1024x128xf32>
    %swap3A = arith.constant 0 : index
    %swap3A_30 = arith.constant 0 : index
    %swap3A_31 = vector.load %arg7[%swap3A, %swap3A_30] : memref<1024x128xf32, #tpu.memory_space<vmem>>, vector<1024x128xf32>
    tpu.vector_store %arg7[%swap3A, %swap3A_30], %mul3A_29 {strides = array<i32>} : memref<1024x128xf32, #tpu.memory_space<vmem>>, vector<1024x128xf32>,
    return
  }
  func.func @transform_0(%arg0: i32) -> (i32, i32) {
    %c0_i32 = arith.constant 0 : i32
    %c0_i32_0 = arith.constant 0 : i32
    return %arg0, %c0_i32 : i32, i32
  }
  func.func @transform_1(%arg0: i32) -> (i32, i32) {
    %c0_i32 = arith.constant 0 : i32
    %c0_i32_0 = arith.constant 0 : i32
    return %arg0, %c0_i32 : i32, i32
  }
  func.func @transform_2(%arg0: i32) -> (i32, i32) {
    %c0_i32 = arith.constant 0 : i32
    %c0_i32_0 = arith.constant 0 : i32
    return %arg0, %c0_i32 : i32, i32
  }
  func.func @transform_3(%arg0: i32) -> (i32, i32) {
    %c0_i32 = arith.constant 0 : i32
    %c0_i32_0 = arith.constant 0 : i32
    return %arg0, %c0_i32 : i32, i32
  }
  func.func @transform_4(%arg0: i32) -> (i32, i32) {
    %c0_i32 = arith.constant 0 : i32
    %c0_i32_0 = arith.constant 0 : i32
    %c0_i32_1 = arith.constant 0 : i32
    return %c0_i32, %c0_i32_0 : i32, i32
  }
  func.func @transform_5(%arg0: i32) -> (i32, i32) {
    %c0_i32 = arith.constant 0 : i32
    %c0_i32_0 = arith.constant 0 : i32
    %c0_i32_1 = arith.constant 0 : i32
    return %c0_i32, %c0_i32_0 : i32, i32
  }
  func.func @transform_6(%arg0: i32) -> (i32, i32) {
    %c0_i32 = arith.constant 0 : i32
    %c0_i32_0 = arith.constant 0 : i32
    return %arg0, %c0_i32 : i32, i32
  }
}

module attributes {stable_mosaic.version = 14 : i64} {
  func.func @_t3_body(%arg0: i32, %arg1: memref<1024x128xf32, #tpu.memory_space<vmem>>, %arg2: memref<1024x128xf32, #tpu.memory_space<vmem>>, %arg3: memref<1024x128xf32, #tpu.memory_space<vmem>>, %arg4: memref<1024x128xf32, #tpu.memory_space<vmem>>, %arg5: memref<1x128xf32, #tpu.memory_space<vmem>>, %arg6: memref<1x1x1024xi32, #tpu.memory_space<vmem>>, %arg7: memref<256x128xf32, #tpu.memory_space<vmem>>, %arg8: memref<1x128xf32, #tpu.memory_space<vmem>>, %arg9: memref<128x128xf32, #tpu.memory_space<vmem>>, %arg10: memref<1x128xf32, #tpu.memory_space<vmem>>, %arg11: memref<64x128xf32, #tpu.memory_space<vmem>>, %arg12: memref<64x128xf32, #tpu.memory_space<vmem>>, %arg13: memref<64x256xf32, #tpu.memory_space<vmem>>, %arg14: memref<64x128xf32, #tpu.memory_space<vmem>>, %arg15: memref<64x128xf32, #tpu.memory_space<vmem>>) attributes {dimension_semantics = [#tpu.dimension_semantics<arbitrary>], iteration_bounds = array<i64: 10>, scalar_prefetch = 0 : i64, scratch_operands = 2 : i64, tpu.core_type = #tpu.core_type<tc>, window_params = [{transform_indices = @transform_0, window_bounds = array<i64: 1024, 128>}, {transform_indices = @transform_1, window_bounds = array<i64: 1024, 128>}, {transform_indices = @transform_2, window_bounds = array<i64: 1024, 128>}, {transform_indices = @transform_3, window_bounds = array<i64: 1024, 128>}, {pipeline_mode = #tpu.pipeline_mode<synchronous>, transform_indices = @transform_4, window_bounds = array<i64: 1, 128>}, {transform_indices = @transform_5, window_bounds = array<i64: 1, 1, 1024>}, {pipeline_mode = #tpu.pipeline_mode<synchronous>, transform_indices = @transform_6, window_bounds = array<i64: 256, 128>}, {pipeline_mode = #tpu.pipeline_mode<synchronous>, transform_indices = @transform_7, window_bounds = array<i64: 1, 128>}, {pipeline_mode = #tpu.pipeline_mode<synchronous>, transform_indices = @transform_8, window_bounds = array<i64: 128, 128>}, {pipeline_mode = #tpu.pipeline_mode<synchronous>, transform_indices = @transform_9, window_bounds = array<i64: 1, 128>}, {pipeline_mode = #tpu.pipeline_mode<synchronous>, transform_indices = @transform_10, window_bounds = array<i64: 64, 128>}, {pipeline_mode = #tpu.pipeline_mode<synchronous>, transform_indices = @transform_11, window_bounds = array<i64: 64, 128>}, {pipeline_mode = #tpu.pipeline_mode<synchronous>, transform_indices = @transform_12, window_bounds = array<i64: 64, 256>}]} {
    %eq3A = arith.constant 0 : i32
    %eq3A_0 = arith.cmpi eq, %arg0, %eq3A : i32
    %convert_element_type3A = arith.extui %eq3A_0 : i1 to i32
    %cond3A = arith.constant 0 : i32
    %cond3A_1 = arith.cmpi ne, %convert_element_type3A, %cond3A : i32
    scf.if %cond3A_1 {
      %broadcast_in_dim3A_51 = arith.constant 0.000000e+00 : f32
      %broadcast_in_dim3A_52 = vector.broadcast %broadcast_in_dim3A_51 : f32 to vector<64x128xf32>
      %swap3A_53 = arith.constant 0 : index
      %swap3A_54 = arith.constant 0 : index
      %swap3A_55 = vector.load %arg14[%swap3A_53, %swap3A_54] : memref<64x128xf32, #tpu.memory_space<vmem>>, vector<64x128xf32>
      tpu.vector_store %arg14[%swap3A_53, %swap3A_54], %broadcast_in_dim3A_52 {strides = array<i32>} : memref<64x128xf32, #tpu.memory_space<vmem>>, vector<64x128xf32>,
      %broadcast_in_dim3A_56 = arith.constant 0.000000e+00 : f32
      %broadcast_in_dim3A_57 = vector.broadcast %broadcast_in_dim3A_56 : f32 to vector<64x128xf32>
      %swap3A_58 = arith.constant 0 : index
      %swap3A_59 = arith.constant 0 : index
      %swap3A_60 = vector.load %arg15[%swap3A_58, %swap3A_59] : memref<64x128xf32, #tpu.memory_space<vmem>>, vector<64x128xf32>
      tpu.vector_store %arg15[%swap3A_58, %swap3A_59], %broadcast_in_dim3A_57 {strides = array<i32>} : memref<64x128xf32, #tpu.memory_space<vmem>>, vector<64x128xf32>,
    } else {
    }
    %get3A = arith.constant 0 : index
    %get3A_2 = arith.constant 0 : index
    %get3A_3 = vector.load %arg1[%get3A, %get3A_2] : memref<1024x128xf32, #tpu.memory_space<vmem>>, vector<1024x128xf32>
    %get3A_4 = arith.constant 0 : index
    %get3A_5 = arith.constant 0 : index
    %get3A_6 = vector.load %arg2[%get3A_4, %get3A_5] : memref<1024x128xf32, #tpu.memory_space<vmem>>, vector<1024x128xf32>
    %add3A = arith.addf %get3A_3, %get3A_6 : vector<1024x128xf32>
    %get3A_7 = arith.constant 0 : index
    %get3A_8 = arith.constant 0 : index
    %get3A_9 = vector.load %arg3[%get3A_7, %get3A_8] : memref<1024x128xf32, #tpu.memory_space<vmem>>, vector<1024x128xf32>
    %add3A_10 = arith.addf %add3A, %get3A_9 : vector<1024x128xf32>
    %get3A_11 = arith.constant 0 : index
    %get3A_12 = arith.constant 0 : index
    %get3A_13 = vector.load %arg4[%get3A_11, %get3A_12] : memref<1024x128xf32, #tpu.memory_space<vmem>>, vector<1024x128xf32>
    %mul3A = arith.mulf %add3A_10, %get3A_13 : vector<1024x128xf32>
    %get3A_14 = arith.constant 0 : index
    %get3A_15 = arith.constant 0 : index
    %get3A_16 = vector.load %arg5[%get3A_14, %get3A_15] : memref<1x128xf32, #tpu.memory_space<vmem>>, vector<1x128xf32>
    %add3A_17 = vector.broadcast %get3A_16 : vector<1x128xf32> to vector<1024x128xf32>
    %add3A_18 = arith.addf %mul3A, %add3A_17 : vector<1024x128xf32>
    %get3A_19 = arith.constant 0 : index
    %get3A_20 = arith.constant 0 : index
    %get3A_21 = arith.constant 0 : index
    %get3A_22 = vector.load %arg6[%get3A_19, %get3A_20, %get3A_21] : memref<1x1x1024xi32, #tpu.memory_space<vmem>>, vector<1x1x1024xi32>
    %get3A_23 = vector.shape_cast %get3A_22 : vector<1x1x1024xi32> to vector<1024xi32>
    %iota3A = tpu.iota {dimensions = array<i32: 0>} : vector<64x1024xi32>
    %broadcast_in_dim3A = vector.shape_cast %get3A_23 : vector<1024xi32> to vector<1x1024xi32>
    %eq3A_24 = vector.broadcast %broadcast_in_dim3A : vector<1x1024xi32> to vector<64x1024xi32>
    %eq3A_25 = arith.cmpi eq, %iota3A, %eq3A_24 : vector<64x1024xi32>
    %convert_element_type3A_26 = arith.extui %eq3A_25 : vector<64x1024xi1> to vector<64x1024xi32>
    %convert_element_type3A_27 = arith.sitofp %convert_element_type3A_26 : vector<64x1024xi32> to vector<64x1024xf32>
    %get3A_28 = arith.constant 0 : index
    %get3A_29 = arith.constant 0 : index
    %get3A_30 = vector.load %arg14[%get3A_28, %get3A_29] : memref<64x128xf32, #tpu.memory_space<vmem>>, vector<64x128xf32>
    %dot_general3A = arith.constant dense<0.000000e+00> : vector<64x128xf32>
    %dot_general3A_31 = tpu.matmul %convert_element_type3A_27, %add3A_18, %dot_general3A {dimension_numbers = #tpu.dot_dimension_numbers<[1], [0], [0], [1], [0, 0, 1, 1], [], []>, transpose_lhs_hint = false} : vector<64x1024xf32>, vector<1024x128xf32>, vector<64x128xf32> -> vector<64x128xf32>
    %add3A_32 = arith.addf %get3A_30, %dot_general3A_31 : vector<64x128xf32>
    %swap3A = arith.constant 0 : index
    %swap3A_33 = arith.constant 0 : index
    %swap3A_34 = vector.load %arg14[%swap3A, %swap3A_33] : memref<64x128xf32, #tpu.memory_space<vmem>>, vector<64x128xf32>
    tpu.vector_store %arg14[%swap3A, %swap3A_33], %add3A_32 {strides = array<i32>} : memref<64x128xf32, #tpu.memory_space<vmem>>, vector<64x128xf32>,
    %get3A_35 = arith.constant 0 : index
    %get3A_36 = arith.constant 0 : index
    %get3A_37 = vector.load %arg15[%get3A_35, %get3A_36] : memref<64x128xf32, #tpu.memory_space<vmem>>, vector<64x128xf32>
    %reduce_sum3A = arith.constant dense<0.000000e+00> : vector<64xf32>
    %reduce_sum3A_38 = vector.multi_reduction <add>, %convert_element_type3A_27, %reduce_sum3A [1] : vector<64x1024xf32> to vector<64xf32>
    %broadcast_in_dim3A_39 = vector.shape_cast %reduce_sum3A_38 : vector<64xf32> to vector<64x1xf32>
    %broadcast_in_dim3A_40 = vector.shape_cast %broadcast_in_dim3A_39 : vector<64x1xf32> to vector<64x1xf32>
    %broadcast_in_dim3A_41 = vector.broadcast %broadcast_in_dim3A_40 : vector<64x1xf32> to vector<64x128xf32>
    %add3A_42 = arith.addf %get3A_37, %broadcast_in_dim3A_41 : vector<64x128xf32>
    %swap3A_43 = arith.constant 0 : index
    %swap3A_44 = arith.constant 0 : index
    %swap3A_45 = vector.load %arg15[%swap3A_43, %swap3A_44] : memref<64x128xf32, #tpu.memory_space<vmem>>, vector<64x128xf32>
    tpu.vector_store %arg15[%swap3A_43, %swap3A_44], %add3A_42 {strides = array<i32>} : memref<64x128xf32, #tpu.memory_space<vmem>>, vector<64x128xf32>,
    %eq3A_46 = arith.constant 9 : i32
    %eq3A_47 = arith.cmpi eq, %arg0, %eq3A_46 : i32
    %convert_element_type3A_48 = arith.extui %eq3A_47 : i1 to i32
    %cond3A_49 = arith.constant 0 : i32
    %cond3A_50 = arith.cmpi ne, %convert_element_type3A_48, %cond3A_49 : i32
    scf.if %cond3A_50 {
      %get3A_51 = arith.constant 0 : index
      %get3A_52 = arith.constant 0 : index
      %get3A_53 = vector.load %arg14[%get3A_51, %get3A_52] : memref<64x128xf32, #tpu.memory_space<vmem>>, vector<64x128xf32>
      %get3A_54 = arith.constant 0 : index
      %get3A_55 = arith.constant 0 : index
      %get3A_56 = vector.load %arg15[%get3A_54, %get3A_55] : memref<64x128xf32, #tpu.memory_space<vmem>>, vector<64x128xf32>
      %slice3A = vector.extract_strided_slice %get3A_56 {offsets = [0, 0], sizes = [64, 1], strides = [1, 1]} : vector<64x128xf32> to vector<64x1xf32>
      %max3A = arith.constant 1.000000e+00 : f32
      %max3A_57 = vector.broadcast %max3A : f32 to vector<64x1xf32>
      %max3A_58 = arith.maximumf %slice3A, %max3A_57 : vector<64x1xf32>
      %div3A = vector.broadcast %max3A_58 : vector<64x1xf32> to vector<64x128xf32>
      %div3A_59 = arith.divf %get3A_53, %div3A : vector<64x128xf32>
      %concatenate3A = tpu.concatenate %get3A_53, %div3A_59 in 1 : vector<64x128xf32>, vector<64x128xf32> -> vector<64x256xf32>
      %swap3A_60 = arith.constant 0 : index
      %swap3A_61 = arith.constant 0 : index
      %swap3A_62 = vector.load %arg13[%swap3A_60, %swap3A_61] : memref<64x256xf32, #tpu.memory_space<vmem>>, vector<64x256xf32>
      tpu.vector_store %arg13[%swap3A_60, %swap3A_61], %concatenate3A {strides = array<i32>} : memref<64x256xf32, #tpu.memory_space<vmem>>, vector<64x256xf32>,
      %get3A_63 = arith.constant 0 : index
      %get3A_64 = arith.constant 0 : index
      %get3A_65 = vector.load %arg7[%get3A_63, %get3A_64] : memref<256x128xf32, #tpu.memory_space<vmem>>, vector<256x128xf32>
      %dot_general3A_66 = arith.constant dense<0.000000e+00> : vector<64x128xf32>
      %dot_general3A_67 = tpu.matmul %concatenate3A, %get3A_65, %dot_general3A_66 {dimension_numbers = #tpu.dot_dimension_numbers<[1], [0], [0], [1], [0, 0, 1, 1], [], []>, transpose_lhs_hint = false} : vector<64x256xf32>, vector<256x128xf32>, vector<64x128xf32> -> vector<64x128xf32>
      %get3A_68 = arith.constant 0 : index
      %get3A_69 = arith.constant 0 : index
      %get3A_70 = vector.load %arg8[%get3A_68, %get3A_69] : memref<1x128xf32, #tpu.memory_space<vmem>>, vector<1x128xf32>
      %add3A_71 = vector.broadcast %get3A_70 : vector<1x128xf32> to vector<64x128xf32>
      %add3A_72 = arith.addf %dot_general3A_67, %add3A_71 : vector<64x128xf32>
      %max3A_73 = arith.constant 0.000000e+00 : f32
      %max3A_74 = vector.broadcast %max3A_73 : f32 to vector<64x128xf32>
      %max3A_75 = arith.maximumf %add3A_72, %max3A_74 : vector<64x128xf32>
      %get3A_76 = arith.constant 0 : index
      %get3A_77 = arith.constant 0 : index
      %get3A_78 = vector.load %arg9[%get3A_76, %get3A_77] : memref<128x128xf32, #tpu.memory_space<vmem>>, vector<128x128xf32>
      %dot_general3A_79 = arith.constant dense<0.000000e+00> : vector<64x128xf32>
      %dot_general3A_80 = tpu.matmul %max3A_75, %get3A_78, %dot_general3A_79 {dimension_numbers = #tpu.dot_dimension_numbers<[1], [0], [0], [1], [0, 0, 1, 1], [], []>, transpose_lhs_hint = false} : vector<64x128xf32>, vector<128x128xf32>, vector<64x128xf32> -> vector<64x128xf32>
      %get3A_81 = arith.constant 0 : index
      %get3A_82 = arith.constant 0 : index
      %get3A_83 = vector.load %arg10[%get3A_81, %get3A_82] : memref<1x128xf32, #tpu.memory_space<vmem>>, vector<1x128xf32>
      %add3A_84 = vector.broadcast %get3A_83 : vector<1x128xf32> to vector<64x128xf32>
      %add3A_85 = arith.addf %dot_general3A_80, %add3A_84 : vector<64x128xf32>
      %swap3A_86 = arith.constant 0 : index
      %swap3A_87 = arith.constant 0 : index
      %swap3A_88 = vector.load %arg11[%swap3A_86, %swap3A_87] : memref<64x128xf32, #tpu.memory_space<vmem>>, vector<64x128xf32>
      tpu.vector_store %arg11[%swap3A_86, %swap3A_87], %add3A_85 {strides = array<i32>} : memref<64x128xf32, #tpu.memory_space<vmem>>, vector<64x128xf32>,
      %iota3A_89 = tpu.iota {dimensions = array<i32: 1>} : vector<64x128xi32>
      %lt3A = arith.constant 10 : i32
      %lt3A_90 = vector.broadcast %lt3A : i32 to vector<64x128xi32>
      %lt3A_91 = arith.cmpi slt, %iota3A_89, %lt3A_90 : vector<64x128xi32>
      %jit3A = arith.constant -1.000000e+30 : f32
      %broadcast_in_dim3A_92 = vector.broadcast %jit3A : f32 to vector<64x128xf32>
      %select_n3A = arith.select %lt3A_91, %add3A_85, %broadcast_in_dim3A_92 : vector<64x128xi1>, vector<64x128xf32>
      %reduce_max3A = arith.constant dense<0xFF800000> : vector<64xf32>
      %reduce_max3A_93 = vector.multi_reduction <maximumf>, %select_n3A, %reduce_max3A [1] : vector<64x128xf32> to vector<64xf32>
      %broadcast_in_dim3A_94 = vector.shape_cast %reduce_max3A_93 : vector<64xf32> to vector<64x1xf32>
      %sub3A = vector.broadcast %broadcast_in_dim3A_94 : vector<64x1xf32> to vector<64x128xf32>
      %sub3A_95 = arith.subf %select_n3A, %sub3A : vector<64x128xf32>
      %exp3A = math.exp %sub3A_95 : vector<64x128xf32>
      %reduce_sum3A_96 = arith.constant dense<0.000000e+00> : vector<64xf32>
      %reduce_sum3A_97 = vector.multi_reduction <add>, %exp3A, %reduce_sum3A_96 [1] : vector<64x128xf32> to vector<64xf32>
      %broadcast_in_dim3A_98 = vector.shape_cast %reduce_sum3A_97 : vector<64xf32> to vector<64x1xf32>
      %div3A_99 = vector.broadcast %broadcast_in_dim3A_98 : vector<64x1xf32> to vector<64x128xf32>
      %div3A_100 = arith.divf %exp3A, %div3A_99 : vector<64x128xf32>
      %swap3A_101 = arith.constant 0 : index
      %swap3A_102 = arith.constant 0 : index
      %swap3A_103 = vector.load %arg12[%swap3A_101, %swap3A_102] : memref<64x128xf32, #tpu.memory_space<vmem>>, vector<64x128xf32>
      tpu.vector_store %arg12[%swap3A_101, %swap3A_102], %div3A_100 {strides = array<i32>} : memref<64x128xf32, #tpu.memory_space<vmem>>, vector<64x128xf32>,
    } else {
    }
    return
  }
  func.func @transform_0(%arg0: i32) -> (i32, i32) {
    %c0_i32 = arith.constant 0 : i32
    %c0_i32_0 = arith.constant 0 : i32
    return %arg0, %c0_i32 : i32, i32
  }
  func.func @transform_1(%arg0: i32) -> (i32, i32) {
    %c0_i32 = arith.constant 0 : i32
    %c0_i32_0 = arith.constant 0 : i32
    return %arg0, %c0_i32 : i32, i32
  }
  func.func @transform_2(%arg0: i32) -> (i32, i32) {
    %c0_i32 = arith.constant 0 : i32
    %c0_i32_0 = arith.constant 0 : i32
    return %arg0, %c0_i32 : i32, i32
  }
  func.func @transform_3(%arg0: i32) -> (i32, i32) {
    %c0_i32 = arith.constant 0 : i32
    %c0_i32_0 = arith.constant 0 : i32
    return %arg0, %c0_i32 : i32, i32
  }
  func.func @transform_4(%arg0: i32) -> (i32, i32) {
    %c0_i32 = arith.constant 0 : i32
    %c0_i32_0 = arith.constant 0 : i32
    %c0_i32_1 = arith.constant 0 : i32
    return %c0_i32, %c0_i32_0 : i32, i32
  }
  func.func @transform_5(%arg0: i32) -> (i32, i32, i32) {
    %c0_i32 = arith.constant 0 : i32
    %c0_i32_0 = arith.constant 0 : i32
    %c0_i32_1 = arith.constant 0 : i32
    return %arg0, %c0_i32, %c0_i32_0 : i32, i32, i32
  }
  func.func @transform_6(%arg0: i32) -> (i32, i32) {
    %c0_i32 = arith.constant 0 : i32
    %c0_i32_0 = arith.constant 0 : i32
    %c0_i32_1 = arith.constant 0 : i32
    return %c0_i32, %c0_i32_0 : i32, i32
  }
  func.func @transform_7(%arg0: i32) -> (i32, i32) {
    %c0_i32 = arith.constant 0 : i32
    %c0_i32_0 = arith.constant 0 : i32
    %c0_i32_1 = arith.constant 0 : i32
    return %c0_i32, %c0_i32_0 : i32, i32
  }
  func.func @transform_8(%arg0: i32) -> (i32, i32) {
    %c0_i32 = arith.constant 0 : i32
    %c0_i32_0 = arith.constant 0 : i32
    %c0_i32_1 = arith.constant 0 : i32
    return %c0_i32, %c0_i32_0 : i32, i32
  }
  func.func @transform_9(%arg0: i32) -> (i32, i32) {
    %c0_i32 = arith.constant 0 : i32
    %c0_i32_0 = arith.constant 0 : i32
    %c0_i32_1 = arith.constant 0 : i32
    return %c0_i32, %c0_i32_0 : i32, i32
  }
  func.func @transform_10(%arg0: i32) -> (i32, i32) {
    %c0_i32 = arith.constant 0 : i32
    %c0_i32_0 = arith.constant 0 : i32
    %c0_i32_1 = arith.constant 0 : i32
    return %c0_i32, %c0_i32_0 : i32, i32
  }
  func.func @transform_11(%arg0: i32) -> (i32, i32) {
    %c0_i32 = arith.constant 0 : i32
    %c0_i32_0 = arith.constant 0 : i32
    %c0_i32_1 = arith.constant 0 : i32
    return %c0_i32, %c0_i32_0 : i32, i32
  }
  func.func @transform_12(%arg0: i32) -> (i32, i32) {
    %c0_i32 = arith.constant 0 : i32
    %c0_i32_0 = arith.constant 0 : i32
    %c0_i32_1 = arith.constant 0 : i32
    return %c0_i32, %c0_i32_0 : i32, i32
  }
}

</mosaic_0001>

<sc_bundles>
// kernel: kernel.10.cloned.1.call-start
scs
__scs_entry_jumppad:
0x0: {  	(pc) =	sbr.rel $0x88, $3  }
0x1: {  	(tag) =	ssettag $0x0;
	lr =	simm.s32 $0x1  }
0x2: {  	[smem:$0x3F94] =	sst lr;
	_ =	strace $0xD0000000  }
0x3: {  	_ = 	snop  }
0x4: {  	_ = 	snop  }
0x5: {  	_ = 	snop  }
0x6: {  	_ = 	snop  }
0x7: {  	_ = 	snop  }
__scs_overlays_trampoline_lowered:
0x8: {  	[smem:$0x3FA3] =	sst s0  }
0x9: {  	[smem:$0x3FA4] =	sst s1  }
0xa: {  	[smem:$0x3FA5] =	sst s2  }
0xb: {  	[smem:$0x3FA6] =	sst s3  }
0xc: {  	[smem:$0x3FA7] =	sst s4  }
0xd: {  	[smem:$0x3FA8] =	sst s5  }
0xe: {  	[smem:$0x3FA9] =	sst s6  }
0xf: {  	[smem:$0x3FAA] =	sst s7  }
0x10: {  	[smem:$0x3FAB] =	sst s8  }
0x11: {  	[smem:$0x3FAC] =	sst s9;
	s0 =	simm.s32 @!p0 $0x0  }
0x12: {  	s1 =	sld [smem:$0x3F92];
	s0 =	simm.s32 @p0 $0x1  }
0x13: {  	[smem:$0x3FAD] =	sst s0;
	s0 =	simm.s32 @!p1 $0x0  }
0x14: {  	s2 =	sld [smem:$0x3F91];
	s0 =	simm.s32 @p1 $0x1  }
0x15: {  	[smem:$0x3FAE] =	sst s0;
	s0 =	simm.s32 @!p2 $0x0  }
0x16: {  	s3 =	sld [smem:$0x3FDB];
	s0 =	simm.s32 @p2 $0x1  }
0x17: {  	s4 =	simm.s32 $0x1BF5;
	[smem:$0x3FB0] =	sst s0  }
0x18: {  	s0 =	sld [smem:$0x3F93];
	_ =	swait.ge [sflag:s4], $0x0  }
0x19: {  	s7 =	sld [smem:$0x3F94]  }
0x1a: {  	s8 =	sadd.s32 $0xFFFFE003, lr  }
0x1b: {  	s9 =	sadd.s32 $0xFFFFFEF7, lr;
	s5 =	simm.s32 $0xFFFFFFFF;
	p2 =	slt.u32 s8, $0xFFFFF086  }
0x1c: {  	p1 =	slt.u32 s9, $0xF7A;
	s5 =	simm.s32 @!p2 $0x0  }
0x1d: {  	s5 =	simm.s32 @p1 $0x1;
	p0 =	seq.s32 s7, s2  }
0x1e: {  	s7 =	smul.u32 @!p0 $0xF7A, s2;
	p2 =	seq.s32 @!p0 s5, $0x0  }
0x1f: {  	s9 =	smul.u32 $0xF7A, s1;
	s8 =	simm.s32 @!p0 $0x1BF5;
	p2 =	por !p2, p0  }
0x20: {  	[sflag:s8] =	ssyncset.s32 @!p0 $0xFFFFF086;
	s6 =	sadd.s32 @!p0 s3, s7;
	s7 =	simm.s32 @!p0 $0x108  }
0x21: {  	s3 =	sadd.s32 s3, s9;
	s6 =	sadd.s32 @!p0 $0x88, s6;
	s7 =	simm.s32 @p2 $0x1082  }
0x22: {  	[simem:s7], [sflag:s8] =	dma.local @!p0 [hbm:s6], $0xF7A  }
0x23: {  	s9 =	sor.u32 $0xD0000000, s2;
	s6 =	simm.s32 $0x108;
	_ =	swait.ge @!p0 [sflag:s8], $0x0  }
0x24: {  	s3 =	sadd.s32 $0x88, s3;
	s6 =	simm.s32 @!p1 $0x1082;
	[sflag:s4] =	ssyncset.s32 $0xFFFFF086  }
0x25: {  	[simem:s6], [sflag:s4] =	dma.local [hbm:s3], $0xF7A  }
0x26: {  	[smem:$0x3F94] =	sst s1;
	(tag) =	ssettag s2;
	_ =	strace s9  }
0x27: {  	s1 =	sld [smem:$0x3FA4]  }
0x28: {  	s2 =	sld [smem:$0x3FA5]  }
0x29: {  	s4 =	sld [smem:$0x3FA7]  }
0x2a: {  	p0 =	seq.s32 s5, $0x0;
	s5 =	sld [smem:$0x3FA8]  }
0x2b: {  	s6 =	sld [smem:$0x3FA9]  }
0x2c: {  	s7 =	sld [smem:$0x3FAA]  }
0x2d: {  	s3 =	simm.s32 $0x108;
	s8 =	sld [smem:$0x3FAB]  }
0x2e: {  	s3 =	simm.s32 @!p0 $0x1082;
	s9 =	sld [smem:$0x3FAC]  }
0x2f: {  	lr =	sadd.s32 s0, s3;
	s0 =	sld [smem:$0x3FA3]  }
0x30: {  	s3 =	sld [smem:$0x3FA6]  }
0x31: {  	[smem:$0x3FAF] =	sst s10  }
0x32: {  	s10 =	sld [smem:$0x3FAD];
	_ =	sdelay $0x3  }
0x33: {  	p0 =	seq.s32 s10, $0x1;
	s10 =	sld [smem:$0x3FAF];
	_ =	sdelay $0x3  }
0x34: {  	[smem:$0x3FAF] =	sst s10  }
0x35: {  	s10 =	sld [smem:$0x3FAE];
	_ =	sdelay $0x3  }
0x36: {  	p1 =	seq.s32 s10, $0x1;
	s10 =	sld [smem:$0x3FAF];
	_ =	sdelay $0x3  }
0x37: {  	[smem:$0x3FAF] =	sst s10  }
0x38: {  	s10 =	sld [smem:$0x3FB0]  }
0x39: {  	_ = 	snop;
	(pc) =	sbr.ind lr, $3  }
0x3a: {  	_ = 	snop  }
0x3b: {  	_ = 	snop  }
0x3c: {  	p2 =	seq.s32 s10, $0x1;
	s10 =	sld [smem:$0x3FAF]  }
0x3d: {  	_ =	shalt  }
0x3e: {  	_ =	shalt  }
0x3f: {  	_ =	shalt  }
0x40: {  	_ =	shalt  }
0x41: {  	_ =	shalt  }
0x42: {  	_ =	shalt  }
0x43: {  	_ =	shalt  }
0x44: {  	_ =	shalt  }
0x45: {  	_ =	shalt  }
0x46: {  	_ =	shalt  }
0x47: {  	_ =	shalt  }
0x48: {  	_ =	shalt  }
0x49: {  	_ =	shalt  }
0x4a: {  	_ =	shalt  }
0x4b: {  	_ =	shalt  }
0x4c: {  	_ =	shalt  }
0x4d: {  	_ =	shalt  }
0x4e: {  	_ =	shalt  }
0x4f: {  	_ =	shalt  }
0x50: {  	_ =	shalt  }
0x51: {  	_ =	shalt  }
0x52: {  	_ =	shalt  }
0x53: {  	_ =	shalt  }
0x54: {  	_ =	shalt  }
0x55: {  	_ =	shalt  }
0x56: {  	_ =	shalt  }
0x57: {  	_ =	shalt  }
0x58: {  	_ =	shalt  }
0x59: {  	_ =	shalt  }
0x5a: {  	_ =	shalt  }
0x5b: {  	_ =	shalt  }
0x5c: {  	_ =	shalt  }
0x5d: {  	_ =	shalt  }
0x5e: {  	_ =	shalt  }
0x5f: {  	_ =	shalt  }
0x60: {  	_ =	shalt  }
0x61: {  	_ =	shalt  }
0x62: {  	_ =	shalt  }
0x63: {  	_ =	shalt  }
0x64: {  	_ =	shalt  }
0x65: {  	_ =	shalt  }
0x66: {  	_ =	shalt  }
0x67: {  	_ =	shalt  }
0x68: {  	_ =	shalt  }
0x69: {  	_ =	shalt  }
0x6a: {  	_ =	shalt  }
0x6b: {  	_ =	shalt  }
0x6c: {  	_ =	shalt  }
0x6d: {  	_ =	shalt  }
0x6e: {  	_ =	shalt  }
0x6f: {  	_ =	shalt  }
0x70: {  	_ =	shalt  }
0x71: {  	_ =	shalt  }
0x72: {  	_ =	shalt  }
0x73: {  	_ =	shalt  }
0x74: {  	_ =	shalt  }
0x75: {  	_ =	shalt  }
0x76: {  	_ =	shalt  }
0x77: {  	_ =	shalt  }
0x78: {  	_ =	shalt  }
0x79: {  	_ =	shalt  }
0x7a: {  	_ =	shalt  }
0x7b: {  	_ =	shalt  }
0x7c: {  	_ =	shalt  }
0x7d: {  	_ =	shalt  }
0x7e: {  	_ =	shalt  }
0x7f: {  	_ =	shalt  }
0x80: {  	_ =	shalt  }
0x81: {  	_ =	shalt  }
0x82: {  	_ =	shalt  }
0x83: {  	_ =	shalt  }
0x84: {  	_ =	shalt  }
0x85: {  	_ =	shalt  }
0x86: {  	_ =	shalt  }
0x87: {  	_ =	shalt  }
.Lfunc_end0:
.L_simem_size_0:
called_computation_lowered:
.L_overlay_start_0:
0x88: {  	s2 =	sld [smem:$0x3FD9]  }
0x89: {  	s3 =	sld [smem:$0x3FFE];
	_ =	sdelay $0x1  }
0x8a: {  	s1 =	srdreg.scid  }
0x8b: {  	s0 =	sand.u32 $0x1, s1  }
0x8c: {  	s16 =	sshll.u32 s0, $0xA;
	s2 =	sadd.s32 s3, s2  }
0x8d: {  	s2 =	sadd.s32 s2, s16  }
0x8e: {  	[smem:$0x3FBB] =	sst s2  }
0x8f: {  	_ = 	snop  }
0x90: {  	(tm) =	ssettm $0x1  }
0x91: {  	s17 =	sld [smem:$0x3FFB];
	_ =	sdelay $0x3  }
0x92: {  	_ =	strace s17  }
0x93: {  	s2 =	sld [smem:$0x3FFC];
	_ =	sdelay $0x3  }
0x94: {  	_ =	strace s2  }
0x95: {  	s2 =	sld [smem:$0x3FFD];
	_ =	sdelay $0x3  }
0x96: {  	_ =	strace s2  }
0x97: {  	_ =	strace $0x8FFFFFFF  }
0x98: {  	s18 =	sld [smem:$0x3FDB];
	_ =	sdelay $0x1  }
0x99: {  	s19 =	simm.s32 $_scs_section_size  }
0x9a: {  	s4 =	simm.s32 $_size__tile_overlayer_lowered;
	s5 =	simm.s32 $_tile_overlayer_lowered  }
0x9b: {  	s22 =	simm.s32 $0x1BFF;
	s21 =	sshll.u32 s5, $0x1;
	s2 =	sadd.s32 s19, s18  }
0x9c: {  	s6 =	simm.s32 $0x0;
	s20 =	sshll.u32 s4, $0x1;
	s4 =	sadd.s32 s21, s2  }
0x9d: {  	[timem:s6], [sflag:s22] =	dma.local [hbm:s4], s20  }
0x9e: {  	_ =	swait.ge [sflag:s22], s20  }
0x9f: {  	s3 =	ssub.s32 $0x0, s20;
	[sflag:s22] =	ssyncset.done $0x0  }
0xa0: {  	[sflag:s22] =	ssyncadd.s32 s3;
	_ =	sdelay $0x1  }
0xa1: {  	s23 =	simm.s32 $0x1B8B  }
0xa2: {  	_ =	swait.ge [sflag:s23], $0x1  }
0xa3: {  	[sflag:s23] =	ssyncset.done $0x0  }
0xa4: {  	s25 =	simm.s32 $0x1B8E;
	s24 =	sld [smem:$0x3FFE];
	[sflag:s23] =	ssyncadd.s32 $0xFFFFFFFF  }
0xa5: {  	s26 =	simm.s32 $execute0_lowered;
	[smem:$0x3FD2] =	sst s25  }
0xa6: {  	s4 =	sshll.u32 s26, $0x1;
	_ =	strace $0x80000046;
	[dreg:$0x1] =	wrdreg $0xFFFFFFFF  }
0xa7: {  	s28 =	simm.s32 $_size_execute0_lowered;
	s2 =	sadd.s32 s2, s4;
	[dreg:$0x0] =	wrdreg $0x0  }
0xa8: {  	s4 =	sshll.u32 s28, $0x1;
	[dreg:$0x2] =	wrdreg s2  }
0xa9: {  	[dreg:$0x3] =	wrdreg s4  }
0xaa: {  	[dreg:$0x4] =	wrdreg $0xC0  }
0xab: {  	_ =	task [dreg:s6], $0x5FFFF  }
0xac: {  	[dreg:$0x1] =	wrdreg $0xFFFFFFFF  }
0xad: {  	[dreg:$0x0] =	wrdreg $0x60  }
0xae: {  	[dreg:$0x2] =	wrdreg s24  }
0xaf: {  	[dreg:$0x3] =	wrdreg $0x68800  }
0xb0: {  	[dreg:$0x4] =	wrdreg $0x9  }
0xb1: {  	_ =	task.clear_ibuf [dreg:s6], $0x5FFFF;
	_ =	strace $0x90000046  }
0xb2: {  	s29 =	simm.s32 $0x9;
	_ =	strace $0x80000048  }
0xb3: {  	_ =	swait.ge [sflag:s29], $0x1  }
0xb4: {  	[sflag:s29] =	ssyncadd.s32 $0xFFFFFFFF  }
0xb5: {  	_ =	strace $0x90000048  }
0xb6: {  	_ =	sfence  }
0xb7: {  	s30 =	sld [smem:$0x0];
	_ =	sdelay $0x2  }
0xb8: {  	s31 =	sshll.u32 s1, $0xD;
	s1 =	sshrl.u32 s1, $0x2  }
0xb9: {  	s3 =	sand.u32 $0x4000, s31;
	s1 =	sadd.s32 s1, s30  }
0xba: {  	s0 =	sor.u32 s3, s0;
	s1 =	sshll.u32 s1, $0x11  }
0xbb: {  	s0 =	sor.u32 s1, s0  }
0xbc: {  	s0 =	sadd.s32 $0x8F2B, s0  }
0xbd: {  	[sflag:s0] =	ssyncadd.remote.s32 $0x1  }
0xbe: {  	_ =	sfence.sel $0xFFFF  }
0xbf: {  	[dreg:$0x0] =	wrdreg $0xFFFFFFFF;
	(pc) =	sbr.abs _section_cstart, $3  }
0xc0: {  	[dreg:$0x1] =	wrdreg $0xFFFFFFFF  }
0xc1: {  	_ =	task.clear_ibuf [dreg:s6], $0x2FFFF;
	_ =	strace $0x9FFFFFFF  }
0xc2: {  	(tm) =	ssettm $0x7FFFFFFF  }
0xc3: {  	_ =	shalt  }
tec
execute0_lowered:
.L_overlay_start_1:
0x0: {  	(tag) =	ssettag $0x1  }
0x1: {  	s5 =	rddreg [dreg:$0x0]  }
0x2: {  	s0 =	srdreg.scid;
	s2 =	rddreg [dreg:$0x1]  }
0x3: {  	s3 =	simm.s32 $0x0;
	s12 =	simm.s32 $0x2;
	s13 =	simm.s32 $0x2880  }
0x4: {  	s14 =	simm.s32 $0x80;
	s4 =	sand.u32 $0x1, s0;
	s0 =	stileid.u32  }
0x5: {  	s15 =	simm.s32 $0x2800;
	s16 =	simm.s32 $0x1;
	s7 =	smul.u32 $0x2800, s0  }
0x6: {  	s19 =	simm.s32 $0x0;
	[smem:$0x7FF] =	sst s3;
	s8 =	smul.u32 $0x28000, s4  }
0x7: {  	s1 =	sshll.u32 s4, $0x4;
	s9 =	smul.u32 $0x50000, s0;
	s4 =	ssub.s32 $0x2, s4  }
0x8: {  	s17 =	sshll.u32 s0, $0x6;
	s1 =	sor.u32 s0, s1;
	s30 =	sshrl.u32 s4, $0x1  }
0x9: {  	s17 =	sor.u32 $0x1C02, s17;
	s6 =	smul.u32 $0x500, s1;
	s1 =	rddreg [dreg:$0x2]  }
0xa: {  	_ =	strace $0x80000047;
	s7 =	sadd.s32 s7, s8;
	s11 =	ssub.s32 s4, s30  }
0xb: {  	s31 =	sshrl.u32 s9, $0x2;
	s10 =	sadd.s32 s7, s5;
	s11 =	smax.u32 s11, $0x1  }
0xc: {  	s6 =	sadd.s32 s6, s5;
	s5 =	sadd.s32 s31, s2;
	s10 =	sadd.s32 $0xF800, s10  }
0xd: {  	s4 =	sadd.s32 $0x5800, s6;
	s6 =	sadd.s32 $0x4000, s5;
	s7 =	sadd.s32 $0x8000, s5  }
0xe: {  	v0 =	vimm.f32 $0.0e+00;
	v1 =	vimm.f32 $1.000000000e+00;
	s8 =	sadd.s32 $0xC000, s5;
	s9 =	sadd.s32 $0x10000, s5;
	s18 =	sshrl.u32 s5, $0x3  }
.LBB2_1:
0xf: {  	[tilespmem:s3], [sflag:$0x2] =	stream.linear.gather [hbm4b:s4+s3], $0x2800, $0x38;
	[tilespmem:$0x9080] =	vst v63  }
0x10: {  	_ =	swait.ge [sflag:s12], $0x2800  }
0x11: {  	[sflag:s12] =	ssyncset.done $0x0  }
0x12: {  	s20 =	simm.s32 $0x200;
	s21 =	simm.s32 $0x0;
	[sflag:s12] =	ssyncadd.s32 $0xFFFFD800  }
.LBB2_2:
0x13: {  	p0 =	sne.s32 s20, $0xFE00;
	[tilespmem:s21+$0x2880] =	vst v0;
	s21 =	smov.u32 s20;
	s20 =	sadd.s32 $0x200, s20  }
.Ltmp0:
0x14: {  	(pc) =	sbr.rel @p0 .LBB2_2-.Ltmp0, $2  }
0x15: {  	_ =	sdelay $0x2  }
0x16: {  	s21 =	sshra.s32 s21, $0x2  }
0x17: {  	[tilespmem:s21+$0x2880] =	vst v0  }
0x18: {  	[spmem:s5] =	stream.linear.scatter [tilespmem:s13], [sflag:$0x2], $0x4000, $0x38;
	[tilespmem:$0x9080] =	vst v63  }
0x19: {  	_ =	swait.ge [sflag:s12], $0x4000  }
0x1a: {  	[sflag:s12] =	ssyncset.done $0x0  }
0x1b: {  	[sflag:s12] =	ssyncadd.s32 $0xFFFFC000  }
0x1c: {  	[spmem:s6] =	stream.linear.scatter [tilespmem:s13], [sflag:$0x2], $0x4000, $0x38;
	[tilespmem:$0x9080] =	vst v63  }
0x1d: {  	_ =	swait.ge [sflag:s12], $0x4000  }
0x1e: {  	[sflag:s12] =	ssyncset.done $0x0  }
0x1f: {  	[sflag:s12] =	ssyncadd.s32 $0xFFFFC000  }
0x20: {  	[spmem:s7] =	stream.linear.scatter [tilespmem:s13], [sflag:$0x2], $0x4000, $0x38;
	[tilespmem:$0x9080] =	vst v63  }
0x21: {  	_ =	swait.ge [sflag:s12], $0x4000  }
0x22: {  	[sflag:s12] =	ssyncset.done $0x0  }
0x23: {  	[sflag:s12] =	ssyncadd.s32 $0xFFFFC000  }
0x24: {  	[spmem:s8] =	stream.linear.scatter [tilespmem:s13], [sflag:$0x2], $0x4000, $0x38;
	[tilespmem:$0x9080] =	vst v63  }
0x25: {  	_ =	swait.ge [sflag:s12], $0x4000  }
0x26: {  	[sflag:s12] =	ssyncset.done $0x0  }
0x27: {  	[sflag:s12] =	ssyncadd.s32 $0xFFFFC000  }
0x28: {  	[spmem:s9] =	stream.linear.scatter [tilespmem:s13], [sflag:$0x2], $0x4000, $0x38;
	[tilespmem:$0x9080] =	vst v63  }
0x29: {  	_ =	swait.ge [sflag:s12], $0x4000  }
0x2a: {  	[sflag:s12] =	ssyncset.done $0x0  }
0x2b: {  	s20 =	simm.s32 $0x200;
	s21 =	simm.s32 $0x0;
	[sflag:s12] =	ssyncadd.s32 $0xFFFFC000  }
.LBB2_4:
0x2c: {  	p0 =	sne.s32 s20, $0xFE00;
	[tilespmem:s21+$0x2880] =	vst v1;
	s21 =	smov.u32 s20;
	s20 =	sadd.s32 $0x200, s20  }
.Ltmp1:
0x2d: {  	(pc) =	sbr.rel @p0 .LBB2_4-.Ltmp1, $2  }
0x2e: {  	_ =	sdelay $0x2  }
0x2f: {  	s21 =	sshra.s32 s21, $0x2  }
0x30: {  	[tilespmem:s21+$0x2880] =	vst v1  }
0x31: {  	s20 =	simm.s32 $0x0;
	[bflag:$0x0] =	sbarrier.arrive $0xFFFF  }
0x32: {  	v2 =	vld [tilespmem:s20+$0x0];
	_ =	sdelay $0x4  }
0x33: {  	v2 =	vand.u32 $0x3FFF, v2  }
0x34: {  	[tilespmem:$0x2800] =	vst v2  }
0x35: {  	v2 =	vld [tilespmem:s20+$0x10];
	_ =	sdelay $0x4  }
0x36: {  	v2 =	vand.u32 $0x3FFF, v2  }
0x37: {  	[tilespmem:$0x2810] =	vst v2  }
0x38: {  	v2 =	vld [tilespmem:s20+$0x20];
	_ =	sdelay $0x4  }
0x39: {  	v2 =	vand.u32 $0x3FFF, v2  }
0x3a: {  	[tilespmem:$0x2820] =	vst v2  }
0x3b: {  	v2 =	vld [tilespmem:s20+$0x30];
	_ =	sdelay $0x4  }
0x3c: {  	v2 =	vand.u32 $0x3FFF, v2  }
0x3d: {  	[tilespmem:$0x2830] =	vst v2  }
0x3e: {  	v2 =	vld [tilespmem:s20+$0x40];
	_ =	sdelay $0x4  }
0x3f: {  	v2 =	vand.u32 $0x3FFF, v2  }
0x40: {  	[tilespmem:$0x2840] =	vst v2  }
0x41: {  	v2 =	vld [tilespmem:s20+$0x50];
	_ =	sdelay $0x4  }
0x42: {  	v2 =	vand.u32 $0x3FFF, v2  }
0x43: {  	[tilespmem:$0x2850] =	vst v2  }
0x44: {  	v2 =	vld [tilespmem:s20+$0x60];
	_ =	sdelay $0x4  }
0x45: {  	v2 =	vand.u32 $0x3FFF, v2  }
0x46: {  	[tilespmem:$0x2860] =	vst v2  }
0x47: {  	v2 =	vld [tilespmem:s20+$0x70];
	_ =	sdelay $0x4  }
0x48: {  	v2 =	vand.u32 $0x3FFF, v2  }
0x49: {  	[tilespmem:$0x2870] =	vst v2  }
0x4a: {  	[spmem:s2] =	stream.indirect.scatter.add.f32 [tilespmem:s13], [sflag:$0x1], $0x10, s15, s14, $0xb8;
	[tilespmem:$0x9080] =	vst v63  }
0x4b: {  	_ =	swait.ge [sflag:s16], $0x800  }
0x4c: {  	s23 =	simm.s32 $0x400;
	s20 =	simm.s32 $0x200;
	[sflag:s16] =	ssyncset.done $0x0  }
.LBB2_6:
0x4d: {  	s22 =	sshra.s32 s20, $0x2  }
0x4e: {  	[sflag:s16] =	ssyncadd.s32 $0xFFFFF800;
	s20 =	smov.u32 s23;
	s21 =	sadd.s32 $0x200, s23  }
0x4f: {  	p0 =	sne.s32 s23, $0x9E00;
	v2 =	vld [tilespmem:s22+$0x0];
	_ =	sdelay $0x4  }
0x50: {  	v2 =	vand.u32 $0x3FFF, v2  }
0x51: {  	[tilespmem:$0x2800] =	vst v2  }
0x52: {  	v2 =	vld [tilespmem:s22+$0x10];
	_ =	sdelay $0x4  }
0x53: {  	v2 =	vand.u32 $0x3FFF, v2  }
0x54: {  	[tilespmem:$0x2810] =	vst v2  }
0x55: {  	v2 =	vld [tilespmem:s22+$0x20];
	_ =	sdelay $0x4  }
0x56: {  	v2 =	vand.u32 $0x3FFF, v2  }
0x57: {  	[tilespmem:$0x2820] =	vst v2  }
0x58: {  	v2 =	vld [tilespmem:s22+$0x30];
	_ =	sdelay $0x4  }
0x59: {  	v2 =	vand.u32 $0x3FFF, v2  }
0x5a: {  	[tilespmem:$0x2830] =	vst v2  }
0x5b: {  	v2 =	vld [tilespmem:s22+$0x40];
	_ =	sdelay $0x4  }
0x5c: {  	v2 =	vand.u32 $0x3FFF, v2  }
0x5d: {  	[tilespmem:$0x2840] =	vst v2  }
0x5e: {  	v2 =	vld [tilespmem:s22+$0x50];
	_ =	sdelay $0x4  }
0x5f: {  	v2 =	vand.u32 $0x3FFF, v2  }
0x60: {  	[tilespmem:$0x2850] =	vst v2  }
0x61: {  	v2 =	vld [tilespmem:s22+$0x60];
	_ =	sdelay $0x4  }
0x62: {  	v2 =	vand.u32 $0x3FFF, v2  }
0x63: {  	[tilespmem:$0x2860] =	vst v2  }
0x64: {  	v2 =	vld [tilespmem:s22+$0x70];
	_ =	sdelay $0x4  }
.Ltmp2:
0x65: {  	v2 =	vand.u32 $0x3FFF, v2;
	(pc) =	sbr.rel @p0 .LBB2_6-.Ltmp2, $4  }
0x66: {  	[tilespmem:$0x2870] =	vst v2  }
0x67: {  	[spmem:s2] =	stream.indirect.scatter.add.f32 [tilespmem:s13], [sflag:$0x1], $0x10, s15, s14, $0xb8;
	[tilespmem:$0x9080] =	vst v63  }
0x68: {  	_ =	swait.ge [sflag:s16], $0x800  }
0x69: {  	s23 =	smov.u32 s21;
	[sflag:s16] =	ssyncset.done $0x0  }
0x6a: {  	s20 =	sshra.s32 s20, $0x2;
	[sflag:s16] =	ssyncadd.s32 $0xFFFFF800  }
0x6b: {  	v2 =	vld [tilespmem:s20+$0x0];
	_ =	sdelay $0x4  }
0x6c: {  	v2 =	vand.u32 $0x3FFF, v2  }
0x6d: {  	[tilespmem:$0x2800] =	vst v2  }
0x6e: {  	v2 =	vld [tilespmem:s20+$0x10];
	_ =	sdelay $0x4  }
0x6f: {  	v2 =	vand.u32 $0x3FFF, v2  }
0x70: {  	[tilespmem:$0x2810] =	vst v2  }
0x71: {  	v2 =	vld [tilespmem:s20+$0x20];
	_ =	sdelay $0x4  }
0x72: {  	v2 =	vand.u32 $0x3FFF, v2  }
0x73: {  	[tilespmem:$0x2820] =	vst v2  }
0x74: {  	v2 =	vld [tilespmem:s20+$0x30];
	_ =	sdelay $0x4  }
0x75: {  	v2 =	vand.u32 $0x3FFF, v2  }
0x76: {  	[tilespmem:$0x2830] =	vst v2  }
0x77: {  	v2 =	vld [tilespmem:s20+$0x40];
	_ =	sdelay $0x4  }
0x78: {  	v2 =	vand.u32 $0x3FFF, v2  }
0x79: {  	[tilespmem:$0x2840] =	vst v2  }
0x7a: {  	v2 =	vld [tilespmem:s20+$0x50];
	_ =	sdelay $0x4  }
0x7b: {  	v2 =	vand.u32 $0x3FFF, v2  }
0x7c: {  	[tilespmem:$0x2850] =	vst v2  }
0x7d: {  	v2 =	vld [tilespmem:s20+$0x60];
	_ =	sdelay $0x4  }
0x7e: {  	v2 =	vand.u32 $0x3FFF, v2  }
0x7f: {  	[tilespmem:$0x2860] =	vst v2  }
0x80: {  	v2 =	vld [tilespmem:s20+$0x70];
	_ =	sdelay $0x4  }
0x81: {  	v2 =	vand.u32 $0x3FFF, v2  }
0x82: {  	[tilespmem:$0x2870] =	vst v2  }
0x83: {  	[spmem:s2] =	stream.indirect.scatter.add.f32 [tilespmem:s13], [sflag:$0x1], $0x10, s15, s14, $0xb8;
	[tilespmem:$0x9080] =	vst v63  }
0x84: {  	_ =	swait.ge [sflag:s16], $0x800  }
0x85: {  	s19 =	sadd.s32 $0x1, s19;
	[sflag:s16] =	ssyncset.done $0x0  }
0x86: {  	p0 =	sne.s32 s19, s11;
	[sflag:s16] =	ssyncadd.s32 $0xFFFFF800  }
.Ltmp3:
0x87: {  	[bflag:$0x0] =	sbarrier.arrive $0xFFFF;
	(pc) =	sbr.rel @p0 .LBB2_1-.Ltmp3, $4  }
0x88: {  	[hbm:s10], [sflag:s17] =	dma.local [spmem:s18], $0x2800  }
0x89: {  	_ =	swait.ge [sflag:s12], $0x2800  }
0x8a: {  	[sflag:s12] =	ssyncset.done $0x0  }
0x8b: {  	[sflag:s12] =	ssyncadd.s32 $0xFFFFD800  }
0x8c: {  	_ =	sfence.sel $0x180000  }
0x8d: {  	[bflag:$0x0] =	sbarrier.arrive $0xFFFF  }
0x8e: {  	p0 =	sne.s32 s0, $0x0;
	_ =	strace $0x90000047  }
0x8f: {  	s0 =	sadd.s32 @!p0 $0x100000, s1;
	[bflag:$0x2] =	sbarrier.arrive $0xFFFF  }
0x90: {  	[sflag:s0] =	ssyncadd.tile.s32 @!p0 $0x1;
	_ =	shalt  }
.Lfunc_end2:
_tile_overlayer_lowered:
.L_overlay_start_2:
0x91: {  	(tag) =	ssettag $0x2  }
0x92: {  	s0 =	rddreg [dreg:$0x0];
	s2 =	stileid.u32  }
0x93: {  	s1 =	rddreg [dreg:$0x1];
	p0 =	sne.s32 s2, $0x0  }
0x94: {  	s3 =	rddreg [dreg:$0x2];
	[bflag:$0x3] =	sbarrier.arrive $0xFFFF;
	s2 =	simm.s32 @!p0 $0x1C02  }
0x95: {  	[timem:s3], [sflag:s2] =	dma.local @!p0 [hbm:s0], s1  }
0x96: {  	s0 =	simm.s32 @!p0 $0x2  }
0x97: {  	_ =	swait.ge @!p0 [sflag:s0], s1  }
0x98: {  	s1 =	ssub.s32 @!p0 $0x0, s1;
	[sflag:s0] =	ssyncset.done @!p0 $0x0  }
0x99: {  	[sflag:s0] =	ssyncadd.s32 @!p0 s1  }
0x9a: {  	[bflag:$0x3] =	sbarrier.arrive $0xFFFF  }
0x9b: {  	_ =	shalt  }

// kernel: kernel.13.cloned.1.call-start
scs
__scs_entry_jumppad:
0x0: {  	(pc) =	sbr.rel $0x88, $3  }
0x1: {  	(tag) =	ssettag $0x0;
	lr =	simm.s32 $0x1  }
0x2: {  	[smem:$0x3F94] =	sst lr;
	_ =	strace $0xD0000000  }
0x3: {  	_ = 	snop  }
0x4: {  	_ = 	snop  }
0x5: {  	_ = 	snop  }
0x6: {  	_ = 	snop  }
0x7: {  	_ = 	snop  }
__scs_overlays_trampoline_lowered:
0x8: {  	[smem:$0x3FA3] =	sst s0  }
0x9: {  	[smem:$0x3FA4] =	sst s1  }
0xa: {  	[smem:$0x3FA5] =	sst s2  }
0xb: {  	[smem:$0x3FA6] =	sst s3  }
0xc: {  	[smem:$0x3FA7] =	sst s4  }
0xd: {  	[smem:$0x3FA8] =	sst s5  }
0xe: {  	[smem:$0x3FA9] =	sst s6  }
0xf: {  	[smem:$0x3FAA] =	sst s7  }
0x10: {  	[smem:$0x3FAB] =	sst s8  }
0x11: {  	[smem:$0x3FAC] =	sst s9;
	s0 =	simm.s32 @!p0 $0x0  }
0x12: {  	s1 =	sld [smem:$0x3F92];
	s0 =	simm.s32 @p0 $0x1  }
0x13: {  	[smem:$0x3FAD] =	sst s0;
	s0 =	simm.s32 @!p1 $0x0  }
0x14: {  	s2 =	sld [smem:$0x3F91];
	s0 =	simm.s32 @p1 $0x1  }
0x15: {  	[smem:$0x3FAE] =	sst s0;
	s0 =	simm.s32 @!p2 $0x0  }
0x16: {  	s3 =	sld [smem:$0x3FDB];
	s0 =	simm.s32 @p2 $0x1  }
0x17: {  	s4 =	simm.s32 $0x1BF5;
	[smem:$0x3FB0] =	sst s0  }
0x18: {  	s0 =	sld [smem:$0x3F93];
	_ =	swait.ge [sflag:s4], $0x0  }
0x19: {  	s7 =	sld [smem:$0x3F94]  }
0x1a: {  	s8 =	sadd.s32 $0xFFFFE003, lr  }
0x1b: {  	s9 =	sadd.s32 $0xFFFFFEF7, lr;
	s5 =	simm.s32 $0xFFFFFFFF;
	p2 =	slt.u32 s8, $0xFFFFF086  }
0x1c: {  	p1 =	slt.u32 s9, $0xF7A;
	s5 =	simm.s32 @!p2 $0x0  }
0x1d: {  	s5 =	simm.s32 @p1 $0x1;
	p0 =	seq.s32 s7, s2  }
0x1e: {  	s7 =	smul.u32 @!p0 $0xF7A, s2;
	p2 =	seq.s32 @!p0 s5, $0x0  }
0x1f: {  	s9 =	smul.u32 $0xF7A, s1;
	s8 =	simm.s32 @!p0 $0x1BF5;
	p2 =	por !p2, p0  }
0x20: {  	[sflag:s8] =	ssyncset.s32 @!p0 $0xFFFFF086;
	s6 =	sadd.s32 @!p0 s3, s7;
	s7 =	simm.s32 @!p0 $0x108  }
0x21: {  	s3 =	sadd.s32 s3, s9;
	s6 =	sadd.s32 @!p0 $0x88, s6;
	s7 =	simm.s32 @p2 $0x1082  }
0x22: {  	[simem:s7], [sflag:s8] =	dma.local @!p0 [hbm:s6], $0xF7A  }
0x23: {  	s9 =	sor.u32 $0xD0000000, s2;
	s6 =	simm.s32 $0x108;
	_ =	swait.ge @!p0 [sflag:s8], $0x0  }
0x24: {  	s3 =	sadd.s32 $0x88, s3;
	s6 =	simm.s32 @!p1 $0x1082;
	[sflag:s4] =	ssyncset.s32 $0xFFFFF086  }
0x25: {  	[simem:s6], [sflag:s4] =	dma.local [hbm:s3], $0xF7A  }
0x26: {  	[smem:$0x3F94] =	sst s1;
	(tag) =	ssettag s2;
	_ =	strace s9  }
0x27: {  	s1 =	sld [smem:$0x3FA4]  }
0x28: {  	s2 =	sld [smem:$0x3FA5]  }
0x29: {  	s4 =	sld [smem:$0x3FA7]  }
0x2a: {  	p0 =	seq.s32 s5, $0x0;
	s5 =	sld [smem:$0x3FA8]  }
0x2b: {  	s6 =	sld [smem:$0x3FA9]  }
0x2c: {  	s7 =	sld [smem:$0x3FAA]  }
0x2d: {  	s3 =	simm.s32 $0x108;
	s8 =	sld [smem:$0x3FAB]  }
0x2e: {  	s3 =	simm.s32 @!p0 $0x1082;
	s9 =	sld [smem:$0x3FAC]  }
0x2f: {  	lr =	sadd.s32 s0, s3;
	s0 =	sld [smem:$0x3FA3]  }
0x30: {  	s3 =	sld [smem:$0x3FA6]  }
0x31: {  	[smem:$0x3FAF] =	sst s10  }
0x32: {  	s10 =	sld [smem:$0x3FAD];
	_ =	sdelay $0x3  }
0x33: {  	p0 =	seq.s32 s10, $0x1;
	s10 =	sld [smem:$0x3FAF];
	_ =	sdelay $0x3  }
0x34: {  	[smem:$0x3FAF] =	sst s10  }
0x35: {  	s10 =	sld [smem:$0x3FAE];
	_ =	sdelay $0x3  }
0x36: {  	p1 =	seq.s32 s10, $0x1;
	s10 =	sld [smem:$0x3FAF];
	_ =	sdelay $0x3  }
0x37: {  	[smem:$0x3FAF] =	sst s10  }
0x38: {  	s10 =	sld [smem:$0x3FB0]  }
0x39: {  	_ = 	snop;
	(pc) =	sbr.ind lr, $3  }
0x3a: {  	_ = 	snop  }
0x3b: {  	_ = 	snop  }
0x3c: {  	p2 =	seq.s32 s10, $0x1;
	s10 =	sld [smem:$0x3FAF]  }
0x3d: {  	_ =	shalt  }
0x3e: {  	_ =	shalt  }
0x3f: {  	_ =	shalt  }
0x40: {  	_ =	shalt  }
0x41: {  	_ =	shalt  }
0x42: {  	_ =	shalt  }
0x43: {  	_ =	shalt  }
0x44: {  	_ =	shalt  }
0x45: {  	_ =	shalt  }
0x46: {  	_ =	shalt  }
0x47: {  	_ =	shalt  }
0x48: {  	_ =	shalt  }
0x49: {  	_ =	shalt  }
0x4a: {  	_ =	shalt  }
0x4b: {  	_ =	shalt  }
0x4c: {  	_ =	shalt  }
0x4d: {  	_ =	shalt  }
0x4e: {  	_ =	shalt  }
0x4f: {  	_ =	shalt  }
0x50: {  	_ =	shalt  }
0x51: {  	_ =	shalt  }
0x52: {  	_ =	shalt  }
0x53: {  	_ =	shalt  }
0x54: {  	_ =	shalt  }
0x55: {  	_ =	shalt  }
0x56: {  	_ =	shalt  }
0x57: {  	_ =	shalt  }
0x58: {  	_ =	shalt  }
0x59: {  	_ =	shalt  }
0x5a: {  	_ =	shalt  }
0x5b: {  	_ =	shalt  }
0x5c: {  	_ =	shalt  }
0x5d: {  	_ =	shalt  }
0x5e: {  	_ =	shalt  }
0x5f: {  	_ =	shalt  }
0x60: {  	_ =	shalt  }
0x61: {  	_ =	shalt  }
0x62: {  	_ =	shalt  }
0x63: {  	_ =	shalt  }
0x64: {  	_ =	shalt  }
0x65: {  	_ =	shalt  }
0x66: {  	_ =	shalt  }
0x67: {  	_ =	shalt  }
0x68: {  	_ =	shalt  }
0x69: {  	_ =	shalt  }
0x6a: {  	_ =	shalt  }
0x6b: {  	_ =	shalt  }
0x6c: {  	_ =	shalt  }
0x6d: {  	_ =	shalt  }
0x6e: {  	_ =	shalt  }
0x6f: {  	_ =	shalt  }
0x70: {  	_ =	shalt  }
0x71: {  	_ =	shalt  }
0x72: {  	_ =	shalt  }
0x73: {  	_ =	shalt  }
0x74: {  	_ =	shalt  }
0x75: {  	_ =	shalt  }
0x76: {  	_ =	shalt  }
0x77: {  	_ =	shalt  }
0x78: {  	_ =	shalt  }
0x79: {  	_ =	shalt  }
0x7a: {  	_ =	shalt  }
0x7b: {  	_ =	shalt  }
0x7c: {  	_ =	shalt  }
0x7d: {  	_ =	shalt  }
0x7e: {  	_ =	shalt  }
0x7f: {  	_ =	shalt  }
0x80: {  	_ =	shalt  }
0x81: {  	_ =	shalt  }
0x82: {  	_ =	shalt  }
0x83: {  	_ =	shalt  }
0x84: {  	_ =	shalt  }
0x85: {  	_ =	shalt  }
0x86: {  	_ =	shalt  }
0x87: {  	_ =	shalt  }
.Lfunc_end0:
.L_simem_size_0:
called_computation.1_lowered:
.L_overlay_start_0:
0x88: {  	s2 =	sld [smem:$0x3FD9]  }
0x89: {  	s3 =	sld [smem:$0x3FFE];
	_ =	sdelay $0x1  }
0x8a: {  	s1 =	srdreg.scid  }
0x8b: {  	s0 =	sand.u32 $0x1, s1  }
0x8c: {  	s16 =	sshll.u32 s0, $0xA;
	s2 =	sadd.s32 s3, s2  }
0x8d: {  	s2 =	sadd.s32 s2, s16  }
0x8e: {  	[smem:$0x3FBB] =	sst s2  }
0x8f: {  	_ = 	snop  }
0x90: {  	(tm) =	ssettm $0x1  }
0x91: {  	s17 =	sld [smem:$0x3FFB];
	_ =	sdelay $0x3  }
0x92: {  	_ =	strace s17  }
0x93: {  	s2 =	sld [smem:$0x3FFC];
	_ =	sdelay $0x3  }
0x94: {  	_ =	strace s2  }
0x95: {  	s2 =	sld [smem:$0x3FFD];
	_ =	sdelay $0x3  }
0x96: {  	_ =	strace s2  }
0x97: {  	_ =	strace $0x8FFFFFFF  }
0x98: {  	s18 =	sld [smem:$0x3FDB];
	_ =	sdelay $0x1  }
0x99: {  	s19 =	simm.s32 $_scs_section_size  }
0x9a: {  	s4 =	simm.s32 $_size__tile_overlayer_lowered;
	s5 =	simm.s32 $_tile_overlayer_lowered  }
0x9b: {  	s22 =	simm.s32 $0x1BFF;
	s21 =	sshll.u32 s5, $0x1;
	s2 =	sadd.s32 s19, s18  }
0x9c: {  	s6 =	simm.s32 $0x0;
	s20 =	sshll.u32 s4, $0x1;
	s4 =	sadd.s32 s21, s2  }
0x9d: {  	[timem:s6], [sflag:s22] =	dma.local [hbm:s4], s20  }
0x9e: {  	_ =	swait.ge [sflag:s22], s20  }
0x9f: {  	s3 =	ssub.s32 $0x0, s20;
	[sflag:s22] =	ssyncset.done $0x0  }
0xa0: {  	[sflag:s22] =	ssyncadd.s32 s3;
	_ =	sdelay $0x1  }
0xa1: {  	s23 =	simm.s32 $0x1B8B  }
0xa2: {  	_ =	swait.ge [sflag:s23], $0x1  }
0xa3: {  	[sflag:s23] =	ssyncset.done $0x0  }
0xa4: {  	s25 =	simm.s32 $0x1B8E;
	s24 =	sld [smem:$0x3FFE];
	[sflag:s23] =	ssyncadd.s32 $0xFFFFFFFF  }
0xa5: {  	s26 =	simm.s32 $execute0_lowered;
	[smem:$0x3FD2] =	sst s25  }
0xa6: {  	s4 =	sshll.u32 s26, $0x1;
	_ =	strace $0x80000049;
	[dreg:$0x1] =	wrdreg $0xFFFFFFFF  }
0xa7: {  	s28 =	simm.s32 $_size_execute0_lowered;
	s2 =	sadd.s32 s2, s4;
	[dreg:$0x0] =	wrdreg $0x0  }
0xa8: {  	s4 =	sshll.u32 s28, $0x1;
	[dreg:$0x2] =	wrdreg s2  }
0xa9: {  	[dreg:$0x3] =	wrdreg s4  }
0xaa: {  	[dreg:$0x4] =	wrdreg $0xC0  }
0xab: {  	_ =	task [dreg:s6], $0x5FFFF  }
0xac: {  	[dreg:$0x1] =	wrdreg $0xFFFFFFFF  }
0xad: {  	[dreg:$0x0] =	wrdreg $0x60  }
0xae: {  	[dreg:$0x2] =	wrdreg s24  }
0xaf: {  	[dreg:$0x3] =	wrdreg $0xA9000  }
0xb0: {  	[dreg:$0x4] =	wrdreg $0x9  }
0xb1: {  	_ =	task.clear_ibuf [dreg:s6], $0x5FFFF;
	_ =	strace $0x90000049  }
0xb2: {  	s29 =	simm.s32 $0x9;
	_ =	strace $0x8000004B  }
0xb3: {  	_ =	swait.ge [sflag:s29], $0x1  }
0xb4: {  	[sflag:s29] =	ssyncadd.s32 $0xFFFFFFFF  }
0xb5: {  	_ =	strace $0x9000004B  }
0xb6: {  	_ =	sfence  }
0xb7: {  	s30 =	sld [smem:$0x0];
	_ =	sdelay $0x2  }
0xb8: {  	s31 =	sshll.u32 s1, $0xD;
	s1 =	sshrl.u32 s1, $0x2  }
0xb9: {  	s3 =	sand.u32 $0x4000, s31;
	s1 =	sadd.s32 s1, s30  }
0xba: {  	s0 =	sor.u32 s3, s0;
	s1 =	sshll.u32 s1, $0x11  }
0xbb: {  	s0 =	sor.u32 s1, s0  }
0xbc: {  	s0 =	sadd.s32 $0x8F2B, s0  }
0xbd: {  	[sflag:s0] =	ssyncadd.remote.s32 $0x1  }
0xbe: {  	_ =	sfence.sel $0xFFFF  }
0xbf: {  	[dreg:$0x0] =	wrdreg $0xFFFFFFFF;
	(pc) =	sbr.abs _section_cstart, $3  }
0xc0: {  	[dreg:$0x1] =	wrdreg $0xFFFFFFFF  }
0xc1: {  	_ =	task.clear_ibuf [dreg:s6], $0x2FFFF;
	_ =	strace $0x9FFFFFFF  }
0xc2: {  	(tm) =	ssettm $0x7FFFFFFF  }
0xc3: {  	_ =	shalt  }
tec
execute0_lowered:
.L_overlay_start_1:
0x0: {  	(tag) =	ssettag $0x1  }
0x1: {  	s6 =	rddreg [dreg:$0x0]  }
0x2: {  	s0 =	srdreg.scid;
	s2 =	rddreg [dreg:$0x1]  }
0x3: {  	s3 =	simm.s32 $0x0;
	s13 =	simm.s32 $0x3;
	s14 =	simm.s32 $0x2900  }
0x4: {  	s15 =	simm.s32 $0x80;
	s16 =	simm.s32 $0x2800;
	s17 =	simm.s32 $0x1  }
0x5: {  	s18 =	simm.s32 $0x2880;
	s5 =	sand.u32 $0x1, s0;
	s0 =	stileid.u32  }
0x6: {  	s19 =	simm.s32 $0x2;
	s22 =	simm.s32 $0x0;
	s8 =	smul.u32 $0x2800, s0  }
0x7: {  	[smem:$0x7FF] =	sst s3;
	s4 =	sadd.s32 $0xF800, s6;
	s9 =	smul.u32 $0x28000, s5  }
0x8: {  	s1 =	sshll.u32 s5, $0x4;
	s10 =	smul.u32 $0x50000, s0;
	s5 =	ssub.s32 $0x2, s5  }
0x9: {  	s20 =	sshll.u32 s0, $0x6;
	s1 =	sor.u32 s0, s1;
	s31 =	sshrl.u32 s5, $0x1  }
0xa: {  	s20 =	sor.u32 $0x1C03, s20;
	s7 =	smul.u32 $0x500, s1;
	s1 =	rddreg [dreg:$0x2]  }
0xb: {  	_ =	strace $0x8000004A;
	s8 =	sadd.s32 s8, s9;
	s10 =	sshrl.u32 s10, $0x2  }
0xc: {  	s12 =	ssub.s32 s5, s31;
	s11 =	sadd.s32 s8, s6;
	s5 =	sadd.s32 s10, s2  }
0xd: {  	s12 =	smax.u32 s12, $0x1;
	s7 =	sadd.s32 s7, s6;
	s8 =	sadd.s32 $0x8000, s5  }
0xe: {  	s9 =	sadd.s32 $0xC000, s5;
	s10 =	sadd.s32 $0x10000, s5;
	s11 =	sadd.s32 $0x5F800, s11  }
0xf: {  	v0 =	vimm.f32 $0.0e+00;
	s21 =	sshrl.u32 s5, $0x3;
	s6 =	sadd.s32 $0x5800, s7;
	s7 =	sadd.s32 $0x4000, s5  }
.LBB2_1:
0x10: {  	[tilespmem:s3], [sflag:$0x3] =	stream.linear.gather [hbm4b:s6+s3], $0x2800, $0x38;
	[tilespmem:$0x1E900] =	vst v63  }
0x11: {  	_ =	swait.ge [sflag:s13], $0x2800  }
0x12: {  	[sflag:s13] =	ssyncset.done $0x0  }
0x13: {  	s23 =	simm.s32 $0x0;
	s24 =	simm.s32 $0x200;
	[sflag:s13] =	ssyncadd.s32 $0xFFFFD800  }
.LBB2_2:
0x14: {  	p0 =	sne.s32 s24, $0xFE00;
	[tilespmem:s23+$0x2970] =	vst v0  }
0x15: {  	[tilespmem:s23+$0x2900] =	vst v0  }
0x16: {  	[tilespmem:s23+$0x2910] =	vst v0  }
.Ltmp0:
0x17: {  	[tilespmem:s23+$0x2920] =	vst v0;
	(pc) =	sbr.rel @p0 .LBB2_2-.Ltmp0, $4  }
0x18: {  	[tilespmem:s23+$0x2930] =	vst v0  }
0x19: {  	[tilespmem:s23+$0x2940] =	vst v0  }
0x1a: {  	[tilespmem:s23+$0x2950] =	vst v0  }
0x1b: {  	[tilespmem:s23+$0x2960] =	vst v0;
	s23 =	sshra.s32 s24, $0x2;
	s24 =	sadd.s32 $0x200, s24  }
0x1c: {  	[tilespmem:s23+$0x2970] =	vst v0  }
0x1d: {  	[tilespmem:s23+$0x2900] =	vst v0  }
0x1e: {  	[tilespmem:s23+$0x2910] =	vst v0  }
0x1f: {  	[tilespmem:s23+$0x2920] =	vst v0  }
0x20: {  	[tilespmem:s23+$0x2930] =	vst v0  }
0x21: {  	[tilespmem:s23+$0x2940] =	vst v0  }
0x22: {  	[tilespmem:s23+$0x2950] =	vst v0  }
0x23: {  	[tilespmem:s23+$0x2960] =	vst v0  }
0x24: {  	[spmem:s5] =	stream.linear.scatter [tilespmem:s14], [sflag:$0x3], $0x4000, $0x38;
	[tilespmem:$0x1E900] =	vst v63  }
0x25: {  	_ =	swait.ge [sflag:s13], $0x4000  }
0x26: {  	[sflag:s13] =	ssyncset.done $0x0  }
0x27: {  	[sflag:s13] =	ssyncadd.s32 $0xFFFFC000  }
0x28: {  	[spmem:s7] =	stream.linear.scatter [tilespmem:s14], [sflag:$0x3], $0x4000, $0x38;
	[tilespmem:$0x1E900] =	vst v63  }
0x29: {  	_ =	swait.ge [sflag:s13], $0x4000  }
0x2a: {  	[sflag:s13] =	ssyncset.done $0x0  }
0x2b: {  	[sflag:s13] =	ssyncadd.s32 $0xFFFFC000  }
0x2c: {  	[spmem:s8] =	stream.linear.scatter [tilespmem:s14], [sflag:$0x3], $0x4000, $0x38;
	[tilespmem:$0x1E900] =	vst v63  }
0x2d: {  	_ =	swait.ge [sflag:s13], $0x4000  }
0x2e: {  	[sflag:s13] =	ssyncset.done $0x0  }
0x2f: {  	[sflag:s13] =	ssyncadd.s32 $0xFFFFC000  }
0x30: {  	[spmem:s9] =	stream.linear.scatter [tilespmem:s14], [sflag:$0x3], $0x4000, $0x38;
	[tilespmem:$0x1E900] =	vst v63  }
0x31: {  	_ =	swait.ge [sflag:s13], $0x4000  }
0x32: {  	[sflag:s13] =	ssyncset.done $0x0  }
0x33: {  	[sflag:s13] =	ssyncadd.s32 $0xFFFFC000  }
0x34: {  	[spmem:s10] =	stream.linear.scatter [tilespmem:s14], [sflag:$0x3], $0x4000, $0x38;
	[tilespmem:$0x1E900] =	vst v63  }
0x35: {  	_ =	swait.ge [sflag:s13], $0x4000  }
0x36: {  	[sflag:s13] =	ssyncset.done $0x0  }
0x37: {  	[sflag:s13] =	ssyncadd.s32 $0xFFFFC000  }
0x38: {  	s31 =	simm.s32 $0x0;
	[bflag:$0x0] =	sbarrier.arrive $0xFFFF  }
0x39: {  	v1 =	vld [tilespmem:s31+$0x0];
	_ =	sdelay $0x4  }
0x3a: {  	v2 =	vshrl.u32 v1, $0xE  }
0x3b: {  	v1 =	vand.u32 $0x3FFF, v1;
	[tilespmem:$0x2800] =	vst v2  }
0x3c: {  	[tilespmem:$0x2880] =	vst v1  }
0x3d: {  	v1 =	vld [tilespmem:s31+$0x10];
	_ =	sdelay $0x4  }
0x3e: {  	v2 =	vshrl.u32 v1, $0xE  }
0x3f: {  	v1 =	vand.u32 $0x3FFF, v1;
	[tilespmem:$0x2810] =	vst v2  }
0x40: {  	[tilespmem:$0x2890] =	vst v1  }
0x41: {  	v1 =	vld [tilespmem:s31+$0x20];
	_ =	sdelay $0x4  }
0x42: {  	v2 =	vshrl.u32 v1, $0xE  }
0x43: {  	v1 =	vand.u32 $0x3FFF, v1;
	[tilespmem:$0x2820] =	vst v2  }
0x44: {  	[tilespmem:$0x28A0] =	vst v1  }
0x45: {  	v1 =	vld [tilespmem:s31+$0x30];
	_ =	sdelay $0x4  }
0x46: {  	v2 =	vshrl.u32 v1, $0xE  }
0x47: {  	v1 =	vand.u32 $0x3FFF, v1;
	[tilespmem:$0x2830] =	vst v2  }
0x48: {  	[tilespmem:$0x28B0] =	vst v1  }
0x49: {  	v1 =	vld [tilespmem:s31+$0x40];
	_ =	sdelay $0x4  }
0x4a: {  	v2 =	vshrl.u32 v1, $0xE  }
0x4b: {  	v1 =	vand.u32 $0x3FFF, v1;
	[tilespmem:$0x2840] =	vst v2  }
0x4c: {  	[tilespmem:$0x28C0] =	vst v1  }
0x4d: {  	v1 =	vld [tilespmem:s31+$0x50];
	_ =	sdelay $0x4  }
0x4e: {  	v2 =	vshrl.u32 v1, $0xE  }
0x4f: {  	v1 =	vand.u32 $0x3FFF, v1;
	[tilespmem:$0x2850] =	vst v2  }
0x50: {  	[tilespmem:$0x28D0] =	vst v1  }
0x51: {  	v1 =	vld [tilespmem:s31+$0x60];
	_ =	sdelay $0x4  }
0x52: {  	v2 =	vshrl.u32 v1, $0xE  }
0x53: {  	v1 =	vand.u32 $0x3FFF, v1;
	[tilespmem:$0x2860] =	vst v2  }
0x54: {  	[tilespmem:$0x28E0] =	vst v1  }
0x55: {  	v1 =	vld [tilespmem:s31+$0x70];
	_ =	sdelay $0x4  }
0x56: {  	v2 =	vshrl.u32 v1, $0xE  }
0x57: {  	s23 =	simm.s32 $0x200;
	v1 =	vand.u32 $0x3FFF, v1;
	[tilespmem:$0x2870] =	vst v2  }
.LBB2_4:
0x58: {  	p0 =	sne.s32 s23, $0x9E00;
	[tilespmem:$0x28F0] =	vst v1;
	s24 =	smov.u32 s23;
	s23 =	sadd.s32 $0x200, s23  }
0x59: {  	[tilespmem:s14], [sflag:$0x1] =	stream.indirect.gather [hbm4b:s4+s15], $0x80, s16, s15, $0xb8;
	[tilespmem:$0x1E900] =	vst v63  }
0x5a: {  	_ =	swait.ge [sflag:s17], $0x4000  }
0x5b: {  	[sflag:s17] =	ssyncset.done $0x0  }
0x5c: {  	[sflag:s17] =	ssyncadd.s32 $0xFFFFC000  }
0x5d: {  	[spmem:s2] =	stream.indirect.scatter.add.f32 [tilespmem:s14], [sflag:$0x2], $0x80, s18, s15, $0xb8;
	[tilespmem:$0x1E900] =	vst v63  }
0x5e: {  	_ =	swait.ge [sflag:s19], $0x4000  }
0x5f: {  	[sflag:s19] =	ssyncset.done $0x0  }
0x60: {  	s24 =	sshra.s32 s24, $0x2;
	[sflag:s19] =	ssyncadd.s32 $0xFFFFC000  }
0x61: {  	v1 =	vld [tilespmem:s24+$0x0];
	_ =	sdelay $0x4  }
0x62: {  	v2 =	vshrl.u32 v1, $0xE;
	v1 =	vand.u32 $0x3FFF, v1  }
0x63: {  	[tilespmem:$0x2800] =	vst v2  }
0x64: {  	[tilespmem:$0x2880] =	vst v1  }
0x65: {  	v1 =	vld [tilespmem:s24+$0x10];
	_ =	sdelay $0x4  }
0x66: {  	v2 =	vshrl.u32 v1, $0xE;
	v1 =	vand.u32 $0x3FFF, v1  }
0x67: {  	[tilespmem:$0x2810] =	vst v2  }
0x68: {  	[tilespmem:$0x2890] =	vst v1  }
0x69: {  	v1 =	vld [tilespmem:s24+$0x20];
	_ =	sdelay $0x4  }
0x6a: {  	v2 =	vshrl.u32 v1, $0xE;
	v1 =	vand.u32 $0x3FFF, v1  }
0x6b: {  	[tilespmem:$0x2820] =	vst v2  }
0x6c: {  	[tilespmem:$0x28A0] =	vst v1  }
0x6d: {  	v1 =	vld [tilespmem:s24+$0x30];
	_ =	sdelay $0x4  }
0x6e: {  	v2 =	vshrl.u32 v1, $0xE;
	v1 =	vand.u32 $0x3FFF, v1  }
0x6f: {  	[tilespmem:$0x2830] =	vst v2  }
0x70: {  	[tilespmem:$0x28B0] =	vst v1  }
0x71: {  	v1 =	vld [tilespmem:s24+$0x40];
	_ =	sdelay $0x4  }
0x72: {  	v2 =	vshrl.u32 v1, $0xE;
	v1 =	vand.u32 $0x3FFF, v1  }
0x73: {  	[tilespmem:$0x2840] =	vst v2  }
0x74: {  	[tilespmem:$0x28C0] =	vst v1  }
0x75: {  	v1 =	vld [tilespmem:s24+$0x50];
	_ =	sdelay $0x4  }
0x76: {  	v2 =	vshrl.u32 v1, $0xE;
	v1 =	vand.u32 $0x3FFF, v1  }
0x77: {  	[tilespmem:$0x2850] =	vst v2  }
0x78: {  	[tilespmem:$0x28D0] =	vst v1  }
0x79: {  	v1 =	vld [tilespmem:s24+$0x60];
	_ =	sdelay $0x4  }
0x7a: {  	v2 =	vshrl.u32 v1, $0xE;
	v1 =	vand.u32 $0x3FFF, v1  }
0x7b: {  	[tilespmem:$0x2860] =	vst v2  }
0x7c: {  	[tilespmem:$0x28E0] =	vst v1  }
0x7d: {  	v1 =	vld [tilespmem:s24+$0x70];
	_ =	sdelay $0x1  }
.Ltmp1:
0x7e: {  	(pc) =	sbr.rel @p0 .LBB2_4-.Ltmp1, $3  }
0x7f: {  	_ =	sdelay $0x1  }
0x80: {  	v2 =	vshrl.u32 v1, $0xE;
	v1 =	vand.u32 $0x3FFF, v1  }
0x81: {  	[tilespmem:$0x2870] =	vst v2  }
0x82: {  	[tilespmem:$0x28F0] =	vst v1  }
0x83: {  	[tilespmem:s14], [sflag:$0x1] =	stream.indirect.gather [hbm4b:s4+s15], $0x80, s16, s15, $0xb8;
	[tilespmem:$0x1E900] =	vst v63  }
0x84: {  	_ =	swait.ge [sflag:s17], $0x4000  }
0x85: {  	[sflag:s17] =	ssyncset.done $0x0  }
0x86: {  	[sflag:s17] =	ssyncadd.s32 $0xFFFFC000  }
0x87: {  	[spmem:s2] =	stream.indirect.scatter.add.f32 [tilespmem:s14], [sflag:$0x2], $0x80, s18, s15, $0xb8;
	[tilespmem:$0x1E900] =	vst v63  }
0x88: {  	_ =	swait.ge [sflag:s19], $0x4000  }
0x89: {  	s22 =	sadd.s32 $0x1, s22;
	[sflag:s19] =	ssyncset.done $0x0  }
0x8a: {  	p0 =	sne.s32 s22, s12;
	[sflag:s19] =	ssyncadd.s32 $0xFFFFC000  }
.Ltmp2:
0x8b: {  	[bflag:$0x0] =	sbarrier.arrive $0xFFFF;
	(pc) =	sbr.rel @p0 .LBB2_1-.Ltmp2, $4  }
0x8c: {  	[hbm:s11], [sflag:s20] =	dma.local [spmem:s21], $0x2800  }
0x8d: {  	_ =	swait.ge [sflag:s13], $0x2800  }
0x8e: {  	[sflag:s13] =	ssyncset.done $0x0  }
0x8f: {  	[sflag:s13] =	ssyncadd.s32 $0xFFFFD800  }
0x90: {  	_ =	sfence.sel $0x180000  }
0x91: {  	[bflag:$0x0] =	sbarrier.arrive $0xFFFF  }
0x92: {  	p0 =	sne.s32 s0, $0x0;
	_ =	strace $0x9000004A  }
0x93: {  	s0 =	sadd.s32 @!p0 $0x100000, s1;
	[bflag:$0x2] =	sbarrier.arrive $0xFFFF  }
0x94: {  	[sflag:s0] =	ssyncadd.tile.s32 @!p0 $0x1;
	_ =	shalt  }
.Lfunc_end2:
_tile_overlayer_lowered:
.L_overlay_start_2:
0x95: {  	(tag) =	ssettag $0x2  }
0x96: {  	s0 =	rddreg [dreg:$0x0];
	s2 =	stileid.u32  }
0x97: {  	s1 =	rddreg [dreg:$0x1];
	p0 =	sne.s32 s2, $0x0  }
0x98: {  	s3 =	rddreg [dreg:$0x2];
	[bflag:$0x3] =	sbarrier.arrive $0xFFFF;
	s2 =	simm.s32 @!p0 $0x1C03  }
0x99: {  	[timem:s3], [sflag:s2] =	dma.local @!p0 [hbm:s0], s1  }
0x9a: {  	s0 =	simm.s32 @!p0 $0x3  }
0x9b: {  	_ =	swait.ge @!p0 [sflag:s0], s1  }
0x9c: {  	s1 =	ssub.s32 @!p0 $0x0, s1;
	[sflag:s0] =	ssyncset.done @!p0 $0x0  }
0x9d: {  	[sflag:s0] =	ssyncadd.s32 @!p0 s1  }
0x9e: {  	[bflag:$0x3] =	sbarrier.arrive $0xFFFF  }
0x9f: {  	_ =	shalt  }

// kernel: kernel.16.cloned.1.call-start
scs
__scs_entry_jumppad:
0x0: {  	(pc) =	sbr.rel $0x88, $3  }
0x1: {  	(tag) =	ssettag $0x0;
	lr =	simm.s32 $0x1  }
0x2: {  	[smem:$0x3F94] =	sst lr;
	_ =	strace $0xD0000000  }
0x3: {  	_ = 	snop  }
0x4: {  	_ = 	snop  }
0x5: {  	_ = 	snop  }
0x6: {  	_ = 	snop  }
0x7: {  	_ = 	snop  }
__scs_overlays_trampoline_lowered:
0x8: {  	[smem:$0x3FA3] =	sst s0  }
0x9: {  	[smem:$0x3FA4] =	sst s1  }
0xa: {  	[smem:$0x3FA5] =	sst s2  }
0xb: {  	[smem:$0x3FA6] =	sst s3  }
0xc: {  	[smem:$0x3FA7] =	sst s4  }
0xd: {  	[smem:$0x3FA8] =	sst s5  }
0xe: {  	[smem:$0x3FA9] =	sst s6  }
0xf: {  	[smem:$0x3FAA] =	sst s7  }
0x10: {  	[smem:$0x3FAB] =	sst s8  }
0x11: {  	[smem:$0x3FAC] =	sst s9;
	s0 =	simm.s32 @!p0 $0x0  }
0x12: {  	s1 =	sld [smem:$0x3F92];
	s0 =	simm.s32 @p0 $0x1  }
0x13: {  	[smem:$0x3FAD] =	sst s0;
	s0 =	simm.s32 @!p1 $0x0  }
0x14: {  	s2 =	sld [smem:$0x3F91];
	s0 =	simm.s32 @p1 $0x1  }
0x15: {  	[smem:$0x3FAE] =	sst s0;
	s0 =	simm.s32 @!p2 $0x0  }
0x16: {  	s3 =	sld [smem:$0x3FDB];
	s0 =	simm.s32 @p2 $0x1  }
0x17: {  	s4 =	simm.s32 $0x1BF5;
	[smem:$0x3FB0] =	sst s0  }
0x18: {  	s0 =	sld [smem:$0x3F93];
	_ =	swait.ge [sflag:s4], $0x0  }
0x19: {  	s7 =	sld [smem:$0x3F94]  }
0x1a: {  	s8 =	sadd.s32 $0xFFFFE003, lr  }
0x1b: {  	s9 =	sadd.s32 $0xFFFFFEF7, lr;
	s5 =	simm.s32 $0xFFFFFFFF;
	p2 =	slt.u32 s8, $0xFFFFF086  }
0x1c: {  	p1 =	slt.u32 s9, $0xF7A;
	s5 =	simm.s32 @!p2 $0x0  }
0x1d: {  	s5 =	simm.s32 @p1 $0x1;
	p0 =	seq.s32 s7, s2  }
0x1e: {  	s7 =	smul.u32 @!p0 $0xF7A, s2;
	p2 =	seq.s32 @!p0 s5, $0x0  }
0x1f: {  	s9 =	smul.u32 $0xF7A, s1;
	s8 =	simm.s32 @!p0 $0x1BF5;
	p2 =	por !p2, p0  }
0x20: {  	[sflag:s8] =	ssyncset.s32 @!p0 $0xFFFFF086;
	s6 =	sadd.s32 @!p0 s3, s7;
	s7 =	simm.s32 @!p0 $0x108  }
0x21: {  	s3 =	sadd.s32 s3, s9;
	s6 =	sadd.s32 @!p0 $0x88, s6;
	s7 =	simm.s32 @p2 $0x1082  }
0x22: {  	[simem:s7], [sflag:s8] =	dma.local @!p0 [hbm:s6], $0xF7A  }
0x23: {  	s9 =	sor.u32 $0xD0000000, s2;
	s6 =	simm.s32 $0x108;
	_ =	swait.ge @!p0 [sflag:s8], $0x0  }
0x24: {  	s3 =	sadd.s32 $0x88, s3;
	s6 =	simm.s32 @!p1 $0x1082;
	[sflag:s4] =	ssyncset.s32 $0xFFFFF086  }
0x25: {  	[simem:s6], [sflag:s4] =	dma.local [hbm:s3], $0xF7A  }
0x26: {  	[smem:$0x3F94] =	sst s1;
	(tag) =	ssettag s2;
	_ =	strace s9  }
0x27: {  	s1 =	sld [smem:$0x3FA4]  }
0x28: {  	s2 =	sld [smem:$0x3FA5]  }
0x29: {  	s4 =	sld [smem:$0x3FA7]  }
0x2a: {  	p0 =	seq.s32 s5, $0x0;
	s5 =	sld [smem:$0x3FA8]  }
0x2b: {  	s6 =	sld [smem:$0x3FA9]  }
0x2c: {  	s7 =	sld [smem:$0x3FAA]  }
0x2d: {  	s3 =	simm.s32 $0x108;
	s8 =	sld [smem:$0x3FAB]  }
0x2e: {  	s3 =	simm.s32 @!p0 $0x1082;
	s9 =	sld [smem:$0x3FAC]  }
0x2f: {  	lr =	sadd.s32 s0, s3;
	s0 =	sld [smem:$0x3FA3]  }
0x30: {  	s3 =	sld [smem:$0x3FA6]  }
0x31: {  	[smem:$0x3FAF] =	sst s10  }
0x32: {  	s10 =	sld [smem:$0x3FAD];
	_ =	sdelay $0x3  }
0x33: {  	p0 =	seq.s32 s10, $0x1;
	s10 =	sld [smem:$0x3FAF];
	_ =	sdelay $0x3  }
0x34: {  	[smem:$0x3FAF] =	sst s10  }
0x35: {  	s10 =	sld [smem:$0x3FAE];
	_ =	sdelay $0x3  }
0x36: {  	p1 =	seq.s32 s10, $0x1;
	s10 =	sld [smem:$0x3FAF];
	_ =	sdelay $0x3  }
0x37: {  	[smem:$0x3FAF] =	sst s10  }
0x38: {  	s10 =	sld [smem:$0x3FB0]  }
0x39: {  	_ = 	snop;
	(pc) =	sbr.ind lr, $3  }
0x3a: {  	_ = 	snop  }
0x3b: {  	_ = 	snop  }
0x3c: {  	p2 =	seq.s32 s10, $0x1;
	s10 =	sld [smem:$0x3FAF]  }
0x3d: {  	_ =	shalt  }
0x3e: {  	_ =	shalt  }
0x3f: {  	_ =	shalt  }
0x40: {  	_ =	shalt  }
0x41: {  	_ =	shalt  }
0x42: {  	_ =	shalt  }
0x43: {  	_ =	shalt  }
0x44: {  	_ =	shalt  }
0x45: {  	_ =	shalt  }
0x46: {  	_ =	shalt  }
0x47: {  	_ =	shalt  }
0x48: {  	_ =	shalt  }
0x49: {  	_ =	shalt  }
0x4a: {  	_ =	shalt  }
0x4b: {  	_ =	shalt  }
0x4c: {  	_ =	shalt  }
0x4d: {  	_ =	shalt  }
0x4e: {  	_ =	shalt  }
0x4f: {  	_ =	shalt  }
0x50: {  	_ =	shalt  }
0x51: {  	_ =	shalt  }
0x52: {  	_ =	shalt  }
0x53: {  	_ =	shalt  }
0x54: {  	_ =	shalt  }
0x55: {  	_ =	shalt  }
0x56: {  	_ =	shalt  }
0x57: {  	_ =	shalt  }
0x58: {  	_ =	shalt  }
0x59: {  	_ =	shalt  }
0x5a: {  	_ =	shalt  }
0x5b: {  	_ =	shalt  }
0x5c: {  	_ =	shalt  }
0x5d: {  	_ =	shalt  }
0x5e: {  	_ =	shalt  }
0x5f: {  	_ =	shalt  }
0x60: {  	_ =	shalt  }
0x61: {  	_ =	shalt  }
0x62: {  	_ =	shalt  }
0x63: {  	_ =	shalt  }
0x64: {  	_ =	shalt  }
0x65: {  	_ =	shalt  }
0x66: {  	_ =	shalt  }
0x67: {  	_ =	shalt  }
0x68: {  	_ =	shalt  }
0x69: {  	_ =	shalt  }
0x6a: {  	_ =	shalt  }
0x6b: {  	_ =	shalt  }
0x6c: {  	_ =	shalt  }
0x6d: {  	_ =	shalt  }
0x6e: {  	_ =	shalt  }
0x6f: {  	_ =	shalt  }
0x70: {  	_ =	shalt  }
0x71: {  	_ =	shalt  }
0x72: {  	_ =	shalt  }
0x73: {  	_ =	shalt  }
0x74: {  	_ =	shalt  }
0x75: {  	_ =	shalt  }
0x76: {  	_ =	shalt  }
0x77: {  	_ =	shalt  }
0x78: {  	_ =	shalt  }
0x79: {  	_ =	shalt  }
0x7a: {  	_ =	shalt  }
0x7b: {  	_ =	shalt  }
0x7c: {  	_ =	shalt  }
0x7d: {  	_ =	shalt  }
0x7e: {  	_ =	shalt  }
0x7f: {  	_ =	shalt  }
0x80: {  	_ =	shalt  }
0x81: {  	_ =	shalt  }
0x82: {  	_ =	shalt  }
0x83: {  	_ =	shalt  }
0x84: {  	_ =	shalt  }
0x85: {  	_ =	shalt  }
0x86: {  	_ =	shalt  }
0x87: {  	_ =	shalt  }
.Lfunc_end0:
.L_simem_size_0:
called_computation.2_lowered:
.L_overlay_start_0:
0x88: {  	s2 =	sld [smem:$0x3FD9]  }
0x89: {  	s3 =	sld [smem:$0x3FFE];
	_ =	sdelay $0x1  }
0x8a: {  	s1 =	srdreg.scid  }
0x8b: {  	s0 =	sand.u32 $0x1, s1  }
0x8c: {  	s16 =	sshll.u32 s0, $0xA;
	s2 =	sadd.s32 s3, s2  }
0x8d: {  	s2 =	sadd.s32 s2, s16  }
0x8e: {  	[smem:$0x3FBB] =	sst s2  }
0x8f: {  	_ = 	snop  }
0x90: {  	(tm) =	ssettm $0x1  }
0x91: {  	s17 =	sld [smem:$0x3FFB];
	_ =	sdelay $0x3  }
0x92: {  	_ =	strace s17  }
0x93: {  	s2 =	sld [smem:$0x3FFC];
	_ =	sdelay $0x3  }
0x94: {  	_ =	strace s2  }
0x95: {  	s2 =	sld [smem:$0x3FFD];
	_ =	sdelay $0x3  }
0x96: {  	_ =	strace s2  }
0x97: {  	_ =	strace $0x8FFFFFFF  }
0x98: {  	s18 =	sld [smem:$0x3FDB];
	_ =	sdelay $0x1  }
0x99: {  	s19 =	simm.s32 $_scs_section_size  }
0x9a: {  	s4 =	simm.s32 $_size__tile_overlayer_lowered;
	s5 =	simm.s32 $_tile_overlayer_lowered  }
0x9b: {  	s22 =	simm.s32 $0x1BFF;
	s21 =	sshll.u32 s5, $0x1;
	s2 =	sadd.s32 s19, s18  }
0x9c: {  	s6 =	simm.s32 $0x0;
	s20 =	sshll.u32 s4, $0x1;
	s4 =	sadd.s32 s21, s2  }
0x9d: {  	[timem:s6], [sflag:s22] =	dma.local [hbm:s4], s20  }
0x9e: {  	_ =	swait.ge [sflag:s22], s20  }
0x9f: {  	s3 =	ssub.s32 $0x0, s20;
	[sflag:s22] =	ssyncset.done $0x0  }
0xa0: {  	[sflag:s22] =	ssyncadd.s32 s3;
	_ =	sdelay $0x1  }
0xa1: {  	s23 =	simm.s32 $0x1B8B  }
0xa2: {  	_ =	swait.ge [sflag:s23], $0x1  }
0xa3: {  	[sflag:s23] =	ssyncset.done $0x0  }
0xa4: {  	s25 =	simm.s32 $0x1B8E;
	s24 =	sld [smem:$0x3FFE];
	[sflag:s23] =	ssyncadd.s32 $0xFFFFFFFF  }
0xa5: {  	s26 =	simm.s32 $execute0_lowered;
	[smem:$0x3FD2] =	sst s25  }
0xa6: {  	s4 =	sshll.u32 s26, $0x1;
	_ =	strace $0x8000004C;
	[dreg:$0x1] =	wrdreg $0xFFFFFFFF  }
0xa7: {  	s28 =	simm.s32 $_size_execute0_lowered;
	s2 =	sadd.s32 s2, s4;
	[dreg:$0x0] =	wrdreg $0x0  }
0xa8: {  	s4 =	sshll.u32 s28, $0x1;
	[dreg:$0x2] =	wrdreg s2  }
0xa9: {  	[dreg:$0x3] =	wrdreg s4  }
0xaa: {  	[dreg:$0x4] =	wrdreg $0xC0  }
0xab: {  	_ =	task [dreg:s6], $0x5FFFF  }
0xac: {  	[dreg:$0x1] =	wrdreg $0xFFFFFFFF  }
0xad: {  	[dreg:$0x0] =	wrdreg $0x60  }
0xae: {  	[dreg:$0x2] =	wrdreg s24  }
0xaf: {  	[dreg:$0x3] =	wrdreg $0xA9000  }
0xb0: {  	[dreg:$0x4] =	wrdreg $0x9  }
0xb1: {  	_ =	task.clear_ibuf [dreg:s6], $0x5FFFF;
	_ =	strace $0x9000004C  }
0xb2: {  	s29 =	simm.s32 $0x9;
	_ =	strace $0x8000004E  }
0xb3: {  	_ =	swait.ge [sflag:s29], $0x1  }
0xb4: {  	[sflag:s29] =	ssyncadd.s32 $0xFFFFFFFF  }
0xb5: {  	_ =	strace $0x9000004E  }
0xb6: {  	_ =	sfence  }
0xb7: {  	s30 =	sld [smem:$0x0];
	_ =	sdelay $0x2  }
0xb8: {  	s31 =	sshll.u32 s1, $0xD;
	s1 =	sshrl.u32 s1, $0x2  }
0xb9: {  	s3 =	sand.u32 $0x4000, s31;
	s1 =	sadd.s32 s1, s30  }
0xba: {  	s0 =	sor.u32 s3, s0;
	s1 =	sshll.u32 s1, $0x11  }
0xbb: {  	s0 =	sor.u32 s1, s0  }
0xbc: {  	s0 =	sadd.s32 $0x8F2B, s0  }
0xbd: {  	[sflag:s0] =	ssyncadd.remote.s32 $0x1  }
0xbe: {  	_ =	sfence.sel $0xFFFF  }
0xbf: {  	[dreg:$0x0] =	wrdreg $0xFFFFFFFF;
	(pc) =	sbr.abs _section_cstart, $3  }
0xc0: {  	[dreg:$0x1] =	wrdreg $0xFFFFFFFF  }
0xc1: {  	_ =	task.clear_ibuf [dreg:s6], $0x2FFFF;
	_ =	strace $0x9FFFFFFF  }
0xc2: {  	(tm) =	ssettm $0x7FFFFFFF  }
0xc3: {  	_ =	shalt  }
tec
execute0_lowered:
.L_overlay_start_1:
0x0: {  	(tag) =	ssettag $0x1  }
0x1: {  	s6 =	rddreg [dreg:$0x0]  }
0x2: {  	s0 =	srdreg.scid;
	s2 =	rddreg [dreg:$0x1]  }
0x3: {  	s3 =	simm.s32 $0x0;
	s13 =	simm.s32 $0x3;
	s14 =	simm.s32 $0x2900  }
0x4: {  	s15 =	simm.s32 $0x80;
	s16 =	simm.s32 $0x2800;
	s17 =	simm.s32 $0x1  }
0x5: {  	s18 =	simm.s32 $0x2880;
	s5 =	sand.u32 $0x1, s0;
	s0 =	stileid.u32  }
0x6: {  	s19 =	simm.s32 $0x2;
	s22 =	simm.s32 $0x0;
	s8 =	smul.u32 $0x2800, s0  }
0x7: {  	[smem:$0x7FF] =	sst s3;
	s4 =	sadd.s32 $0xF800, s6;
	s9 =	smul.u32 $0x28000, s5  }
0x8: {  	s1 =	sshll.u32 s5, $0x4;
	s10 =	smul.u32 $0x50000, s0;
	s5 =	ssub.s32 $0x2, s5  }
0x9: {  	s20 =	sshll.u32 s0, $0x6;
	s1 =	sor.u32 s0, s1;
	s31 =	sshrl.u32 s5, $0x1  }
0xa: {  	s20 =	sor.u32 $0x1C03, s20;
	s7 =	smul.u32 $0x500, s1;
	s1 =	rddreg [dreg:$0x2]  }
0xb: {  	_ =	strace $0x8000004D;
	s8 =	sadd.s32 s8, s9;
	s10 =	sshrl.u32 s10, $0x2  }
0xc: {  	s12 =	ssub.s32 s5, s31;
	s11 =	sadd.s32 s8, s6;
	s5 =	sadd.s32 s10, s2  }
0xd: {  	s12 =	smax.u32 s12, $0x1;
	s7 =	sadd.s32 s7, s6;
	s8 =	sadd.s32 $0x8000, s5  }
0xe: {  	s9 =	sadd.s32 $0xC000, s5;
	s10 =	sadd.s32 $0x10000, s5;
	s11 =	sadd.s32 $0x5F800, s11  }
0xf: {  	v0 =	vimm.f32 $0.0e+00;
	s21 =	sshrl.u32 s5, $0x3;
	s6 =	sadd.s32 $0x5800, s7;
	s7 =	sadd.s32 $0x4000, s5  }
.LBB2_1:
0x10: {  	[tilespmem:s3], [sflag:$0x3] =	stream.linear.gather [hbm4b:s6+s3], $0x2800, $0x38;
	[tilespmem:$0x1E900] =	vst v63  }
0x11: {  	_ =	swait.ge [sflag:s13], $0x2800  }
0x12: {  	[sflag:s13] =	ssyncset.done $0x0  }
0x13: {  	s23 =	simm.s32 $0x0;
	s24 =	simm.s32 $0x200;
	[sflag:s13] =	ssyncadd.s32 $0xFFFFD800  }
.LBB2_2:
0x14: {  	p0 =	sne.s32 s24, $0xFE00;
	[tilespmem:s23+$0x2970] =	vst v0  }
0x15: {  	[tilespmem:s23+$0x2900] =	vst v0  }
0x16: {  	[tilespmem:s23+$0x2910] =	vst v0  }
.Ltmp0:
0x17: {  	[tilespmem:s23+$0x2920] =	vst v0;
	(pc) =	sbr.rel @p0 .LBB2_2-.Ltmp0, $4  }
0x18: {  	[tilespmem:s23+$0x2930] =	vst v0  }
0x19: {  	[tilespmem:s23+$0x2940] =	vst v0  }
0x1a: {  	[tilespmem:s23+$0x2950] =	vst v0  }
0x1b: {  	[tilespmem:s23+$0x2960] =	vst v0;
	s23 =	sshra.s32 s24, $0x2;
	s24 =	sadd.s32 $0x200, s24  }
0x1c: {  	[tilespmem:s23+$0x2970] =	vst v0  }
0x1d: {  	[tilespmem:s23+$0x2900] =	vst v0  }
0x1e: {  	[tilespmem:s23+$0x2910] =	vst v0  }
0x1f: {  	[tilespmem:s23+$0x2920] =	vst v0  }
0x20: {  	[tilespmem:s23+$0x2930] =	vst v0  }
0x21: {  	[tilespmem:s23+$0x2940] =	vst v0  }
0x22: {  	[tilespmem:s23+$0x2950] =	vst v0  }
0x23: {  	[tilespmem:s23+$0x2960] =	vst v0  }
0x24: {  	[spmem:s5] =	stream.linear.scatter [tilespmem:s14], [sflag:$0x3], $0x4000, $0x38;
	[tilespmem:$0x1E900] =	vst v63  }
0x25: {  	_ =	swait.ge [sflag:s13], $0x4000  }
0x26: {  	[sflag:s13] =	ssyncset.done $0x0  }
0x27: {  	[sflag:s13] =	ssyncadd.s32 $0xFFFFC000  }
0x28: {  	[spmem:s7] =	stream.linear.scatter [tilespmem:s14], [sflag:$0x3], $0x4000, $0x38;
	[tilespmem:$0x1E900] =	vst v63  }
0x29: {  	_ =	swait.ge [sflag:s13], $0x4000  }
0x2a: {  	[sflag:s13] =	ssyncset.done $0x0  }
0x2b: {  	[sflag:s13] =	ssyncadd.s32 $0xFFFFC000  }
0x2c: {  	[spmem:s8] =	stream.linear.scatter [tilespmem:s14], [sflag:$0x3], $0x4000, $0x38;
	[tilespmem:$0x1E900] =	vst v63  }
0x2d: {  	_ =	swait.ge [sflag:s13], $0x4000  }
0x2e: {  	[sflag:s13] =	ssyncset.done $0x0  }
0x2f: {  	[sflag:s13] =	ssyncadd.s32 $0xFFFFC000  }
0x30: {  	[spmem:s9] =	stream.linear.scatter [tilespmem:s14], [sflag:$0x3], $0x4000, $0x38;
	[tilespmem:$0x1E900] =	vst v63  }
0x31: {  	_ =	swait.ge [sflag:s13], $0x4000  }
0x32: {  	[sflag:s13] =	ssyncset.done $0x0  }
0x33: {  	[sflag:s13] =	ssyncadd.s32 $0xFFFFC000  }
0x34: {  	[spmem:s10] =	stream.linear.scatter [tilespmem:s14], [sflag:$0x3], $0x4000, $0x38;
	[tilespmem:$0x1E900] =	vst v63  }
0x35: {  	_ =	swait.ge [sflag:s13], $0x4000  }
0x36: {  	[sflag:s13] =	ssyncset.done $0x0  }
0x37: {  	[sflag:s13] =	ssyncadd.s32 $0xFFFFC000  }
0x38: {  	s31 =	simm.s32 $0x0;
	[bflag:$0x0] =	sbarrier.arrive $0xFFFF  }
0x39: {  	v1 =	vld [tilespmem:s31+$0x0];
	_ =	sdelay $0x4  }
0x3a: {  	v2 =	vshrl.u32 v1, $0xE  }
0x3b: {  	v1 =	vand.u32 $0x3FFF, v1;
	[tilespmem:$0x2800] =	vst v2  }
0x3c: {  	[tilespmem:$0x2880] =	vst v1  }
0x3d: {  	v1 =	vld [tilespmem:s31+$0x10];
	_ =	sdelay $0x4  }
0x3e: {  	v2 =	vshrl.u32 v1, $0xE  }
0x3f: {  	v1 =	vand.u32 $0x3FFF, v1;
	[tilespmem:$0x2810] =	vst v2  }
0x40: {  	[tilespmem:$0x2890] =	vst v1  }
0x41: {  	v1 =	vld [tilespmem:s31+$0x20];
	_ =	sdelay $0x4  }
0x42: {  	v2 =	vshrl.u32 v1, $0xE  }
0x43: {  	v1 =	vand.u32 $0x3FFF, v1;
	[tilespmem:$0x2820] =	vst v2  }
0x44: {  	[tilespmem:$0x28A0] =	vst v1  }
0x45: {  	v1 =	vld [tilespmem:s31+$0x30];
	_ =	sdelay $0x4  }
0x46: {  	v2 =	vshrl.u32 v1, $0xE  }
0x47: {  	v1 =	vand.u32 $0x3FFF, v1;
	[tilespmem:$0x2830] =	vst v2  }
0x48: {  	[tilespmem:$0x28B0] =	vst v1  }
0x49: {  	v1 =	vld [tilespmem:s31+$0x40];
	_ =	sdelay $0x4  }
0x4a: {  	v2 =	vshrl.u32 v1, $0xE  }
0x4b: {  	v1 =	vand.u32 $0x3FFF, v1;
	[tilespmem:$0x2840] =	vst v2  }
0x4c: {  	[tilespmem:$0x28C0] =	vst v1  }
0x4d: {  	v1 =	vld [tilespmem:s31+$0x50];
	_ =	sdelay $0x4  }
0x4e: {  	v2 =	vshrl.u32 v1, $0xE  }
0x4f: {  	v1 =	vand.u32 $0x3FFF, v1;
	[tilespmem:$0x2850] =	vst v2  }
0x50: {  	[tilespmem:$0x28D0] =	vst v1  }
0x51: {  	v1 =	vld [tilespmem:s31+$0x60];
	_ =	sdelay $0x4  }
0x52: {  	v2 =	vshrl.u32 v1, $0xE  }
0x53: {  	v1 =	vand.u32 $0x3FFF, v1;
	[tilespmem:$0x2860] =	vst v2  }
0x54: {  	[tilespmem:$0x28E0] =	vst v1  }
0x55: {  	v1 =	vld [tilespmem:s31+$0x70];
	_ =	sdelay $0x4  }
0x56: {  	v2 =	vshrl.u32 v1, $0xE  }
0x57: {  	s23 =	simm.s32 $0x200;
	v1 =	vand.u32 $0x3FFF, v1;
	[tilespmem:$0x2870] =	vst v2  }
.LBB2_4:
0x58: {  	p0 =	sne.s32 s23, $0x9E00;
	[tilespmem:$0x28F0] =	vst v1;
	s24 =	smov.u32 s23;
	s23 =	sadd.s32 $0x200, s23  }
0x59: {  	[tilespmem:s14], [sflag:$0x1] =	stream.indirect.gather [hbm4b:s4+s15], $0x80, s16, s15, $0xb8;
	[tilespmem:$0x1E900] =	vst v63  }
0x5a: {  	_ =	swait.ge [sflag:s17], $0x4000  }
0x5b: {  	[sflag:s17] =	ssyncset.done $0x0  }
0x5c: {  	[sflag:s17] =	ssyncadd.s32 $0xFFFFC000  }
0x5d: {  	[spmem:s2] =	stream.indirect.scatter.add.f32 [tilespmem:s14], [sflag:$0x2], $0x80, s18, s15, $0xb8;
	[tilespmem:$0x1E900] =	vst v63  }
0x5e: {  	_ =	swait.ge [sflag:s19], $0x4000  }
0x5f: {  	[sflag:s19] =	ssyncset.done $0x0  }
0x60: {  	s24 =	sshra.s32 s24, $0x2;
	[sflag:s19] =	ssyncadd.s32 $0xFFFFC000  }
0x61: {  	v1 =	vld [tilespmem:s24+$0x0];
	_ =	sdelay $0x4  }
0x62: {  	v2 =	vshrl.u32 v1, $0xE;
	v1 =	vand.u32 $0x3FFF, v1  }
0x63: {  	[tilespmem:$0x2800] =	vst v2  }
0x64: {  	[tilespmem:$0x2880] =	vst v1  }
0x65: {  	v1 =	vld [tilespmem:s24+$0x10];
	_ =	sdelay $0x4  }
0x66: {  	v2 =	vshrl.u32 v1, $0xE;
	v1 =	vand.u32 $0x3FFF, v1  }
0x67: {  	[tilespmem:$0x2810] =	vst v2  }
0x68: {  	[tilespmem:$0x2890] =	vst v1  }
0x69: {  	v1 =	vld [tilespmem:s24+$0x20];
	_ =	sdelay $0x4  }
0x6a: {  	v2 =	vshrl.u32 v1, $0xE;
	v1 =	vand.u32 $0x3FFF, v1  }
0x6b: {  	[tilespmem:$0x2820] =	vst v2  }
0x6c: {  	[tilespmem:$0x28A0] =	vst v1  }
0x6d: {  	v1 =	vld [tilespmem:s24+$0x30];
	_ =	sdelay $0x4  }
0x6e: {  	v2 =	vshrl.u32 v1, $0xE;
	v1 =	vand.u32 $0x3FFF, v1  }
0x6f: {  	[tilespmem:$0x2830] =	vst v2  }
0x70: {  	[tilespmem:$0x28B0] =	vst v1  }
0x71: {  	v1 =	vld [tilespmem:s24+$0x40];
	_ =	sdelay $0x4  }
0x72: {  	v2 =	vshrl.u32 v1, $0xE;
	v1 =	vand.u32 $0x3FFF, v1  }
0x73: {  	[tilespmem:$0x2840] =	vst v2  }
0x74: {  	[tilespmem:$0x28C0] =	vst v1  }
0x75: {  	v1 =	vld [tilespmem:s24+$0x50];
	_ =	sdelay $0x4  }
0x76: {  	v2 =	vshrl.u32 v1, $0xE;
	v1 =	vand.u32 $0x3FFF, v1  }
0x77: {  	[tilespmem:$0x2850] =	vst v2  }
0x78: {  	[tilespmem:$0x28D0] =	vst v1  }
0x79: {  	v1 =	vld [tilespmem:s24+$0x60];
	_ =	sdelay $0x4  }
0x7a: {  	v2 =	vshrl.u32 v1, $0xE;
	v1 =	vand.u32 $0x3FFF, v1  }
0x7b: {  	[tilespmem:$0x2860] =	vst v2  }
0x7c: {  	[tilespmem:$0x28E0] =	vst v1  }
0x7d: {  	v1 =	vld [tilespmem:s24+$0x70];
	_ =	sdelay $0x1  }
.Ltmp1:
0x7e: {  	(pc) =	sbr.rel @p0 .LBB2_4-.Ltmp1, $3  }
0x7f: {  	_ =	sdelay $0x1  }
0x80: {  	v2 =	vshrl.u32 v1, $0xE;
	v1 =	vand.u32 $0x3FFF, v1  }
0x81: {  	[tilespmem:$0x2870] =	vst v2  }
0x82: {  	[tilespmem:$0x28F0] =	vst v1  }
0x83: {  	[tilespmem:s14], [sflag:$0x1] =	stream.indirect.gather [hbm4b:s4+s15], $0x80, s16, s15, $0xb8;
	[tilespmem:$0x1E900] =	vst v63  }
0x84: {  	_ =	swait.ge [sflag:s17], $0x4000  }
0x85: {  	[sflag:s17] =	ssyncset.done $0x0  }
0x86: {  	[sflag:s17] =	ssyncadd.s32 $0xFFFFC000  }
0x87: {  	[spmem:s2] =	stream.indirect.scatter.add.f32 [tilespmem:s14], [sflag:$0x2], $0x80, s18, s15, $0xb8;
	[tilespmem:$0x1E900] =	vst v63  }
0x88: {  	_ =	swait.ge [sflag:s19], $0x4000  }
0x89: {  	s22 =	sadd.s32 $0x1, s22;
	[sflag:s19] =	ssyncset.done $0x0  }
0x8a: {  	p0 =	sne.s32 s22, s12;
	[sflag:s19] =	ssyncadd.s32 $0xFFFFC000  }
.Ltmp2:
0x8b: {  	[bflag:$0x0] =	sbarrier.arrive $0xFFFF;
	(pc) =	sbr.rel @p0 .LBB2_1-.Ltmp2, $4  }
0x8c: {  	[hbm:s11], [sflag:s20] =	dma.local [spmem:s21], $0x2800  }
0x8d: {  	_ =	swait.ge [sflag:s13], $0x2800  }
0x8e: {  	[sflag:s13] =	ssyncset.done $0x0  }
0x8f: {  	[sflag:s13] =	ssyncadd.s32 $0xFFFFD800  }
0x90: {  	_ =	sfence.sel $0x180000  }
0x91: {  	[bflag:$0x0] =	sbarrier.arrive $0xFFFF  }
0x92: {  	p0 =	sne.s32 s0, $0x0;
	_ =	strace $0x9000004D  }
0x93: {  	s0 =	sadd.s32 @!p0 $0x100000, s1;
	[bflag:$0x2] =	sbarrier.arrive $0xFFFF  }
0x94: {  	[sflag:s0] =	ssyncadd.tile.s32 @!p0 $0x1;
	_ =	shalt  }
.Lfunc_end2:
_tile_overlayer_lowered:
.L_overlay_start_2:
0x95: {  	(tag) =	ssettag $0x2  }
0x96: {  	s0 =	rddreg [dreg:$0x0];
	s2 =	stileid.u32  }
0x97: {  	s1 =	rddreg [dreg:$0x1];
	p0 =	sne.s32 s2, $0x0  }
0x98: {  	s3 =	rddreg [dreg:$0x2];
	[bflag:$0x3] =	sbarrier.arrive $0xFFFF;
	s2 =	simm.s32 @!p0 $0x1C03  }
0x99: {  	[timem:s3], [sflag:s2] =	dma.local @!p0 [hbm:s0], s1  }
0x9a: {  	s0 =	simm.s32 @!p0 $0x3  }
0x9b: {  	_ =	swait.ge @!p0 [sflag:s0], s1  }
0x9c: {  	s1 =	ssub.s32 @!p0 $0x0, s1;
	[sflag:s0] =	ssyncset.done @!p0 $0x0  }
0x9d: {  	[sflag:s0] =	ssyncadd.s32 @!p0 s1  }
0x9e: {  	[bflag:$0x3] =	sbarrier.arrive $0xFFFF  }
0x9f: {  	_ =	shalt  }

// kernel: kernel.19.cloned.1.call-start
scs
__scs_entry_jumppad:
0x0: {  	(pc) =	sbr.rel $0x88, $3  }
0x1: {  	(tag) =	ssettag $0x0;
	lr =	simm.s32 $0x1  }
0x2: {  	[smem:$0x3F94] =	sst lr;
	_ =	strace $0xD0000000  }
0x3: {  	_ = 	snop  }
0x4: {  	_ = 	snop  }
0x5: {  	_ = 	snop  }
0x6: {  	_ = 	snop  }
0x7: {  	_ = 	snop  }
__scs_overlays_trampoline_lowered:
0x8: {  	[smem:$0x3FA3] =	sst s0  }
0x9: {  	[smem:$0x3FA4] =	sst s1  }
0xa: {  	[smem:$0x3FA5] =	sst s2  }
0xb: {  	[smem:$0x3FA6] =	sst s3  }
0xc: {  	[smem:$0x3FA7] =	sst s4  }
0xd: {  	[smem:$0x3FA8] =	sst s5  }
0xe: {  	[smem:$0x3FA9] =	sst s6  }
0xf: {  	[smem:$0x3FAA] =	sst s7  }
0x10: {  	[smem:$0x3FAB] =	sst s8  }
0x11: {  	[smem:$0x3FAC] =	sst s9;
	s0 =	simm.s32 @!p0 $0x0  }
0x12: {  	s1 =	sld [smem:$0x3F92];
	s0 =	simm.s32 @p0 $0x1  }
0x13: {  	[smem:$0x3FAD] =	sst s0;
	s0 =	simm.s32 @!p1 $0x0  }
0x14: {  	s2 =	sld [smem:$0x3F91];
	s0 =	simm.s32 @p1 $0x1  }
0x15: {  	[smem:$0x3FAE] =	sst s0;
	s0 =	simm.s32 @!p2 $0x0  }
0x16: {  	s3 =	sld [smem:$0x3FDB];
	s0 =	simm.s32 @p2 $0x1  }
0x17: {  	s4 =	simm.s32 $0x1BF5;
	[smem:$0x3FB0] =	sst s0  }
0x18: {  	s0 =	sld [smem:$0x3F93];
	_ =	swait.ge [sflag:s4], $0x0  }
0x19: {  	s7 =	sld [smem:$0x3F94]  }
0x1a: {  	s8 =	sadd.s32 $0xFFFFE003, lr  }
0x1b: {  	s9 =	sadd.s32 $0xFFFFFEF7, lr;
	s5 =	simm.s32 $0xFFFFFFFF;
	p2 =	slt.u32 s8, $0xFFFFF086  }
0x1c: {  	p1 =	slt.u32 s9, $0xF7A;
	s5 =	simm.s32 @!p2 $0x0  }
0x1d: {  	s5 =	simm.s32 @p1 $0x1;
	p0 =	seq.s32 s7, s2  }
0x1e: {  	s7 =	smul.u32 @!p0 $0xF7A, s2;
	p2 =	seq.s32 @!p0 s5, $0x0  }
0x1f: {  	s9 =	smul.u32 $0xF7A, s1;
	s8 =	simm.s32 @!p0 $0x1BF5;
	p2 =	por !p2, p0  }
0x20: {  	[sflag:s8] =	ssyncset.s32 @!p0 $0xFFFFF086;
	s6 =	sadd.s32 @!p0 s3, s7;
	s7 =	simm.s32 @!p0 $0x108  }
0x21: {  	s3 =	sadd.s32 s3, s9;
	s6 =	sadd.s32 @!p0 $0x88, s6;
	s7 =	simm.s32 @p2 $0x1082  }
0x22: {  	[simem:s7], [sflag:s8] =	dma.local @!p0 [hbm:s6], $0xF7A  }
0x23: {  	s9 =	sor.u32 $0xD0000000, s2;
	s6 =	simm.s32 $0x108;
	_ =	swait.ge @!p0 [sflag:s8], $0x0  }
0x24: {  	s3 =	sadd.s32 $0x88, s3;
	s6 =	simm.s32 @!p1 $0x1082;
	[sflag:s4] =	ssyncset.s32 $0xFFFFF086  }
0x25: {  	[simem:s6], [sflag:s4] =	dma.local [hbm:s3], $0xF7A  }
0x26: {  	[smem:$0x3F94] =	sst s1;
	(tag) =	ssettag s2;
	_ =	strace s9  }
0x27: {  	s1 =	sld [smem:$0x3FA4]  }
0x28: {  	s2 =	sld [smem:$0x3FA5]  }
0x29: {  	s4 =	sld [smem:$0x3FA7]  }
0x2a: {  	p0 =	seq.s32 s5, $0x0;
	s5 =	sld [smem:$0x3FA8]  }
0x2b: {  	s6 =	sld [smem:$0x3FA9]  }
0x2c: {  	s7 =	sld [smem:$0x3FAA]  }
0x2d: {  	s3 =	simm.s32 $0x108;
	s8 =	sld [smem:$0x3FAB]  }
0x2e: {  	s3 =	simm.s32 @!p0 $0x1082;
	s9 =	sld [smem:$0x3FAC]  }
0x2f: {  	lr =	sadd.s32 s0, s3;
	s0 =	sld [smem:$0x3FA3]  }
0x30: {  	s3 =	sld [smem:$0x3FA6]  }
0x31: {  	[smem:$0x3FAF] =	sst s10  }
0x32: {  	s10 =	sld [smem:$0x3FAD];
	_ =	sdelay $0x3  }
0x33: {  	p0 =	seq.s32 s10, $0x1;
	s10 =	sld [smem:$0x3FAF];
	_ =	sdelay $0x3  }
0x34: {  	[smem:$0x3FAF] =	sst s10  }
0x35: {  	s10 =	sld [smem:$0x3FAE];
	_ =	sdelay $0x3  }
0x36: {  	p1 =	seq.s32 s10, $0x1;
	s10 =	sld [smem:$0x3FAF];
	_ =	sdelay $0x3  }
0x37: {  	[smem:$0x3FAF] =	sst s10  }
0x38: {  	s10 =	sld [smem:$0x3FB0]  }
0x39: {  	_ = 	snop;
	(pc) =	sbr.ind lr, $3  }
0x3a: {  	_ = 	snop  }
0x3b: {  	_ = 	snop  }
0x3c: {  	p2 =	seq.s32 s10, $0x1;
	s10 =	sld [smem:$0x3FAF]  }
0x3d: {  	_ =	shalt  }
0x3e: {  	_ =	shalt  }
0x3f: {  	_ =	shalt  }
0x40: {  	_ =	shalt  }
0x41: {  	_ =	shalt  }
0x42: {  	_ =	shalt  }
0x43: {  	_ =	shalt  }
0x44: {  	_ =	shalt  }
0x45: {  	_ =	shalt  }
0x46: {  	_ =	shalt  }
0x47: {  	_ =	shalt  }
0x48: {  	_ =	shalt  }
0x49: {  	_ =	shalt  }
0x4a: {  	_ =	shalt  }
0x4b: {  	_ =	shalt  }
0x4c: {  	_ =	shalt  }
0x4d: {  	_ =	shalt  }
0x4e: {  	_ =	shalt  }
0x4f: {  	_ =	shalt  }
0x50: {  	_ =	shalt  }
0x51: {  	_ =	shalt  }
0x52: {  	_ =	shalt  }
0x53: {  	_ =	shalt  }
0x54: {  	_ =	shalt  }
0x55: {  	_ =	shalt  }
0x56: {  	_ =	shalt  }
0x57: {  	_ =	shalt  }
0x58: {  	_ =	shalt  }
0x59: {  	_ =	shalt  }
0x5a: {  	_ =	shalt  }
0x5b: {  	_ =	shalt  }
0x5c: {  	_ =	shalt  }
0x5d: {  	_ =	shalt  }
0x5e: {  	_ =	shalt  }
0x5f: {  	_ =	shalt  }
0x60: {  	_ =	shalt  }
0x61: {  	_ =	shalt  }
0x62: {  	_ =	shalt  }
0x63: {  	_ =	shalt  }
0x64: {  	_ =	shalt  }
0x65: {  	_ =	shalt  }
0x66: {  	_ =	shalt  }
0x67: {  	_ =	shalt  }
0x68: {  	_ =	shalt  }
0x69: {  	_ =	shalt  }
0x6a: {  	_ =	shalt  }
0x6b: {  	_ =	shalt  }
0x6c: {  	_ =	shalt  }
0x6d: {  	_ =	shalt  }
0x6e: {  	_ =	shalt  }
0x6f: {  	_ =	shalt  }
0x70: {  	_ =	shalt  }
0x71: {  	_ =	shalt  }
0x72: {  	_ =	shalt  }
0x73: {  	_ =	shalt  }
0x74: {  	_ =	shalt  }
0x75: {  	_ =	shalt  }
0x76: {  	_ =	shalt  }
0x77: {  	_ =	shalt  }
0x78: {  	_ =	shalt  }
0x79: {  	_ =	shalt  }
0x7a: {  	_ =	shalt  }
0x7b: {  	_ =	shalt  }
0x7c: {  	_ =	shalt  }
0x7d: {  	_ =	shalt  }
0x7e: {  	_ =	shalt  }
0x7f: {  	_ =	shalt  }
0x80: {  	_ =	shalt  }
0x81: {  	_ =	shalt  }
0x82: {  	_ =	shalt  }
0x83: {  	_ =	shalt  }
0x84: {  	_ =	shalt  }
0x85: {  	_ =	shalt  }
0x86: {  	_ =	shalt  }
0x87: {  	_ =	shalt  }
.Lfunc_end0:
.L_simem_size_0:
called_computation.3_lowered:
.L_overlay_start_0:
0x88: {  	s2 =	sld [smem:$0x3FD9]  }
0x89: {  	s3 =	sld [smem:$0x3FFE];
	_ =	sdelay $0x1  }
0x8a: {  	s1 =	srdreg.scid  }
0x8b: {  	s0 =	sand.u32 $0x1, s1  }
0x8c: {  	s16 =	sshll.u32 s0, $0xA;
	s2 =	sadd.s32 s3, s2  }
0x8d: {  	s2 =	sadd.s32 s2, s16  }
0x8e: {  	[smem:$0x3FBB] =	sst s2  }
0x8f: {  	_ = 	snop  }
0x90: {  	(tm) =	ssettm $0x1  }
0x91: {  	s17 =	sld [smem:$0x3FFB];
	_ =	sdelay $0x3  }
0x92: {  	_ =	strace s17  }
0x93: {  	s2 =	sld [smem:$0x3FFC];
	_ =	sdelay $0x3  }
0x94: {  	_ =	strace s2  }
0x95: {  	s2 =	sld [smem:$0x3FFD];
	_ =	sdelay $0x3  }
0x96: {  	_ =	strace s2  }
0x97: {  	_ =	strace $0x8FFFFFFF  }
0x98: {  	s18 =	sld [smem:$0x3FDB];
	_ =	sdelay $0x1  }
0x99: {  	s19 =	simm.s32 $_scs_section_size  }
0x9a: {  	s4 =	simm.s32 $_size__tile_overlayer_lowered;
	s5 =	simm.s32 $_tile_overlayer_lowered  }
0x9b: {  	s22 =	simm.s32 $0x1BFF;
	s21 =	sshll.u32 s5, $0x1;
	s2 =	sadd.s32 s19, s18  }
0x9c: {  	s6 =	simm.s32 $0x0;
	s20 =	sshll.u32 s4, $0x1;
	s4 =	sadd.s32 s21, s2  }
0x9d: {  	[timem:s6], [sflag:s22] =	dma.local [hbm:s4], s20  }
0x9e: {  	_ =	swait.ge [sflag:s22], s20  }
0x9f: {  	s3 =	ssub.s32 $0x0, s20;
	[sflag:s22] =	ssyncset.done $0x0  }
0xa0: {  	[sflag:s22] =	ssyncadd.s32 s3;
	_ =	sdelay $0x1  }
0xa1: {  	s23 =	simm.s32 $0x1B8B  }
0xa2: {  	_ =	swait.ge [sflag:s23], $0x1  }
0xa3: {  	[sflag:s23] =	ssyncset.done $0x0  }
0xa4: {  	s25 =	simm.s32 $0x1B8E;
	s24 =	sld [smem:$0x3FFE];
	[sflag:s23] =	ssyncadd.s32 $0xFFFFFFFF  }
0xa5: {  	s26 =	simm.s32 $execute0_lowered;
	[smem:$0x3FD2] =	sst s25  }
0xa6: {  	s4 =	sshll.u32 s26, $0x1;
	_ =	strace $0x8000004F;
	[dreg:$0x1] =	wrdreg $0xFFFFFFFF  }
0xa7: {  	s28 =	simm.s32 $_size_execute0_lowered;
	s2 =	sadd.s32 s2, s4;
	[dreg:$0x0] =	wrdreg $0x0  }
0xa8: {  	s4 =	sshll.u32 s28, $0x1;
	[dreg:$0x2] =	wrdreg s2  }
0xa9: {  	[dreg:$0x3] =	wrdreg s4  }
0xaa: {  	[dreg:$0x4] =	wrdreg $0xC0  }
0xab: {  	_ =	task [dreg:s6], $0x5FFFF  }
0xac: {  	[dreg:$0x1] =	wrdreg $0xFFFFFFFF  }
0xad: {  	[dreg:$0x0] =	wrdreg $0x60  }
0xae: {  	[dreg:$0x2] =	wrdreg s24  }
0xaf: {  	[dreg:$0x3] =	wrdreg $0xA9000  }
0xb0: {  	[dreg:$0x4] =	wrdreg $0x9  }
0xb1: {  	_ =	task.clear_ibuf [dreg:s6], $0x5FFFF;
	_ =	strace $0x9000004F  }
0xb2: {  	s29 =	simm.s32 $0x9;
	_ =	strace $0x80000051  }
0xb3: {  	_ =	swait.ge [sflag:s29], $0x1  }
0xb4: {  	[sflag:s29] =	ssyncadd.s32 $0xFFFFFFFF  }
0xb5: {  	_ =	strace $0x90000051  }
0xb6: {  	_ =	sfence  }
0xb7: {  	s30 =	sld [smem:$0x0];
	_ =	sdelay $0x2  }
0xb8: {  	s31 =	sshll.u32 s1, $0xD;
	s1 =	sshrl.u32 s1, $0x2  }
0xb9: {  	s3 =	sand.u32 $0x4000, s31;
	s1 =	sadd.s32 s1, s30  }
0xba: {  	s0 =	sor.u32 s3, s0;
	s1 =	sshll.u32 s1, $0x11  }
0xbb: {  	s0 =	sor.u32 s1, s0  }
0xbc: {  	s0 =	sadd.s32 $0x8F2B, s0  }
0xbd: {  	[sflag:s0] =	ssyncadd.remote.s32 $0x1  }
0xbe: {  	_ =	sfence.sel $0xFFFF  }
0xbf: {  	[dreg:$0x0] =	wrdreg $0xFFFFFFFF;
	(pc) =	sbr.abs _section_cstart, $3  }
0xc0: {  	[dreg:$0x1] =	wrdreg $0xFFFFFFFF  }
0xc1: {  	_ =	task.clear_ibuf [dreg:s6], $0x2FFFF;
	_ =	strace $0x9FFFFFFF  }
0xc2: {  	(tm) =	ssettm $0x7FFFFFFF  }
0xc3: {  	_ =	shalt  }
tec
execute0_lowered:
.L_overlay_start_1:
0x0: {  	(tag) =	ssettag $0x1  }
0x1: {  	s6 =	rddreg [dreg:$0x0]  }
0x2: {  	s0 =	srdreg.scid;
	s2 =	rddreg [dreg:$0x1]  }
0x3: {  	s3 =	simm.s32 $0x0;
	s13 =	simm.s32 $0x3;
	s14 =	simm.s32 $0x2900  }
0x4: {  	s15 =	simm.s32 $0x80;
	s16 =	simm.s32 $0x2800;
	s17 =	simm.s32 $0x1  }
0x5: {  	s18 =	simm.s32 $0x2880;
	s5 =	sand.u32 $0x1, s0;
	s0 =	stileid.u32  }
0x6: {  	s19 =	simm.s32 $0x2;
	s22 =	simm.s32 $0x0;
	s8 =	smul.u32 $0x2800, s0  }
0x7: {  	[smem:$0x7FF] =	sst s3;
	s4 =	sadd.s32 $0xF800, s6;
	s9 =	smul.u32 $0x28000, s5  }
0x8: {  	s1 =	sshll.u32 s5, $0x4;
	s10 =	smul.u32 $0x50000, s0;
	s5 =	ssub.s32 $0x2, s5  }
0x9: {  	s20 =	sshll.u32 s0, $0x6;
	s1 =	sor.u32 s0, s1;
	s31 =	sshrl.u32 s5, $0x1  }
0xa: {  	s20 =	sor.u32 $0x1C03, s20;
	s7 =	smul.u32 $0x500, s1;
	s1 =	rddreg [dreg:$0x2]  }
0xb: {  	_ =	strace $0x80000050;
	s8 =	sadd.s32 s8, s9;
	s10 =	sshrl.u32 s10, $0x2  }
0xc: {  	s12 =	ssub.s32 s5, s31;
	s11 =	sadd.s32 s8, s6;
	s5 =	sadd.s32 s10, s2  }
0xd: {  	s12 =	smax.u32 s12, $0x1;
	s7 =	sadd.s32 s7, s6;
	s8 =	sadd.s32 $0x8000, s5  }
0xe: {  	s9 =	sadd.s32 $0xC000, s5;
	s10 =	sadd.s32 $0x10000, s5;
	s11 =	sadd.s32 $0x5F800, s11  }
0xf: {  	v0 =	vimm.f32 $0.0e+00;
	s21 =	sshrl.u32 s5, $0x3;
	s6 =	sadd.s32 $0x5800, s7;
	s7 =	sadd.s32 $0x4000, s5  }
.LBB2_1:
0x10: {  	[tilespmem:s3], [sflag:$0x3] =	stream.linear.gather [hbm4b:s6+s3], $0x2800, $0x38;
	[tilespmem:$0x1E900] =	vst v63  }
0x11: {  	_ =	swait.ge [sflag:s13], $0x2800  }
0x12: {  	[sflag:s13] =	ssyncset.done $0x0  }
0x13: {  	s23 =	simm.s32 $0x0;
	s24 =	simm.s32 $0x200;
	[sflag:s13] =	ssyncadd.s32 $0xFFFFD800  }
.LBB2_2:
0x14: {  	p0 =	sne.s32 s24, $0xFE00;
	[tilespmem:s23+$0x2970] =	vst v0  }
0x15: {  	[tilespmem:s23+$0x2900] =	vst v0  }
0x16: {  	[tilespmem:s23+$0x2910] =	vst v0  }
.Ltmp0:
0x17: {  	[tilespmem:s23+$0x2920] =	vst v0;
	(pc) =	sbr.rel @p0 .LBB2_2-.Ltmp0, $4  }
0x18: {  	[tilespmem:s23+$0x2930] =	vst v0  }
0x19: {  	[tilespmem:s23+$0x2940] =	vst v0  }
0x1a: {  	[tilespmem:s23+$0x2950] =	vst v0  }
0x1b: {  	[tilespmem:s23+$0x2960] =	vst v0;
	s23 =	sshra.s32 s24, $0x2;
	s24 =	sadd.s32 $0x200, s24  }
0x1c: {  	[tilespmem:s23+$0x2970] =	vst v0  }
0x1d: {  	[tilespmem:s23+$0x2900] =	vst v0  }
0x1e: {  	[tilespmem:s23+$0x2910] =	vst v0  }
0x1f: {  	[tilespmem:s23+$0x2920] =	vst v0  }
0x20: {  	[tilespmem:s23+$0x2930] =	vst v0  }
0x21: {  	[tilespmem:s23+$0x2940] =	vst v0  }
0x22: {  	[tilespmem:s23+$0x2950] =	vst v0  }
0x23: {  	[tilespmem:s23+$0x2960] =	vst v0  }
0x24: {  	[spmem:s5] =	stream.linear.scatter [tilespmem:s14], [sflag:$0x3], $0x4000, $0x38;
	[tilespmem:$0x1E900] =	vst v63  }
0x25: {  	_ =	swait.ge [sflag:s13], $0x4000  }
0x26: {  	[sflag:s13] =	ssyncset.done $0x0  }
0x27: {  	[sflag:s13] =	ssyncadd.s32 $0xFFFFC000  }
0x28: {  	[spmem:s7] =	stream.linear.scatter [tilespmem:s14], [sflag:$0x3], $0x4000, $0x38;
	[tilespmem:$0x1E900] =	vst v63  }
0x29: {  	_ =	swait.ge [sflag:s13], $0x4000  }
0x2a: {  	[sflag:s13] =	ssyncset.done $0x0  }
0x2b: {  	[sflag:s13] =	ssyncadd.s32 $0xFFFFC000  }
0x2c: {  	[spmem:s8] =	stream.linear.scatter [tilespmem:s14], [sflag:$0x3], $0x4000, $0x38;
	[tilespmem:$0x1E900] =	vst v63  }
0x2d: {  	_ =	swait.ge [sflag:s13], $0x4000  }
0x2e: {  	[sflag:s13] =	ssyncset.done $0x0  }
0x2f: {  	[sflag:s13] =	ssyncadd.s32 $0xFFFFC000  }
0x30: {  	[spmem:s9] =	stream.linear.scatter [tilespmem:s14], [sflag:$0x3], $0x4000, $0x38;
	[tilespmem:$0x1E900] =	vst v63  }
0x31: {  	_ =	swait.ge [sflag:s13], $0x4000  }
0x32: {  	[sflag:s13] =	ssyncset.done $0x0  }
0x33: {  	[sflag:s13] =	ssyncadd.s32 $0xFFFFC000  }
0x34: {  	[spmem:s10] =	stream.linear.scatter [tilespmem:s14], [sflag:$0x3], $0x4000, $0x38;
	[tilespmem:$0x1E900] =	vst v63  }
0x35: {  	_ =	swait.ge [sflag:s13], $0x4000  }
0x36: {  	[sflag:s13] =	ssyncset.done $0x0  }
0x37: {  	[sflag:s13] =	ssyncadd.s32 $0xFFFFC000  }
0x38: {  	s31 =	simm.s32 $0x0;
	[bflag:$0x0] =	sbarrier.arrive $0xFFFF  }
0x39: {  	v1 =	vld [tilespmem:s31+$0x0];
	_ =	sdelay $0x4  }
0x3a: {  	v2 =	vshrl.u32 v1, $0xE  }
0x3b: {  	v1 =	vand.u32 $0x3FFF, v1;
	[tilespmem:$0x2800] =	vst v2  }
0x3c: {  	[tilespmem:$0x2880] =	vst v1  }
0x3d: {  	v1 =	vld [tilespmem:s31+$0x10];
	_ =	sdelay $0x4  }
0x3e: {  	v2 =	vshrl.u32 v1, $0xE  }
0x3f: {  	v1 =	vand.u32 $0x3FFF, v1;
	[tilespmem:$0x2810] =	vst v2  }
0x40: {  	[tilespmem:$0x2890] =	vst v1  }
0x41: {  	v1 =	vld [tilespmem:s31+$0x20];
	_ =	sdelay $0x4  }
0x42: {  	v2 =	vshrl.u32 v1, $0xE  }
0x43: {  	v1 =	vand.u32 $0x3FFF, v1;
	[tilespmem:$0x2820] =	vst v2  }
0x44: {  	[tilespmem:$0x28A0] =	vst v1  }
0x45: {  	v1 =	vld [tilespmem:s31+$0x30];
	_ =	sdelay $0x4  }
0x46: {  	v2 =	vshrl.u32 v1, $0xE  }
0x47: {  	v1 =	vand.u32 $0x3FFF, v1;
	[tilespmem:$0x2830] =	vst v2  }
0x48: {  	[tilespmem:$0x28B0] =	vst v1  }
0x49: {  	v1 =	vld [tilespmem:s31+$0x40];
	_ =	sdelay $0x4  }
0x4a: {  	v2 =	vshrl.u32 v1, $0xE  }
0x4b: {  	v1 =	vand.u32 $0x3FFF, v1;
	[tilespmem:$0x2840] =	vst v2  }
0x4c: {  	[tilespmem:$0x28C0] =	vst v1  }
0x4d: {  	v1 =	vld [tilespmem:s31+$0x50];
	_ =	sdelay $0x4  }
0x4e: {  	v2 =	vshrl.u32 v1, $0xE  }
0x4f: {  	v1 =	vand.u32 $0x3FFF, v1;
	[tilespmem:$0x2850] =	vst v2  }
0x50: {  	[tilespmem:$0x28D0] =	vst v1  }
0x51: {  	v1 =	vld [tilespmem:s31+$0x60];
	_ =	sdelay $0x4  }
0x52: {  	v2 =	vshrl.u32 v1, $0xE  }
0x53: {  	v1 =	vand.u32 $0x3FFF, v1;
	[tilespmem:$0x2860] =	vst v2  }
0x54: {  	[tilespmem:$0x28E0] =	vst v1  }
0x55: {  	v1 =	vld [tilespmem:s31+$0x70];
	_ =	sdelay $0x4  }
0x56: {  	v2 =	vshrl.u32 v1, $0xE  }
0x57: {  	s23 =	simm.s32 $0x200;
	v1 =	vand.u32 $0x3FFF, v1;
	[tilespmem:$0x2870] =	vst v2  }
.LBB2_4:
0x58: {  	p0 =	sne.s32 s23, $0x9E00;
	[tilespmem:$0x28F0] =	vst v1;
	s24 =	smov.u32 s23;
	s23 =	sadd.s32 $0x200, s23  }
0x59: {  	[tilespmem:s14], [sflag:$0x1] =	stream.indirect.gather [hbm4b:s4+s15], $0x80, s16, s15, $0xb8;
	[tilespmem:$0x1E900] =	vst v63  }
0x5a: {  	_ =	swait.ge [sflag:s17], $0x4000  }
0x5b: {  	[sflag:s17] =	ssyncset.done $0x0  }
0x5c: {  	[sflag:s17] =	ssyncadd.s32 $0xFFFFC000  }
0x5d: {  	[spmem:s2] =	stream.indirect.scatter.add.f32 [tilespmem:s14], [sflag:$0x2], $0x80, s18, s15, $0xb8;
	[tilespmem:$0x1E900] =	vst v63  }
0x5e: {  	_ =	swait.ge [sflag:s19], $0x4000  }
0x5f: {  	[sflag:s19] =	ssyncset.done $0x0  }
0x60: {  	s24 =	sshra.s32 s24, $0x2;
	[sflag:s19] =	ssyncadd.s32 $0xFFFFC000  }
0x61: {  	v1 =	vld [tilespmem:s24+$0x0];
	_ =	sdelay $0x4  }
0x62: {  	v2 =	vshrl.u32 v1, $0xE;
	v1 =	vand.u32 $0x3FFF, v1  }
0x63: {  	[tilespmem:$0x2800] =	vst v2  }
0x64: {  	[tilespmem:$0x2880] =	vst v1  }
0x65: {  	v1 =	vld [tilespmem:s24+$0x10];
	_ =	sdelay $0x4  }
0x66: {  	v2 =	vshrl.u32 v1, $0xE;
	v1 =	vand.u32 $0x3FFF, v1  }
0x67: {  	[tilespmem:$0x2810] =	vst v2  }
0x68: {  	[tilespmem:$0x2890] =	vst v1  }
0x69: {  	v1 =	vld [tilespmem:s24+$0x20];
	_ =	sdelay $0x4  }
0x6a: {  	v2 =	vshrl.u32 v1, $0xE;
	v1 =	vand.u32 $0x3FFF, v1  }
0x6b: {  	[tilespmem:$0x2820] =	vst v2  }
0x6c: {  	[tilespmem:$0x28A0] =	vst v1  }
0x6d: {  	v1 =	vld [tilespmem:s24+$0x30];
	_ =	sdelay $0x4  }
0x6e: {  	v2 =	vshrl.u32 v1, $0xE;
	v1 =	vand.u32 $0x3FFF, v1  }
0x6f: {  	[tilespmem:$0x2830] =	vst v2  }
0x70: {  	[tilespmem:$0x28B0] =	vst v1  }
0x71: {  	v1 =	vld [tilespmem:s24+$0x40];
	_ =	sdelay $0x4  }
0x72: {  	v2 =	vshrl.u32 v1, $0xE;
	v1 =	vand.u32 $0x3FFF, v1  }
0x73: {  	[tilespmem:$0x2840] =	vst v2  }
0x74: {  	[tilespmem:$0x28C0] =	vst v1  }
0x75: {  	v1 =	vld [tilespmem:s24+$0x50];
	_ =	sdelay $0x4  }
0x76: {  	v2 =	vshrl.u32 v1, $0xE;
	v1 =	vand.u32 $0x3FFF, v1  }
0x77: {  	[tilespmem:$0x2850] =	vst v2  }
0x78: {  	[tilespmem:$0x28D0] =	vst v1  }
0x79: {  	v1 =	vld [tilespmem:s24+$0x60];
	_ =	sdelay $0x4  }
0x7a: {  	v2 =	vshrl.u32 v1, $0xE;
	v1 =	vand.u32 $0x3FFF, v1  }
0x7b: {  	[tilespmem:$0x2860] =	vst v2  }
0x7c: {  	[tilespmem:$0x28E0] =	vst v1  }
0x7d: {  	v1 =	vld [tilespmem:s24+$0x70];
	_ =	sdelay $0x1  }
.Ltmp1:
0x7e: {  	(pc) =	sbr.rel @p0 .LBB2_4-.Ltmp1, $3  }
0x7f: {  	_ =	sdelay $0x1  }
0x80: {  	v2 =	vshrl.u32 v1, $0xE;
	v1 =	vand.u32 $0x3FFF, v1  }
0x81: {  	[tilespmem:$0x2870] =	vst v2  }
0x82: {  	[tilespmem:$0x28F0] =	vst v1  }
0x83: {  	[tilespmem:s14], [sflag:$0x1] =	stream.indirect.gather [hbm4b:s4+s15], $0x80, s16, s15, $0xb8;
	[tilespmem:$0x1E900] =	vst v63  }
0x84: {  	_ =	swait.ge [sflag:s17], $0x4000  }
0x85: {  	[sflag:s17] =	ssyncset.done $0x0  }
0x86: {  	[sflag:s17] =	ssyncadd.s32 $0xFFFFC000  }
0x87: {  	[spmem:s2] =	stream.indirect.scatter.add.f32 [tilespmem:s14], [sflag:$0x2], $0x80, s18, s15, $0xb8;
	[tilespmem:$0x1E900] =	vst v63  }
0x88: {  	_ =	swait.ge [sflag:s19], $0x4000  }
0x89: {  	s22 =	sadd.s32 $0x1, s22;
	[sflag:s19] =	ssyncset.done $0x0  }
0x8a: {  	p0 =	sne.s32 s22, s12;
	[sflag:s19] =	ssyncadd.s32 $0xFFFFC000  }
.Ltmp2:
0x8b: {  	[bflag:$0x0] =	sbarrier.arrive $0xFFFF;
	(pc) =	sbr.rel @p0 .LBB2_1-.Ltmp2, $4  }
0x8c: {  	[hbm:s11], [sflag:s20] =	dma.local [spmem:s21], $0x2800  }
0x8d: {  	_ =	swait.ge [sflag:s13], $0x2800  }
0x8e: {  	[sflag:s13] =	ssyncset.done $0x0  }
0x8f: {  	[sflag:s13] =	ssyncadd.s32 $0xFFFFD800  }
0x90: {  	_ =	sfence.sel $0x180000  }
0x91: {  	[bflag:$0x0] =	sbarrier.arrive $0xFFFF  }
0x92: {  	p0 =	sne.s32 s0, $0x0;
	_ =	strace $0x90000050  }
0x93: {  	s0 =	sadd.s32 @!p0 $0x100000, s1;
	[bflag:$0x2] =	sbarrier.arrive $0xFFFF  }
0x94: {  	[sflag:s0] =	ssyncadd.tile.s32 @!p0 $0x1;
	_ =	shalt  }
.Lfunc_end2:
_tile_overlayer_lowered:
.L_overlay_start_2:
0x95: {  	(tag) =	ssettag $0x2  }
0x96: {  	s0 =	rddreg [dreg:$0x0];
	s2 =	stileid.u32  }
0x97: {  	s1 =	rddreg [dreg:$0x1];
	p0 =	sne.s32 s2, $0x0  }
0x98: {  	s3 =	rddreg [dreg:$0x2];
	[bflag:$0x3] =	sbarrier.arrive $0xFFFF;
	s2 =	simm.s32 @!p0 $0x1C03  }
0x99: {  	[timem:s3], [sflag:s2] =	dma.local @!p0 [hbm:s0], s1  }
0x9a: {  	s0 =	simm.s32 @!p0 $0x3  }
0x9b: {  	_ =	swait.ge @!p0 [sflag:s0], s1  }
0x9c: {  	s1 =	ssub.s32 @!p0 $0x0, s1;
	[sflag:s0] =	ssyncset.done @!p0 $0x0  }
0x9d: {  	[sflag:s0] =	ssyncadd.s32 @!p0 s1  }
0x9e: {  	[bflag:$0x3] =	sbarrier.arrive $0xFFFF  }
0x9f: {  	_ =	shalt  }

</sc_bundles>
